<compile_context>
chip_gen: v7x
topology: tpu7x:2x2x1
jax: 0.10.2.dev20260603
libtpu: 0.0.44.dev20260713+nightly
codegen_flags: <defaults>
</compile_context>

<pallas_src>
import functools

import jax
import jax.numpy as jnp
from jax import lax
from jax.experimental import pallas as pl
from jax.experimental.pallas import tpu as pltpu
from jax.experimental.pallas import tpu_sc as plsc

_BATCH = 4096
_MAXLEN = 200
_DIM = 64
_R = (_MAXLEN * _DIM) // 128
_NC = 2
_NS = 16
_NW = _NC * _NS
_SEQ_PER_W = _BATCH // _NW
_K = 2
_NB = 4
_NCHUNK = _SEQ_PER_W // _K
_SCALE = 8.0

_mesh = plsc.VectorSubcoreMesh(core_axis_name="c", subcore_axis_name="s")


@functools.partial(
    pl.kernel,
    mesh=_mesh,
    out_type=jax.ShapeDtypeStruct((_BATCH, _R, 128), jnp.float32),
    scratch_types=[
        pltpu.VMEM((_R, 128), jnp.float32),
        pltpu.VMEM((_NB, _K, _R, 128), jnp.float32),
        pltpu.SemaphoreType.DMA((_NB,)),
        pltpu.SemaphoreType.DMA((_NB,)),
    ],
)
def _sc_scaled_add(seqs_hbm, pos_hbm, out_hbm, pos_v, x_v, in_sem, out_sem):
    wid = lax.axis_index("c") * _NS + lax.axis_index("s")
    base = wid * _SEQ_PER_W
    pltpu.sync_copy(pos_hbm, pos_v)

    def load(g, b):
        pltpu.make_async_copy(
            seqs_hbm.at[pl.ds(base + g * _K, _K)], x_v.at[b], in_sem.at[b]
        ).start()

    def wait_load(g, b):
        pltpu.make_async_copy(
            seqs_hbm.at[pl.ds(base + g * _K, _K)], x_v.at[b], in_sem.at[b]
        ).wait()

    def store(g, b):
        pltpu.make_async_copy(
            x_v.at[b], out_hbm.at[pl.ds(base + g * _K, _K)], out_sem.at[b]
        ).start()

    def wait_store(g, b):
        pltpu.make_async_copy(
            x_v.at[b], out_hbm.at[pl.ds(base + g * _K, _K)], out_sem.at[b]
        ).wait()

    def compute(b):
        def row_body(r, c):
            for k in range(128 // 16):
                sl = pl.ds(k * 16, 16)
                p = pos_v[r, sl]
                for kk in range(_K):
                    x_v[b, kk, r, sl] = x_v[b, kk, r, sl] * _SCALE + p
            return c

        lax.fori_loop(0, _R, row_body, 0)

    load(0, 0)
    load(1, 1)

    def outer(g3, carry):
        for b in range(_NB):
            g = g3 * _NB + b
            bn = (b + 2) % _NB
            gn = g + 2

            @pl.when(gn < _NCHUNK)
            def _():
                @pl.when(gn >= _NB)
                def _():
                    wait_store(gn - _NB, bn)

                load(gn, bn)

            wait_load(g, b)
            compute(b)
            store(g, b)
        return carry

    lax.fori_loop(0, _NCHUNK // _NB, outer, 0)

    for g in range(_NCHUNK - _NB, _NCHUNK):
        wait_store(g, g % _NB)


def kernel(seqs, pos_emb):
    B, L, D = seqs.shape
    x = seqs.reshape(B, _R, 128)
    p = pos_emb.reshape(_R, 128)
    out = _sc_scaled_add(x, p)
    return out.reshape(B, L, D)

# --- scband reference (transcript-rebuilt; emitter-appended) ---
"""Pipeline reference for scband-learnable-positional-embedding-input-features-preprocessor-50500225466718 (READ-ONLY COPY).

The authoritative reference and input builder live on the scoring server;
editing this copy changes nothing except your own understanding.
"""

import jax, jax.numpy as jnp
import numpy as np

MAXLEN = 200
EMBED_DIM = 64
BATCH = 4096

def setup_inputs(seed: int = 0) -> dict:
    key = jax.random.key(seed)
    k1, k2 = jax.random.split(key)
    seqs = jax.random.normal(k1, (BATCH, MAXLEN, EMBED_DIM), dtype=jnp.float32)
    # truncated-normal-ish init for positional embedding table, std = sqrt(1/embedding_dim)
    std = float(np.sqrt(1.0 / EMBED_DIM))
    pos_emb = jax.random.truncated_normal(k2, -2.0, 2.0, (MAXLEN, EMBED_DIM), dtype=jnp.float32) * std
    return {"seqs": seqs, "pos_emb": pos_emb}

def reference(seqs, pos_emb):
    # positions buffer: [1, maxlen]
    positions = jnp.arange(MAXLEN, dtype=jnp.int32)[None, :]
    # embedding lookup -> [1, maxlen, embedding_dim]
    pos = jnp.take(pos_emb, positions, axis=0)
    out = seqs * (EMBED_DIM ** 0.5) + pos
    # dropout_rate = 0.0 -> identity (eval mode)
    return out

if __name__ == "__main__":
    import jax
    _d = setup_inputs()
    print(jax.jit(kernel)(*tuple(_d.values())))

</pallas_src>

<mosaic_0001>
#map = affine_map<(d0, d1) -> (0, 0, 0)>
#map1 = affine_map<(d0, d1) -> (0, 0)>
module attributes {stable_mosaic.version = 14 : i64} {
  func.func @_sc_scaled_add(%arg0: i32, %arg1: i32, %arg2: memref<4096x100x128xf32, #tpu.memory_space<hbm>>, %arg3: memref<100x128xf32, #tpu.memory_space<hbm>>, %arg4: memref<4096x100x128xf32, #tpu.memory_space<hbm>>, %arg5: memref<100x128xf32, #tpu.memory_space<vmem>>, %arg6: memref<4x2x100x128xf32, #tpu.memory_space<vmem>>, %arg7: memref<4x!tpu.dma_semaphore, #tpu.memory_space<semaphore_mem>>, %arg8: memref<4x!tpu.dma_semaphore, #tpu.memory_space<semaphore_mem>>) attributes {dimension_semantics = [#tpu.dimension_semantics<core_parallel>, #tpu.dimension_semantics<subcore_parallel>], iteration_bounds = array<i64: 2, 16>, scalar_prefetch = 0 : i64, scratch_operands = 4 : i64, tpu.core_type = #tpu.core_type<sc_vector_subcore>, window_params = [{transform_indices = #map}, {transform_indices = #map1}, {transform_indices = #map}]} {
    %mul3A = arith.constant 16 : i32
    %mul3A_0 = arith.muli %arg0, %mul3A : i32
    %add3A = arith.addi %mul3A_0, %arg1 : i32
    %mul3A_1 = arith.constant 128 : i32
    %mul3A_2 = arith.muli %add3A, %mul3A_1 : i32
    "tpu.region"() ({
      %run_scoped3A = tpu.sem_alloc : memref<!tpu.dma_semaphore, #tpu.memory_space<semaphore_mem>>
      tpu.enqueue_dma source(%arg3 : memref<100x128xf32, #tpu.memory_space<hbm>>) target(%arg5 : memref<100x128xf32, #tpu.memory_space<vmem>>) target_semaphore(%run_scoped3A : memref<!tpu.dma_semaphore, #tpu.memory_space<semaphore_mem>>)
      tpu.wait_dma2 semaphore(%run_scoped3A : memref<!tpu.dma_semaphore, #tpu.memory_space<semaphore_mem>>) src(%arg3 : memref<100x128xf32, #tpu.memory_space<hbm>>) dst(%arg5 : memref<100x128xf32, #tpu.memory_space<vmem>>)
      tpu.yield
    }) : () -> ()
    %add3A_3 = arith.constant 0 : i32
    %add3A_4 = arith.addi %mul3A_2, %add3A_3 : i32
    %dma_start3A = arith.constant 0 : i32
    %dma_start3A_5 = arith.constant 0 : i32
    %dma_start3A_6 = arith.constant 0 : i32
    %dma_start3A_7 = arith.constant 0 : i32
    %dma_start3A_8 = arith.constant 0 : i32
    %dma_start3A_9 = tpu.memref_slice %arg6[%dma_start3A, %dma_start3A_6, %dma_start3A_7, %dma_start3A_8] : memref<4x2x100x128xf32, #tpu.memory_space<vmem>> -> memref<1x2x100x128xf32, #tpu.memory_space<vmem>>
    %dma_start3A_10 = tpu.memref_squeeze %dma_start3A_9 : memref<1x2x100x128xf32, #tpu.memory_space<vmem>> -> memref<2x100x128xf32, #tpu.memory_space<vmem>>
    %dma_start3A_11 = arith.constant 0 : i32
    %dma_start3A_12 = arith.constant 0 : i32
    %dma_start3A_13 = tpu.memref_slice %arg2[%add3A_4, %dma_start3A_11, %dma_start3A_12] : memref<4096x100x128xf32, #tpu.memory_space<hbm>> -> memref<2x100x128xf32, #tpu.memory_space<hbm>>
    %dma_start3A_14 = tpu.memref_slice %arg7[%dma_start3A_5] : memref<4x!tpu.dma_semaphore, #tpu.memory_space<semaphore_mem>> -> memref<1x!tpu.dma_semaphore, #tpu.memory_space<semaphore_mem>>
    %dma_start3A_15 = tpu.memref_squeeze %dma_start3A_14 : memref<1x!tpu.dma_semaphore, #tpu.memory_space<semaphore_mem>> -> memref<!tpu.dma_semaphore, #tpu.memory_space<semaphore_mem>>
    %dma_start3A_16 = arith.constant 0 : i32
    %dma_start3A_17 = arith.constant 0 : i32
    %dma_start3A_18 = arith.constant 0 : i32
    %dma_start3A_19 = tpu.memref_slice %arg6[%dma_start3A, %dma_start3A_16, %dma_start3A_17, %dma_start3A_18] : memref<4x2x100x128xf32, #tpu.memory_space<vmem>> -> memref<1x2x100x128xf32, #tpu.memory_space<vmem>>
    %dma_start3A_20 = tpu.memref_squeeze %dma_start3A_19 : memref<1x2x100x128xf32, #tpu.memory_space<vmem>> -> memref<2x100x128xf32, #tpu.memory_space<vmem>>
    %dma_start3A_21 = arith.constant 0 : i32
    %dma_start3A_22 = arith.constant 0 : i32
    %dma_start3A_23 = tpu.memref_slice %arg2[%add3A_4, %dma_start3A_21, %dma_start3A_22] : memref<4096x100x128xf32, #tpu.memory_space<hbm>> -> memref<2x100x128xf32, #tpu.memory_space<hbm>>
    tpu.enqueue_dma source(%dma_start3A_23 : memref<2x100x128xf32, #tpu.memory_space<hbm>>) target(%dma_start3A_20 : memref<2x100x128xf32, #tpu.memory_space<vmem>>) target_semaphore(%dma_start3A_15 : memref<!tpu.dma_semaphore, #tpu.memory_space<semaphore_mem>>)
    %add3A_24 = arith.constant 2 : i32
    %add3A_25 = arith.addi %mul3A_2, %add3A_24 : i32
    %dma_start3A_26 = arith.constant 1 : i32
    %dma_start3A_27 = arith.constant 1 : i32
    %dma_start3A_28 = arith.constant 0 : i32
    %dma_start3A_29 = arith.constant 0 : i32
    %dma_start3A_30 = arith.constant 0 : i32
    %dma_start3A_31 = tpu.memref_slice %arg6[%dma_start3A_26, %dma_start3A_28, %dma_start3A_29, %dma_start3A_30] : memref<4x2x100x128xf32, #tpu.memory_space<vmem>> -> memref<1x2x100x128xf32, #tpu.memory_space<vmem>>
    %dma_start3A_32 = tpu.memref_squeeze %dma_start3A_31 : memref<1x2x100x128xf32, #tpu.memory_space<vmem>> -> memref<2x100x128xf32, #tpu.memory_space<vmem>>
    %dma_start3A_33 = arith.constant 0 : i32
    %dma_start3A_34 = arith.constant 0 : i32
    %dma_start3A_35 = tpu.memref_slice %arg2[%add3A_25, %dma_start3A_33, %dma_start3A_34] : memref<4096x100x128xf32, #tpu.memory_space<hbm>> -> memref<2x100x128xf32, #tpu.memory_space<hbm>>
    %dma_start3A_36 = tpu.memref_slice %arg7[%dma_start3A_27] : memref<4x!tpu.dma_semaphore, #tpu.memory_space<semaphore_mem>> -> memref<1x!tpu.dma_semaphore, #tpu.memory_space<semaphore_mem>>
    %dma_start3A_37 = tpu.memref_squeeze %dma_start3A_36 : memref<1x!tpu.dma_semaphore, #tpu.memory_space<semaphore_mem>> -> memref<!tpu.dma_semaphore, #tpu.memory_space<semaphore_mem>>
    %dma_start3A_38 = arith.constant 0 : i32
    %dma_start3A_39 = arith.constant 0 : i32
    %dma_start3A_40 = arith.constant 0 : i32
    %dma_start3A_41 = tpu.memref_slice %arg6[%dma_start3A_26, %dma_start3A_38, %dma_start3A_39, %dma_start3A_40] : memref<4x2x100x128xf32, #tpu.memory_space<vmem>> -> memref<1x2x100x128xf32, #tpu.memory_space<vmem>>
    %dma_start3A_42 = tpu.memref_squeeze %dma_start3A_41 : memref<1x2x100x128xf32, #tpu.memory_space<vmem>> -> memref<2x100x128xf32, #tpu.memory_space<vmem>>
    %dma_start3A_43 = arith.constant 0 : i32
    %dma_start3A_44 = arith.constant 0 : i32
    %dma_start3A_45 = tpu.memref_slice %arg2[%add3A_25, %dma_start3A_43, %dma_start3A_44] : memref<4096x100x128xf32, #tpu.memory_space<hbm>> -> memref<2x100x128xf32, #tpu.memory_space<hbm>>
    tpu.enqueue_dma source(%dma_start3A_45 : memref<2x100x128xf32, #tpu.memory_space<hbm>>) target(%dma_start3A_42 : memref<2x100x128xf32, #tpu.memory_space<vmem>>) target_semaphore(%dma_start3A_37 : memref<!tpu.dma_semaphore, #tpu.memory_space<semaphore_mem>>)
    %scan3A = arith.constant 0 : i32
    %scan3A_46 = arith.constant 0 : i32
    %scan3A_47 = arith.constant 16 : i32
    %scan3A_48 = arith.addi %scan3A_46, %scan3A_47 : i32
    %scan3A_49 = arith.constant 1 : i32
    scf.for %scan3A_138 = %scan3A_46 to %scan3A_48 step %scan3A_49  : i32 {
      %mul3A_139 = arith.constant 4 : i32
      %mul3A_140 = arith.muli %scan3A_138, %mul3A_139 : i32
      %add3A_141 = arith.constant 0 : i32
      %add3A_142 = arith.addi %mul3A_140, %add3A_141 : i32
      %add3A_143 = arith.constant 2 : i32
      %add3A_144 = arith.addi %add3A_142, %add3A_143 : i32
      %lt3A = arith.constant 64 : i32
      %lt3A_145 = arith.cmpi slt, %add3A_144, %lt3A : i32
      %convert_element_type3A = arith.extui %lt3A_145 : i1 to i32
      %cond3A = arith.constant 0 : i32
      %cond3A_146 = arith.cmpi ne, %convert_element_type3A, %cond3A : i32
      scf.if %cond3A_146 {
        %ge3A = arith.constant 4 : i32
        %ge3A_388 = arith.cmpi sge, %add3A_144, %ge3A : i32
        %convert_element_type3A_389 = arith.extui %ge3A_388 : i1 to i32
        %cond3A_390 = arith.constant 0 : i32
        %cond3A_391 = arith.cmpi ne, %convert_element_type3A_389, %cond3A_390 : i32
        scf.if %cond3A_391 {
          %sub3A = arith.constant 4 : i32
          %sub3A_415 = arith.subi %add3A_144, %sub3A : i32
          %mul3A_416 = arith.constant 2 : i32
          %mul3A_417 = arith.muli %sub3A_415, %mul3A_416 : i32
          %add3A_418 = arith.addi %mul3A_2, %mul3A_417 : i32
          %dma_wait3A_419 = arith.constant 2 : i32
          %dma_wait3A_420 = arith.constant 2 : i32
          %dma_wait3A_421 = arith.constant 0 : i32
          %dma_wait3A_422 = arith.constant 0 : i32
          %dma_wait3A_423 = arith.constant 0 : i32
          %dma_wait3A_424 = tpu.memref_slice %arg6[%dma_wait3A_419, %dma_wait3A_421, %dma_wait3A_422, %dma_wait3A_423] : memref<4x2x100x128xf32, #tpu.memory_space<vmem>> -> memref<1x2x100x128xf32, #tpu.memory_space<vmem>>
          %dma_wait3A_425 = tpu.memref_squeeze %dma_wait3A_424 : memref<1x2x100x128xf32, #tpu.memory_space<vmem>> -> memref<2x100x128xf32, #tpu.memory_space<vmem>>
          %dma_wait3A_426 = arith.constant 0 : i32
          %dma_wait3A_427 = arith.constant 0 : i32
          %dma_wait3A_428 = tpu.memref_slice %arg4[%add3A_418, %dma_wait3A_426, %dma_wait3A_427] : memref<4096x100x128xf32, #tpu.memory_space<hbm>> -> memref<2x100x128xf32, #tpu.memory_space<hbm>>
          %dma_wait3A_429 = tpu.memref_slice %arg8[%dma_wait3A_420] : memref<4x!tpu.dma_semaphore, #tpu.memory_space<semaphore_mem>> -> memref<1x!tpu.dma_semaphore, #tpu.memory_space<semaphore_mem>>
          %dma_wait3A_430 = tpu.memref_squeeze %dma_wait3A_429 : memref<1x!tpu.dma_semaphore, #tpu.memory_space<semaphore_mem>> -> memref<!tpu.dma_semaphore, #tpu.memory_space<semaphore_mem>>
          %dma_wait3A_431 = arith.constant 0 : i32
          %dma_wait3A_432 = arith.constant 0 : i32
          %dma_wait3A_433 = tpu.memref_slice %arg4[%add3A_418, %dma_wait3A_431, %dma_wait3A_432] : memref<4096x100x128xf32, #tpu.memory_space<hbm>> -> memref<2x100x128xf32, #tpu.memory_space<hbm>>
          %dma_wait3A_434 = arith.constant 0 : i32
          %dma_wait3A_435 = arith.constant 0 : i32
          %dma_wait3A_436 = arith.constant 0 : i32
          %dma_wait3A_437 = tpu.memref_slice %arg6[%dma_wait3A_419, %dma_wait3A_434, %dma_wait3A_435, %dma_wait3A_436] : memref<4x2x100x128xf32, #tpu.memory_space<vmem>> -> memref<1x2x100x128xf32, #tpu.memory_space<vmem>>
          %dma_wait3A_438 = tpu.memref_squeeze %dma_wait3A_437 : memref<1x2x100x128xf32, #tpu.memory_space<vmem>> -> memref<2x100x128xf32, #tpu.memory_space<vmem>>
          tpu.wait_dma2 semaphore(%dma_wait3A_430 : memref<!tpu.dma_semaphore, #tpu.memory_space<semaphore_mem>>) src(%dma_wait3A_438 : memref<2x100x128xf32, #tpu.memory_space<vmem>>) dst(%dma_wait3A_433 : memref<2x100x128xf32, #tpu.memory_space<hbm>>)
        } else {
        }
        %mul3A_392 = arith.constant 2 : i32
        %mul3A_393 = arith.muli %add3A_144, %mul3A_392 : i32
        %add3A_394 = arith.addi %mul3A_2, %mul3A_393 : i32
        %dma_start3A_395 = arith.constant 2 : i32
        %dma_start3A_396 = arith.constant 2 : i32
        %dma_start3A_397 = arith.constant 0 : i32
        %dma_start3A_398 = arith.constant 0 : i32
        %dma_start3A_399 = arith.constant 0 : i32
        %dma_start3A_400 = tpu.memref_slice %arg6[%dma_start3A_395, %dma_start3A_397, %dma_start3A_398, %dma_start3A_399] : memref<4x2x100x128xf32, #tpu.memory_space<vmem>> -> memref<1x2x100x128xf32, #tpu.memory_space<vmem>>
        %dma_start3A_401 = tpu.memref_squeeze %dma_start3A_400 : memref<1x2x100x128xf32, #tpu.memory_space<vmem>> -> memref<2x100x128xf32, #tpu.memory_space<vmem>>
        %dma_start3A_402 = arith.constant 0 : i32
        %dma_start3A_403 = arith.constant 0 : i32
        %dma_start3A_404 = tpu.memref_slice %arg2[%add3A_394, %dma_start3A_402, %dma_start3A_403] : memref<4096x100x128xf32, #tpu.memory_space<hbm>> -> memref<2x100x128xf32, #tpu.memory_space<hbm>>
        %dma_start3A_405 = tpu.memref_slice %arg7[%dma_start3A_396] : memref<4x!tpu.dma_semaphore, #tpu.memory_space<semaphore_mem>> -> memref<1x!tpu.dma_semaphore, #tpu.memory_space<semaphore_mem>>
        %dma_start3A_406 = tpu.memref_squeeze %dma_start3A_405 : memref<1x!tpu.dma_semaphore, #tpu.memory_space<semaphore_mem>> -> memref<!tpu.dma_semaphore, #tpu.memory_space<semaphore_mem>>
        %dma_start3A_407 = arith.constant 0 : i32
        %dma_start3A_408 = arith.constant 0 : i32
        %dma_start3A_409 = arith.constant 0 : i32
        %dma_start3A_410 = tpu.memref_slice %arg6[%dma_start3A_395, %dma_start3A_407, %dma_start3A_408, %dma_start3A_409] : memref<4x2x100x128xf32, #tpu.memory_space<vmem>> -> memref<1x2x100x128xf32, #tpu.memory_space<vmem>>
        %dma_start3A_411 = tpu.memref_squeeze %dma_start3A_410 : memref<1x2x100x128xf32, #tpu.memory_space<vmem>> -> memref<2x100x128xf32, #tpu.memory_space<vmem>>
        %dma_start3A_412 = arith.constant 0 : i32
        %dma_start3A_413 = arith.constant 0 : i32
        %dma_start3A_414 = tpu.memref_slice %arg2[%add3A_394, %dma_start3A_412, %dma_start3A_413] : memref<4096x100x128xf32, #tpu.memory_space<hbm>> -> memref<2x100x128xf32, #tpu.memory_space<hbm>>
        tpu.enqueue_dma source(%dma_start3A_414 : memref<2x100x128xf32, #tpu.memory_space<hbm>>) target(%dma_start3A_411 : memref<2x100x128xf32, #tpu.memory_space<vmem>>) target_semaphore(%dma_start3A_406 : memref<!tpu.dma_semaphore, #tpu.memory_space<semaphore_mem>>)
      } else {
      }
      %mul3A_147 = arith.constant 2 : i32
      %mul3A_148 = arith.muli %add3A_142, %mul3A_147 : i32
      %add3A_149 = arith.addi %mul3A_2, %mul3A_148 : i32
      %dma_wait3A_150 = arith.constant 0 : i32
      %dma_wait3A_151 = arith.constant 0 : i32
      %dma_wait3A_152 = arith.constant 0 : i32
      %dma_wait3A_153 = arith.constant 0 : i32
      %dma_wait3A_154 = arith.constant 0 : i32
      %dma_wait3A_155 = tpu.memref_slice %arg6[%dma_wait3A_150, %dma_wait3A_152, %dma_wait3A_153, %dma_wait3A_154] : memref<4x2x100x128xf32, #tpu.memory_space<vmem>> -> memref<1x2x100x128xf32, #tpu.memory_space<vmem>>
      %dma_wait3A_156 = tpu.memref_squeeze %dma_wait3A_155 : memref<1x2x100x128xf32, #tpu.memory_space<vmem>> -> memref<2x100x128xf32, #tpu.memory_space<vmem>>
      %dma_wait3A_157 = arith.constant 0 : i32
      %dma_wait3A_158 = arith.constant 0 : i32
      %dma_wait3A_159 = tpu.memref_slice %arg2[%add3A_149, %dma_wait3A_157, %dma_wait3A_158] : memref<4096x100x128xf32, #tpu.memory_space<hbm>> -> memref<2x100x128xf32, #tpu.memory_space<hbm>>
      %dma_wait3A_160 = tpu.memref_slice %arg7[%dma_wait3A_151] : memref<4x!tpu.dma_semaphore, #tpu.memory_space<semaphore_mem>> -> memref<1x!tpu.dma_semaphore, #tpu.memory_space<semaphore_mem>>
      %dma_wait3A_161 = tpu.memref_squeeze %dma_wait3A_160 : memref<1x!tpu.dma_semaphore, #tpu.memory_space<semaphore_mem>> -> memref<!tpu.dma_semaphore, #tpu.memory_space<semaphore_mem>>
      %dma_wait3A_162 = arith.constant 0 : i32
      %dma_wait3A_163 = arith.constant 0 : i32
      %dma_wait3A_164 = arith.constant 0 : i32
      %dma_wait3A_165 = tpu.memref_slice %arg6[%dma_wait3A_150, %dma_wait3A_162, %dma_wait3A_163, %dma_wait3A_164] : memref<4x2x100x128xf32, #tpu.memory_space<vmem>> -> memref<1x2x100x128xf32, #tpu.memory_space<vmem>>
      %dma_wait3A_166 = tpu.memref_squeeze %dma_wait3A_165 : memref<1x2x100x128xf32, #tpu.memory_space<vmem>> -> memref<2x100x128xf32, #tpu.memory_space<vmem>>
      %dma_wait3A_167 = arith.constant 0 : i32
      %dma_wait3A_168 = arith.constant 0 : i32
      %dma_wait3A_169 = tpu.memref_slice %arg2[%add3A_149, %dma_wait3A_167, %dma_wait3A_168] : memref<4096x100x128xf32, #tpu.memory_space<hbm>> -> memref<2x100x128xf32, #tpu.memory_space<hbm>>
      tpu.wait_dma2 semaphore(%dma_wait3A_161 : memref<!tpu.dma_semaphore, #tpu.memory_space<semaphore_mem>>) src(%dma_wait3A_169 : memref<2x100x128xf32, #tpu.memory_space<hbm>>) dst(%dma_wait3A_166 : memref<2x100x128xf32, #tpu.memory_space<vmem>>)
      %scan3A_170 = arith.constant 0 : i32
      %scan3A_171 = arith.constant 0 : i32
      %scan3A_172 = arith.constant 100 : i32
      %scan3A_173 = arith.addi %scan3A_171, %scan3A_172 : i32
      %scan3A_174 = arith.constant 1 : i32
      scf.for %scan3A_388 = %scan3A_171 to %scan3A_173 step %scan3A_174  : i32 {
        %get3A = arith.index_cast %scan3A_388 : i32 to index
        %get3A_389 = arith.constant 0 : index
        %get3A_390 = tpu.vector_load %arg5[%get3A, %get3A_389] {strides = array<i32>} : memref<100x128xf32, #tpu.memory_space<vmem>>, vector<1x16xf32>,
        %get3A_391 = vector.shape_cast %get3A_390 : vector<1x16xf32> to vector<16xf32>
        %get3A_392 = arith.constant 0 : i32
        %get3A_393 = arith.constant 0 : i32
        %get3A_394 = arith.index_cast %get3A_392 : i32 to index
        %get3A_395 = arith.index_cast %get3A_393 : i32 to index
        %get3A_396 = arith.index_cast %scan3A_388 : i32 to index
        %get3A_397 = arith.constant 0 : index
        %get3A_398 = tpu.vector_load %arg6[%get3A_394, %get3A_395, %get3A_396, %get3A_397] {strides = array<i32>} : memref<4x2x100x128xf32, #tpu.memory_space<vmem>>, vector<1x1x1x16xf32>,
        %get3A_399 = vector.shape_cast %get3A_398 : vector<1x1x1x16xf32> to vector<16xf32>
        %mul3A_400 = arith.constant 8.000000e+00 : f32
        %mul3A_401 = vector.broadcast %mul3A_400 : f32 to vector<16xf32>
        %mul3A_402 = arith.mulf %get3A_399, %mul3A_401 : vector<16xf32>
        %add3A_403 = arith.addf %mul3A_402, %get3A_391 : vector<16xf32>
        %swap3A = arith.constant 0 : i32
        %swap3A_404 = arith.constant 0 : i32
        %swap3A_405 = arith.index_cast %swap3A : i32 to index
        %swap3A_406 = arith.index_cast %swap3A_404 : i32 to index
        %swap3A_407 = arith.index_cast %scan3A_388 : i32 to index
        %swap3A_408 = arith.constant 0 : index
        %swap3A_409 = tpu.vector_load %arg6[%swap3A_405, %swap3A_406, %swap3A_407, %swap3A_408] {strides = array<i32>} : memref<4x2x100x128xf32, #tpu.memory_space<vmem>>, vector<1x1x1x16xf32>,
        %swap3A_410 = vector.shape_cast %swap3A_409 : vector<1x1x1x16xf32> to vector<16xf32>
        %swap3A_411 = vector.shape_cast %add3A_403 : vector<16xf32> to vector<1x1x1x16xf32>
        tpu.vector_store %arg6[%swap3A_405, %swap3A_406, %swap3A_407, %swap3A_408], %swap3A_411 {strides = array<i32>} : memref<4x2x100x128xf32, #tpu.memory_space<vmem>>, vector<1x1x1x16xf32>,
        %get3A_412 = arith.constant 0 : i32
        %get3A_413 = arith.constant 1 : i32
        %get3A_414 = arith.index_cast %get3A_412 : i32 to index
        %get3A_415 = arith.index_cast %get3A_413 : i32 to index
        %get3A_416 = arith.index_cast %scan3A_388 : i32 to index
        %get3A_417 = arith.constant 0 : index
        %get3A_418 = tpu.vector_load %arg6[%get3A_414, %get3A_415, %get3A_416, %get3A_417] {strides = array<i32>} : memref<4x2x100x128xf32, #tpu.memory_space<vmem>>, vector<1x1x1x16xf32>,
        %get3A_419 = vector.shape_cast %get3A_418 : vector<1x1x1x16xf32> to vector<16xf32>
        %mul3A_420 = arith.constant 8.000000e+00 : f32
        %mul3A_421 = vector.broadcast %mul3A_420 : f32 to vector<16xf32>
        %mul3A_422 = arith.mulf %get3A_419, %mul3A_421 : vector<16xf32>
        %add3A_423 = arith.addf %mul3A_422, %get3A_391 : vector<16xf32>
        %swap3A_424 = arith.constant 0 : i32
        %swap3A_425 = arith.constant 1 : i32
        %swap3A_426 = arith.index_cast %swap3A_424 : i32 to index
        %swap3A_427 = arith.index_cast %swap3A_425 : i32 to index
        %swap3A_428 = arith.index_cast %scan3A_388 : i32 to index
        %swap3A_429 = arith.constant 0 : index
        %swap3A_430 = tpu.vector_load %arg6[%swap3A_426, %swap3A_427, %swap3A_428, %swap3A_429] {strides = array<i32>} : memref<4x2x100x128xf32, #tpu.memory_space<vmem>>, vector<1x1x1x16xf32>,
        %swap3A_431 = vector.shape_cast %swap3A_430 : vector<1x1x1x16xf32> to vector<16xf32>
        %swap3A_432 = vector.shape_cast %add3A_423 : vector<16xf32> to vector<1x1x1x16xf32>
        tpu.vector_store %arg6[%swap3A_426, %swap3A_427, %swap3A_428, %swap3A_429], %swap3A_432 {strides = array<i32>} : memref<4x2x100x128xf32, #tpu.memory_space<vmem>>, vector<1x1x1x16xf32>,
        %get3A_433 = arith.index_cast %scan3A_388 : i32 to index
        %get3A_434 = arith.constant 16 : index
        %get3A_435 = tpu.vector_load %arg5[%get3A_433, %get3A_434] {strides = array<i32>} : memref<100x128xf32, #tpu.memory_space<vmem>>, vector<1x16xf32>,
        %get3A_436 = vector.shape_cast %get3A_435 : vector<1x16xf32> to vector<16xf32>
        %get3A_437 = arith.constant 0 : i32
        %get3A_438 = arith.constant 0 : i32
        %get3A_439 = arith.index_cast %get3A_437 : i32 to index
        %get3A_440 = arith.index_cast %get3A_438 : i32 to index
        %get3A_441 = arith.index_cast %scan3A_388 : i32 to index
        %get3A_442 = arith.constant 16 : index
        %get3A_443 = tpu.vector_load %arg6[%get3A_439, %get3A_440, %get3A_441, %get3A_442] {strides = array<i32>} : memref<4x2x100x128xf32, #tpu.memory_space<vmem>>, vector<1x1x1x16xf32>,
        %get3A_444 = vector.shape_cast %get3A_443 : vector<1x1x1x16xf32> to vector<16xf32>
        %mul3A_445 = arith.constant 8.000000e+00 : f32
        %mul3A_446 = vector.broadcast %mul3A_445 : f32 to vector<16xf32>
        %mul3A_447 = arith.mulf %get3A_444, %mul3A_446 : vector<16xf32>
        %add3A_448 = arith.addf %mul3A_447, %get3A_436 : vector<16xf32>
        %swap3A_449 = arith.constant 0 : i32
        %swap3A_450 = arith.constant 0 : i32
        %swap3A_451 = arith.index_cast %swap3A_449 : i32 to index
        %swap3A_452 = arith.index_cast %swap3A_450 : i32 to index
        %swap3A_453 = arith.index_cast %scan3A_388 : i32 to index
        %swap3A_454 = arith.constant 16 : index
        %swap3A_455 = tpu.vector_load %arg6[%swap3A_451, %swap3A_452, %swap3A_453, %swap3A_454] {strides = array<i32>} : memref<4x2x100x128xf32, #tpu.memory_space<vmem>>, vector<1x1x1x16xf32>,
        %swap3A_456 = vector.shape_cast %swap3A_455 : vector<1x1x1x16xf32> to vector<16xf32>
        %swap3A_457 = vector.shape_cast %add3A_448 : vector<16xf32> to vector<1x1x1x16xf32>
        tpu.vector_store %arg6[%swap3A_451, %swap3A_452, %swap3A_453, %swap3A_454], %swap3A_457 {strides = array<i32>} : memref<4x2x100x128xf32, #tpu.memory_space<vmem>>, vector<1x1x1x16xf32>,
        %get3A_458 = arith.constant 0 : i32
        %get3A_459 = arith.constant 1 : i32
        %get3A_460 = arith.index_cast %get3A_458 : i32 to index
        %get3A_461 = arith.index_cast %get3A_459 : i32 to index
        %get3A_462 = arith.index_cast %scan3A_388 : i32 to index
        %get3A_463 = arith.constant 16 : index
        %get3A_464 = tpu.vector_load %arg6[%get3A_460, %get3A_461, %get3A_462, %get3A_463] {strides = array<i32>} : memref<4x2x100x128xf32, #tpu.memory_space<vmem>>, vector<1x1x1x16xf32>,
        %get3A_465 = vector.shape_cast %get3A_464 : vector<1x1x1x16xf32> to vector<16xf32>
        %mul3A_466 = arith.constant 8.000000e+00 : f32
        %mul3A_467 = vector.broadcast %mul3A_466 : f32 to vector<16xf32>
        %mul3A_468 = arith.mulf %get3A_465, %mul3A_467 : vector<16xf32>
        %add3A_469 = arith.addf %mul3A_468, %get3A_436 : vector<16xf32>
        %swap3A_470 = arith.constant 0 : i32
        %swap3A_471 = arith.constant 1 : i32
        %swap3A_472 = arith.index_cast %swap3A_470 : i32 to index
        %swap3A_473 = arith.index_cast %swap3A_471 : i32 to index
        %swap3A_474 = arith.index_cast %scan3A_388 : i32 to index
        %swap3A_475 = arith.constant 16 : index
        %swap3A_476 = tpu.vector_load %arg6[%swap3A_472, %swap3A_473, %swap3A_474, %swap3A_475] {strides = array<i32>} : memref<4x2x100x128xf32, #tpu.memory_space<vmem>>, vector<1x1x1x16xf32>,
        %swap3A_477 = vector.shape_cast %swap3A_476 : vector<1x1x1x16xf32> to vector<16xf32>
        %swap3A_478 = vector.shape_cast %add3A_469 : vector<16xf32> to vector<1x1x1x16xf32>
        tpu.vector_store %arg6[%swap3A_472, %swap3A_473, %swap3A_474, %swap3A_475], %swap3A_478 {strides = array<i32>} : memref<4x2x100x128xf32, #tpu.memory_space<vmem>>, vector<1x1x1x16xf32>,
        %get3A_479 = arith.index_cast %scan3A_388 : i32 to index
        %get3A_480 = arith.constant 32 : index
        %get3A_481 = tpu.vector_load %arg5[%get3A_479, %get3A_480] {strides = array<i32>} : memref<100x128xf32, #tpu.memory_space<vmem>>, vector<1x16xf32>,
        %get3A_482 = vector.shape_cast %get3A_481 : vector<1x16xf32> to vector<16xf32>
        %get3A_483 = arith.constant 0 : i32
        %get3A_484 = arith.constant 0 : i32
        %get3A_485 = arith.index_cast %get3A_483 : i32 to index
        %get3A_486 = arith.index_cast %get3A_484 : i32 to index
        %get3A_487 = arith.index_cast %scan3A_388 : i32 to index
        %get3A_488 = arith.constant 32 : index
        %get3A_489 = tpu.vector_load %arg6[%get3A_485, %get3A_486, %get3A_487, %get3A_488] {strides = array<i32>} : memref<4x2x100x128xf32, #tpu.memory_space<vmem>>, vector<1x1x1x16xf32>,
        %get3A_490 = vector.shape_cast %get3A_489 : vector<1x1x1x16xf32> to vector<16xf32>
        %mul3A_491 = arith.constant 8.000000e+00 : f32
        %mul3A_492 = vector.broadcast %mul3A_491 : f32 to vector<16xf32>
        %mul3A_493 = arith.mulf %get3A_490, %mul3A_492 : vector<16xf32>
        %add3A_494 = arith.addf %mul3A_493, %get3A_482 : vector<16xf32>
        %swap3A_495 = arith.constant 0 : i32
        %swap3A_496 = arith.constant 0 : i32
        %swap3A_497 = arith.index_cast %swap3A_495 : i32 to index
        %swap3A_498 = arith.index_cast %swap3A_496 : i32 to index
        %swap3A_499 = arith.index_cast %scan3A_388 : i32 to index
        %swap3A_500 = arith.constant 32 : index
        %swap3A_501 = tpu.vector_load %arg6[%swap3A_497, %swap3A_498, %swap3A_499, %swap3A_500] {strides = array<i32>} : memref<4x2x100x128xf32, #tpu.memory_space<vmem>>, vector<1x1x1x16xf32>,
        %swap3A_502 = vector.shape_cast %swap3A_501 : vector<1x1x1x16xf32> to vector<16xf32>
        %swap3A_503 = vector.shape_cast %add3A_494 : vector<16xf32> to vector<1x1x1x16xf32>
        tpu.vector_store %arg6[%swap3A_497, %swap3A_498, %swap3A_499, %swap3A_500], %swap3A_503 {strides = array<i32>} : memref<4x2x100x128xf32, #tpu.memory_space<vmem>>, vector<1x1x1x16xf32>,
        %get3A_504 = arith.constant 0 : i32
        %get3A_505 = arith.constant 1 : i32
        %get3A_506 = arith.index_cast %get3A_504 : i32 to index
        %get3A_507 = arith.index_cast %get3A_505 : i32 to index
        %get3A_508 = arith.index_cast %scan3A_388 : i32 to index
        %get3A_509 = arith.constant 32 : index
        %get3A_510 = tpu.vector_load %arg6[%get3A_506, %get3A_507, %get3A_508, %get3A_509] {strides = array<i32>} : memref<4x2x100x128xf32, #tpu.memory_space<vmem>>, vector<1x1x1x16xf32>,
        %get3A_511 = vector.shape_cast %get3A_510 : vector<1x1x1x16xf32> to vector<16xf32>
        %mul3A_512 = arith.constant 8.000000e+00 : f32
        %mul3A_513 = vector.broadcast %mul3A_512 : f32 to vector<16xf32>
        %mul3A_514 = arith.mulf %get3A_511, %mul3A_513 : vector<16xf32>
        %add3A_515 = arith.addf %mul3A_514, %get3A_482 : vector<16xf32>
        %swap3A_516 = arith.constant 0 : i32
        %swap3A_517 = arith.constant 1 : i32
        %swap3A_518 = arith.index_cast %swap3A_516 : i32 to index
        %swap3A_519 = arith.index_cast %swap3A_517 : i32 to index
        %swap3A_520 = arith.index_cast %scan3A_388 : i32 to index
        %swap3A_521 = arith.constant 32 : index
        %swap3A_522 = tpu.vector_load %arg6[%swap3A_518, %swap3A_519, %swap3A_520, %swap3A_521] {strides = array<i32>} : memref<4x2x100x128xf32, #tpu.memory_space<vmem>>, vector<1x1x1x16xf32>,
        %swap3A_523 = vector.shape_cast %swap3A_522 : vector<1x1x1x16xf32> to vector<16xf32>
        %swap3A_524 = vector.shape_cast %add3A_515 : vector<16xf32> to vector<1x1x1x16xf32>
        tpu.vector_store %arg6[%swap3A_518, %swap3A_519, %swap3A_520, %swap3A_521], %swap3A_524 {strides = array<i32>} : memref<4x2x100x128xf32, #tpu.memory_space<vmem>>, vector<1x1x1x16xf32>,
        %get3A_525 = arith.index_cast %scan3A_388 : i32 to index
        %get3A_526 = arith.constant 48 : index
        %get3A_527 = tpu.vector_load %arg5[%get3A_525, %get3A_526] {strides = array<i32>} : memref<100x128xf32, #tpu.memory_space<vmem>>, vector<1x16xf32>,
        %get3A_528 = vector.shape_cast %get3A_527 : vector<1x16xf32> to vector<16xf32>
        %get3A_529 = arith.constant 0 : i32
        %get3A_530 = arith.constant 0 : i32
        %get3A_531 = arith.index_cast %get3A_529 : i32 to index
        %get3A_532 = arith.index_cast %get3A_530 : i32 to index
        %get3A_533 = arith.index_cast %scan3A_388 : i32 to index
        %get3A_534 = arith.constant 48 : index
        %get3A_535 = tpu.vector_load %arg6[%get3A_531, %get3A_532, %get3A_533, %get3A_534] {strides = array<i32>} : memref<4x2x100x128xf32, #tpu.memory_space<vmem>>, vector<1x1x1x16xf32>,
        %get3A_536 = vector.shape_cast %get3A_535 : vector<1x1x1x16xf32> to vector<16xf32>
        %mul3A_537 = arith.constant 8.000000e+00 : f32
        %mul3A_538 = vector.broadcast %mul3A_537 : f32 to vector<16xf32>
        %mul3A_539 = arith.mulf %get3A_536, %mul3A_538 : vector<16xf32>
        %add3A_540 = arith.addf %mul3A_539, %get3A_528 : vector<16xf32>
        %swap3A_541 = arith.constant 0 : i32
        %swap3A_542 = arith.constant 0 : i32
        %swap3A_543 = arith.index_cast %swap3A_541 : i32 to index
        %swap3A_544 = arith.index_cast %swap3A_542 : i32 to index
        %swap3A_545 = arith.index_cast %scan3A_388 : i32 to index
        %swap3A_546 = arith.constant 48 : index
        %swap3A_547 = tpu.vector_load %arg6[%swap3A_543, %swap3A_544, %swap3A_545, %swap3A_546] {strides = array<i32>} : memref<4x2x100x128xf32, #tpu.memory_space<vmem>>, vector<1x1x1x16xf32>,
        %swap3A_548 = vector.shape_cast %swap3A_547 : vector<1x1x1x16xf32> to vector<16xf32>
        %swap3A_549 = vector.shape_cast %add3A_540 : vector<16xf32> to vector<1x1x1x16xf32>
        tpu.vector_store %arg6[%swap3A_543, %swap3A_544, %swap3A_545, %swap3A_546], %swap3A_549 {strides = array<i32>} : memref<4x2x100x128xf32, #tpu.memory_space<vmem>>, vector<1x1x1x16xf32>,
        %get3A_550 = arith.constant 0 : i32
        %get3A_551 = arith.constant 1 : i32
        %get3A_552 = arith.index_cast %get3A_550 : i32 to index
        %get3A_553 = arith.index_cast %get3A_551 : i32 to index
        %get3A_554 = arith.index_cast %scan3A_388 : i32 to index
        %get3A_555 = arith.constant 48 : index
        %get3A_556 = tpu.vector_load %arg6[%get3A_552, %get3A_553, %get3A_554, %get3A_555] {strides = array<i32>} : memref<4x2x100x128xf32, #tpu.memory_space<vmem>>, vector<1x1x1x16xf32>,
        %get3A_557 = vector.shape_cast %get3A_556 : vector<1x1x1x16xf32> to vector<16xf32>
        %mul3A_558 = arith.constant 8.000000e+00 : f32
        %mul3A_559 = vector.broadcast %mul3A_558 : f32 to vector<16xf32>
        %mul3A_560 = arith.mulf %get3A_557, %mul3A_559 : vector<16xf32>
        %add3A_561 = arith.addf %mul3A_560, %get3A_528 : vector<16xf32>
        %swap3A_562 = arith.constant 0 : i32
        %swap3A_563 = arith.constant 1 : i32
        %swap3A_564 = arith.index_cast %swap3A_562 : i32 to index
        %swap3A_565 = arith.index_cast %swap3A_563 : i32 to index
        %swap3A_566 = arith.index_cast %scan3A_388 : i32 to index
        %swap3A_567 = arith.constant 48 : index
        %swap3A_568 = tpu.vector_load %arg6[%swap3A_564, %swap3A_565, %swap3A_566, %swap3A_567] {strides = array<i32>} : memref<4x2x100x128xf32, #tpu.memory_space<vmem>>, vector<1x1x1x16xf32>,
        %swap3A_569 = vector.shape_cast %swap3A_568 : vector<1x1x1x16xf32> to vector<16xf32>
        %swap3A_570 = vector.shape_cast %add3A_561 : vector<16xf32> to vector<1x1x1x16xf32>
        tpu.vector_store %arg6[%swap3A_564, %swap3A_565, %swap3A_566, %swap3A_567], %swap3A_570 {strides = array<i32>} : memref<4x2x100x128xf32, #tpu.memory_space<vmem>>, vector<1x1x1x16xf32>,
        %get3A_571 = arith.index_cast %scan3A_388 : i32 to index
        %get3A_572 = arith.constant 64 : index
        %get3A_573 = tpu.vector_load %arg5[%get3A_571, %get3A_572] {strides = array<i32>} : memref<100x128xf32, #tpu.memory_space<vmem>>, vector<1x16xf32>,
        %get3A_574 = vector.shape_cast %get3A_573 : vector<1x16xf32> to vector<16xf32>
        %get3A_575 = arith.constant 0 : i32
        %get3A_576 = arith.constant 0 : i32
        %get3A_577 = arith.index_cast %get3A_575 : i32 to index
        %get3A_578 = arith.index_cast %get3A_576 : i32 to index
        %get3A_579 = arith.index_cast %scan3A_388 : i32 to index
        %get3A_580 = arith.constant 64 : index
        %get3A_581 = tpu.vector_load %arg6[%get3A_577, %get3A_578, %get3A_579, %get3A_580] {strides = array<i32>} : memref<4x2x100x128xf32, #tpu.memory_space<vmem>>, vector<1x1x1x16xf32>,
        %get3A_582 = vector.shape_cast %get3A_581 : vector<1x1x1x16xf32> to vector<16xf32>
        %mul3A_583 = arith.constant 8.000000e+00 : f32
        %mul3A_584 = vector.broadcast %mul3A_583 : f32 to vector<16xf32>
        %mul3A_585 = arith.mulf %get3A_582, %mul3A_584 : vector<16xf32>
        %add3A_586 = arith.addf %mul3A_585, %get3A_574 : vector<16xf32>
        %swap3A_587 = arith.constant 0 : i32
        %swap3A_588 = arith.constant 0 : i32
        %swap3A_589 = arith.index_cast %swap3A_587 : i32 to index
        %swap3A_590 = arith.index_cast %swap3A_588 : i32 to index
        %swap3A_591 = arith.index_cast %scan3A_388 : i32 to index
        %swap3A_592 = arith.constant 64 : index
        %swap3A_593 = tpu.vector_load %arg6[%swap3A_589, %swap3A_590, %swap3A_591, %swap3A_592] {strides = array<i32>} : memref<4x2x100x128xf32, #tpu.memory_space<vmem>>, vector<1x1x1x16xf32>,
        %swap3A_594 = vector.shape_cast %swap3A_593 : vector<1x1x1x16xf32> to vector<16xf32>
        %swap3A_595 = vector.shape_cast %add3A_586 : vector<16xf32> to vector<1x1x1x16xf32>
        tpu.vector_store %arg6[%swap3A_589, %swap3A_590, %swap3A_591, %swap3A_592], %swap3A_595 {strides = array<i32>} : memref<4x2x100x128xf32, #tpu.memory_space<vmem>>, vector<1x1x1x16xf32>,
        %get3A_596 = arith.constant 0 : i32
        %get3A_597 = arith.constant 1 : i32
        %get3A_598 = arith.index_cast %get3A_596 : i32 to index
        %get3A_599 = arith.index_cast %get3A_597 : i32 to index
        %get3A_600 = arith.index_cast %scan3A_388 : i32 to index
        %get3A_601 = arith.constant 64 : index
        %get3A_602 = tpu.vector_load %arg6[%get3A_598, %get3A_599, %get3A_600, %get3A_601] {strides = array<i32>} : memref<4x2x100x128xf32, #tpu.memory_space<vmem>>, vector<1x1x1x16xf32>,
        %get3A_603 = vector.shape_cast %get3A_602 : vector<1x1x1x16xf32> to vector<16xf32>
        %mul3A_604 = arith.constant 8.000000e+00 : f32
        %mul3A_605 = vector.broadcast %mul3A_604 : f32 to vector<16xf32>
        %mul3A_606 = arith.mulf %get3A_603, %mul3A_605 : vector<16xf32>
        %add3A_607 = arith.addf %mul3A_606, %get3A_574 : vector<16xf32>
        %swap3A_608 = arith.constant 0 : i32
        %swap3A_609 = arith.constant 1 : i32
        %swap3A_610 = arith.index_cast %swap3A_608 : i32 to index
        %swap3A_611 = arith.index_cast %swap3A_609 : i32 to index
        %swap3A_612 = arith.index_cast %scan3A_388 : i32 to index
        %swap3A_613 = arith.constant 64 : index
        %swap3A_614 = tpu.vector_load %arg6[%swap3A_610, %swap3A_611, %swap3A_612, %swap3A_613] {strides = array<i32>} : memref<4x2x100x128xf32, #tpu.memory_space<vmem>>, vector<1x1x1x16xf32>,
        %swap3A_615 = vector.shape_cast %swap3A_614 : vector<1x1x1x16xf32> to vector<16xf32>
        %swap3A_616 = vector.shape_cast %add3A_607 : vector<16xf32> to vector<1x1x1x16xf32>
        tpu.vector_store %arg6[%swap3A_610, %swap3A_611, %swap3A_612, %swap3A_613], %swap3A_616 {strides = array<i32>} : memref<4x2x100x128xf32, #tpu.memory_space<vmem>>, vector<1x1x1x16xf32>,
        %get3A_617 = arith.index_cast %scan3A_388 : i32 to index
        %get3A_618 = arith.constant 80 : index
        %get3A_619 = tpu.vector_load %arg5[%get3A_617, %get3A_618] {strides = array<i32>} : memref<100x128xf32, #tpu.memory_space<vmem>>, vector<1x16xf32>,
        %get3A_620 = vector.shape_cast %get3A_619 : vector<1x16xf32> to vector<16xf32>
        %get3A_621 = arith.constant 0 : i32
        %get3A_622 = arith.constant 0 : i32
        %get3A_623 = arith.index_cast %get3A_621 : i32 to index
        %get3A_624 = arith.index_cast %get3A_622 : i32 to index
        %get3A_625 = arith.index_cast %scan3A_388 : i32 to index
        %get3A_626 = arith.constant 80 : index
        %get3A_627 = tpu.vector_load %arg6[%get3A_623, %get3A_624, %get3A_625, %get3A_626] {strides = array<i32>} : memref<4x2x100x128xf32, #tpu.memory_space<vmem>>, vector<1x1x1x16xf32>,
        %get3A_628 = vector.shape_cast %get3A_627 : vector<1x1x1x16xf32> to vector<16xf32>
        %mul3A_629 = arith.constant 8.000000e+00 : f32
        %mul3A_630 = vector.broadcast %mul3A_629 : f32 to vector<16xf32>
        %mul3A_631 = arith.mulf %get3A_628, %mul3A_630 : vector<16xf32>
        %add3A_632 = arith.addf %mul3A_631, %get3A_620 : vector<16xf32>
        %swap3A_633 = arith.constant 0 : i32
        %swap3A_634 = arith.constant 0 : i32
        %swap3A_635 = arith.index_cast %swap3A_633 : i32 to index
        %swap3A_636 = arith.index_cast %swap3A_634 : i32 to index
        %swap3A_637 = arith.index_cast %scan3A_388 : i32 to index
        %swap3A_638 = arith.constant 80 : index
        %swap3A_639 = tpu.vector_load %arg6[%swap3A_635, %swap3A_636, %swap3A_637, %swap3A_638] {strides = array<i32>} : memref<4x2x100x128xf32, #tpu.memory_space<vmem>>, vector<1x1x1x16xf32>,
        %swap3A_640 = vector.shape_cast %swap3A_639 : vector<1x1x1x16xf32> to vector<16xf32>
        %swap3A_641 = vector.shape_cast %add3A_632 : vector<16xf32> to vector<1x1x1x16xf32>
        tpu.vector_store %arg6[%swap3A_635, %swap3A_636, %swap3A_637, %swap3A_638], %swap3A_641 {strides = array<i32>} : memref<4x2x100x128xf32, #tpu.memory_space<vmem>>, vector<1x1x1x16xf32>,
        %get3A_642 = arith.constant 0 : i32
        %get3A_643 = arith.constant 1 : i32
        %get3A_644 = arith.index_cast %get3A_642 : i32 to index
        %get3A_645 = arith.index_cast %get3A_643 : i32 to index
        %get3A_646 = arith.index_cast %scan3A_388 : i32 to index
        %get3A_647 = arith.constant 80 : index
        %get3A_648 = tpu.vector_load %arg6[%get3A_644, %get3A_645, %get3A_646, %get3A_647] {strides = array<i32>} : memref<4x2x100x128xf32, #tpu.memory_space<vmem>>, vector<1x1x1x16xf32>,
        %get3A_649 = vector.shape_cast %get3A_648 : vector<1x1x1x16xf32> to vector<16xf32>
        %mul3A_650 = arith.constant 8.000000e+00 : f32
        %mul3A_651 = vector.broadcast %mul3A_650 : f32 to vector<16xf32>
        %mul3A_652 = arith.mulf %get3A_649, %mul3A_651 : vector<16xf32>
        %add3A_653 = arith.addf %mul3A_652, %get3A_620 : vector<16xf32>
        %swap3A_654 = arith.constant 0 : i32
        %swap3A_655 = arith.constant 1 : i32
        %swap3A_656 = arith.index_cast %swap3A_654 : i32 to index
        %swap3A_657 = arith.index_cast %swap3A_655 : i32 to index
        %swap3A_658 = arith.index_cast %scan3A_388 : i32 to index
        %swap3A_659 = arith.constant 80 : index
        %swap3A_660 = tpu.vector_load %arg6[%swap3A_656, %swap3A_657, %swap3A_658, %swap3A_659] {strides = array<i32>} : memref<4x2x100x128xf32, #tpu.memory_space<vmem>>, vector<1x1x1x16xf32>,
        %swap3A_661 = vector.shape_cast %swap3A_660 : vector<1x1x1x16xf32> to vector<16xf32>
        %swap3A_662 = vector.shape_cast %add3A_653 : vector<16xf32> to vector<1x1x1x16xf32>
        tpu.vector_store %arg6[%swap3A_656, %swap3A_657, %swap3A_658, %swap3A_659], %swap3A_662 {strides = array<i32>} : memref<4x2x100x128xf32, #tpu.memory_space<vmem>>, vector<1x1x1x16xf32>,
        %get3A_663 = arith.index_cast %scan3A_388 : i32 to index
        %get3A_664 = arith.constant 96 : index
        %get3A_665 = tpu.vector_load %arg5[%get3A_663, %get3A_664] {strides = array<i32>} : memref<100x128xf32, #tpu.memory_space<vmem>>, vector<1x16xf32>,
        %get3A_666 = vector.shape_cast %get3A_665 : vector<1x16xf32> to vector<16xf32>
        %get3A_667 = arith.constant 0 : i32
        %get3A_668 = arith.constant 0 : i32
        %get3A_669 = arith.index_cast %get3A_667 : i32 to index
        %get3A_670 = arith.index_cast %get3A_668 : i32 to index
        %get3A_671 = arith.index_cast %scan3A_388 : i32 to index
        %get3A_672 = arith.constant 96 : index
        %get3A_673 = tpu.vector_load %arg6[%get3A_669, %get3A_670, %get3A_671, %get3A_672] {strides = array<i32>} : memref<4x2x100x128xf32, #tpu.memory_space<vmem>>, vector<1x1x1x16xf32>,
        %get3A_674 = vector.shape_cast %get3A_673 : vector<1x1x1x16xf32> to vector<16xf32>
        %mul3A_675 = arith.constant 8.000000e+00 : f32
        %mul3A_676 = vector.broadcast %mul3A_675 : f32 to vector<16xf32>
        %mul3A_677 = arith.mulf %get3A_674, %mul3A_676 : vector<16xf32>
        %add3A_678 = arith.addf %mul3A_677, %get3A_666 : vector<16xf32>
        %swap3A_679 = arith.constant 0 : i32
        %swap3A_680 = arith.constant 0 : i32
        %swap3A_681 = arith.index_cast %swap3A_679 : i32 to index
        %swap3A_682 = arith.index_cast %swap3A_680 : i32 to index
        %swap3A_683 = arith.index_cast %scan3A_388 : i32 to index
        %swap3A_684 = arith.constant 96 : index
        %swap3A_685 = tpu.vector_load %arg6[%swap3A_681, %swap3A_682, %swap3A_683, %swap3A_684] {strides = array<i32>} : memref<4x2x100x128xf32, #tpu.memory_space<vmem>>, vector<1x1x1x16xf32>,
        %swap3A_686 = vector.shape_cast %swap3A_685 : vector<1x1x1x16xf32> to vector<16xf32>
        %swap3A_687 = vector.shape_cast %add3A_678 : vector<16xf32> to vector<1x1x1x16xf32>
        tpu.vector_store %arg6[%swap3A_681, %swap3A_682, %swap3A_683, %swap3A_684], %swap3A_687 {strides = array<i32>} : memref<4x2x100x128xf32, #tpu.memory_space<vmem>>, vector<1x1x1x16xf32>,
        %get3A_688 = arith.constant 0 : i32
        %get3A_689 = arith.constant 1 : i32
        %get3A_690 = arith.index_cast %get3A_688 : i32 to index
        %get3A_691 = arith.index_cast %get3A_689 : i32 to index
        %get3A_692 = arith.index_cast %scan3A_388 : i32 to index
        %get3A_693 = arith.constant 96 : index
        %get3A_694 = tpu.vector_load %arg6[%get3A_690, %get3A_691, %get3A_692, %get3A_693] {strides = array<i32>} : memref<4x2x100x128xf32, #tpu.memory_space<vmem>>, vector<1x1x1x16xf32>,
        %get3A_695 = vector.shape_cast %get3A_694 : vector<1x1x1x16xf32> to vector<16xf32>
        %mul3A_696 = arith.constant 8.000000e+00 : f32
        %mul3A_697 = vector.broadcast %mul3A_696 : f32 to vector<16xf32>
        %mul3A_698 = arith.mulf %get3A_695, %mul3A_697 : vector<16xf32>
        %add3A_699 = arith.addf %mul3A_698, %get3A_666 : vector<16xf32>
        %swap3A_700 = arith.constant 0 : i32
        %swap3A_701 = arith.constant 1 : i32
        %swap3A_702 = arith.index_cast %swap3A_700 : i32 to index
        %swap3A_703 = arith.index_cast %swap3A_701 : i32 to index
        %swap3A_704 = arith.index_cast %scan3A_388 : i32 to index
        %swap3A_705 = arith.constant 96 : index
        %swap3A_706 = tpu.vector_load %arg6[%swap3A_702, %swap3A_703, %swap3A_704, %swap3A_705] {strides = array<i32>} : memref<4x2x100x128xf32, #tpu.memory_space<vmem>>, vector<1x1x1x16xf32>,
        %swap3A_707 = vector.shape_cast %swap3A_706 : vector<1x1x1x16xf32> to vector<16xf32>
        %swap3A_708 = vector.shape_cast %add3A_699 : vector<16xf32> to vector<1x1x1x16xf32>
        tpu.vector_store %arg6[%swap3A_702, %swap3A_703, %swap3A_704, %swap3A_705], %swap3A_708 {strides = array<i32>} : memref<4x2x100x128xf32, #tpu.memory_space<vmem>>, vector<1x1x1x16xf32>,
        %get3A_709 = arith.index_cast %scan3A_388 : i32 to index
        %get3A_710 = arith.constant 112 : index
        %get3A_711 = tpu.vector_load %arg5[%get3A_709, %get3A_710] {strides = array<i32>} : memref<100x128xf32, #tpu.memory_space<vmem>>, vector<1x16xf32>,
        %get3A_712 = vector.shape_cast %get3A_711 : vector<1x16xf32> to vector<16xf32>
        %get3A_713 = arith.constant 0 : i32
        %get3A_714 = arith.constant 0 : i32
        %get3A_715 = arith.index_cast %get3A_713 : i32 to index
        %get3A_716 = arith.index_cast %get3A_714 : i32 to index
        %get3A_717 = arith.index_cast %scan3A_388 : i32 to index
        %get3A_718 = arith.constant 112 : index
        %get3A_719 = tpu.vector_load %arg6[%get3A_715, %get3A_716, %get3A_717, %get3A_718] {strides = array<i32>} : memref<4x2x100x128xf32, #tpu.memory_space<vmem>>, vector<1x1x1x16xf32>,
        %get3A_720 = vector.shape_cast %get3A_719 : vector<1x1x1x16xf32> to vector<16xf32>
        %mul3A_721 = arith.constant 8.000000e+00 : f32
        %mul3A_722 = vector.broadcast %mul3A_721 : f32 to vector<16xf32>
        %mul3A_723 = arith.mulf %get3A_720, %mul3A_722 : vector<16xf32>
        %add3A_724 = arith.addf %mul3A_723, %get3A_712 : vector<16xf32>
        %swap3A_725 = arith.constant 0 : i32
        %swap3A_726 = arith.constant 0 : i32
        %swap3A_727 = arith.index_cast %swap3A_725 : i32 to index
        %swap3A_728 = arith.index_cast %swap3A_726 : i32 to index
        %swap3A_729 = arith.index_cast %scan3A_388 : i32 to index
        %swap3A_730 = arith.constant 112 : index
        %swap3A_731 = tpu.vector_load %arg6[%swap3A_727, %swap3A_728, %swap3A_729, %swap3A_730] {strides = array<i32>} : memref<4x2x100x128xf32, #tpu.memory_space<vmem>>, vector<1x1x1x16xf32>,
        %swap3A_732 = vector.shape_cast %swap3A_731 : vector<1x1x1x16xf32> to vector<16xf32>
        %swap3A_733 = vector.shape_cast %add3A_724 : vector<16xf32> to vector<1x1x1x16xf32>
        tpu.vector_store %arg6[%swap3A_727, %swap3A_728, %swap3A_729, %swap3A_730], %swap3A_733 {strides = array<i32>} : memref<4x2x100x128xf32, #tpu.memory_space<vmem>>, vector<1x1x1x16xf32>,
        %get3A_734 = arith.constant 0 : i32
        %get3A_735 = arith.constant 1 : i32
        %get3A_736 = arith.index_cast %get3A_734 : i32 to index
        %get3A_737 = arith.index_cast %get3A_735 : i32 to index
        %get3A_738 = arith.index_cast %scan3A_388 : i32 to index
        %get3A_739 = arith.constant 112 : index
        %get3A_740 = tpu.vector_load %arg6[%get3A_736, %get3A_737, %get3A_738, %get3A_739] {strides = array<i32>} : memref<4x2x100x128xf32, #tpu.memory_space<vmem>>, vector<1x1x1x16xf32>,
        %get3A_741 = vector.shape_cast %get3A_740 : vector<1x1x1x16xf32> to vector<16xf32>
        %mul3A_742 = arith.constant 8.000000e+00 : f32
        %mul3A_743 = vector.broadcast %mul3A_742 : f32 to vector<16xf32>
        %mul3A_744 = arith.mulf %get3A_741, %mul3A_743 : vector<16xf32>
        %add3A_745 = arith.addf %mul3A_744, %get3A_712 : vector<16xf32>
        %swap3A_746 = arith.constant 0 : i32
        %swap3A_747 = arith.constant 1 : i32
        %swap3A_748 = arith.index_cast %swap3A_746 : i32 to index
        %swap3A_749 = arith.index_cast %swap3A_747 : i32 to index
        %swap3A_750 = arith.index_cast %scan3A_388 : i32 to index
        %swap3A_751 = arith.constant 112 : index
        %swap3A_752 = tpu.vector_load %arg6[%swap3A_748, %swap3A_749, %swap3A_750, %swap3A_751] {strides = array<i32>} : memref<4x2x100x128xf32, #tpu.memory_space<vmem>>, vector<1x1x1x16xf32>,
        %swap3A_753 = vector.shape_cast %swap3A_752 : vector<1x1x1x16xf32> to vector<16xf32>
        %swap3A_754 = vector.shape_cast %add3A_745 : vector<16xf32> to vector<1x1x1x16xf32>
        tpu.vector_store %arg6[%swap3A_748, %swap3A_749, %swap3A_750, %swap3A_751], %swap3A_754 {strides = array<i32>} : memref<4x2x100x128xf32, #tpu.memory_space<vmem>>, vector<1x1x1x16xf32>,
      }
      %scan3A_175 = arith.constant 100 : i32
      %mul3A_176 = arith.constant 2 : i32
      %mul3A_177 = arith.muli %add3A_142, %mul3A_176 : i32
      %add3A_178 = arith.addi %mul3A_2, %mul3A_177 : i32
      %dma_start3A_179 = arith.constant 0 : i32
      %dma_start3A_180 = arith.constant 0 : i32
      %dma_start3A_181 = arith.constant 0 : i32
      %dma_start3A_182 = arith.constant 0 : i32
      %dma_start3A_183 = arith.constant 0 : i32
      %dma_start3A_184 = tpu.memref_slice %arg6[%dma_start3A_179, %dma_start3A_181, %dma_start3A_182, %dma_start3A_183] : memref<4x2x100x128xf32, #tpu.memory_space<vmem>> -> memref<1x2x100x128xf32, #tpu.memory_space<vmem>>
      %dma_start3A_185 = tpu.memref_squeeze %dma_start3A_184 : memref<1x2x100x128xf32, #tpu.memory_space<vmem>> -> memref<2x100x128xf32, #tpu.memory_space<vmem>>
      %dma_start3A_186 = arith.constant 0 : i32
      %dma_start3A_187 = arith.constant 0 : i32
      %dma_start3A_188 = tpu.memref_slice %arg4[%add3A_178, %dma_start3A_186, %dma_start3A_187] : memref<4096x100x128xf32, #tpu.memory_space<hbm>> -> memref<2x100x128xf32, #tpu.memory_space<hbm>>
      %dma_start3A_189 = tpu.memref_slice %arg8[%dma_start3A_180] : memref<4x!tpu.dma_semaphore, #tpu.memory_space<semaphore_mem>> -> memref<1x!tpu.dma_semaphore, #tpu.memory_space<semaphore_mem>>
      %dma_start3A_190 = tpu.memref_squeeze %dma_start3A_189 : memref<1x!tpu.dma_semaphore, #tpu.memory_space<semaphore_mem>> -> memref<!tpu.dma_semaphore, #tpu.memory_space<semaphore_mem>>
      %dma_start3A_191 = arith.constant 0 : i32
      %dma_start3A_192 = arith.constant 0 : i32
      %dma_start3A_193 = tpu.memref_slice %arg4[%add3A_178, %dma_start3A_191, %dma_start3A_192] : memref<4096x100x128xf32, #tpu.memory_space<hbm>> -> memref<2x100x128xf32, #tpu.memory_space<hbm>>
      %dma_start3A_194 = arith.constant 0 : i32
      %dma_start3A_195 = arith.constant 0 : i32
      %dma_start3A_196 = arith.constant 0 : i32
      %dma_start3A_197 = tpu.memref_slice %arg6[%dma_start3A_179, %dma_start3A_194, %dma_start3A_195, %dma_start3A_196] : memref<4x2x100x128xf32, #tpu.memory_space<vmem>> -> memref<1x2x100x128xf32, #tpu.memory_space<vmem>>
      %dma_start3A_198 = tpu.memref_squeeze %dma_start3A_197 : memref<1x2x100x128xf32, #tpu.memory_space<vmem>> -> memref<2x100x128xf32, #tpu.memory_space<vmem>>
      tpu.enqueue_dma source(%dma_start3A_198 : memref<2x100x128xf32, #tpu.memory_space<vmem>>) target(%dma_start3A_193 : memref<2x100x128xf32, #tpu.memory_space<hbm>>) target_semaphore(%dma_start3A_190 : memref<!tpu.dma_semaphore, #tpu.memory_space<semaphore_mem>>)
      %mul3A_199 = arith.constant 4 : i32
      %mul3A_200 = arith.muli %scan3A_138, %mul3A_199 : i32
      %add3A_201 = arith.constant 1 : i32
      %add3A_202 = arith.addi %mul3A_200, %add3A_201 : i32
      %add3A_203 = arith.constant 2 : i32
      %add3A_204 = arith.addi %add3A_202, %add3A_203 : i32
      %lt3A_205 = arith.constant 64 : i32
      %lt3A_206 = arith.cmpi slt, %add3A_204, %lt3A_205 : i32
      %convert_element_type3A_207 = arith.extui %lt3A_206 : i1 to i32
      %cond3A_208 = arith.constant 0 : i32
      %cond3A_209 = arith.cmpi ne, %convert_element_type3A_207, %cond3A_208 : i32
      scf.if %cond3A_209 {
        %ge3A = arith.constant 4 : i32
        %ge3A_388 = arith.cmpi sge, %add3A_204, %ge3A : i32
        %convert_element_type3A_389 = arith.extui %ge3A_388 : i1 to i32
        %cond3A_390 = arith.constant 0 : i32
        %cond3A_391 = arith.cmpi ne, %convert_element_type3A_389, %cond3A_390 : i32
        scf.if %cond3A_391 {
          %sub3A = arith.constant 4 : i32
          %sub3A_415 = arith.subi %add3A_204, %sub3A : i32
          %mul3A_416 = arith.constant 2 : i32
          %mul3A_417 = arith.muli %sub3A_415, %mul3A_416 : i32
          %add3A_418 = arith.addi %mul3A_2, %mul3A_417 : i32
          %dma_wait3A_419 = arith.constant 3 : i32
          %dma_wait3A_420 = arith.constant 3 : i32
          %dma_wait3A_421 = arith.constant 0 : i32
          %dma_wait3A_422 = arith.constant 0 : i32
          %dma_wait3A_423 = arith.constant 0 : i32
          %dma_wait3A_424 = tpu.memref_slice %arg6[%dma_wait3A_419, %dma_wait3A_421, %dma_wait3A_422, %dma_wait3A_423] : memref<4x2x100x128xf32, #tpu.memory_space<vmem>> -> memref<1x2x100x128xf32, #tpu.memory_space<vmem>>
          %dma_wait3A_425 = tpu.memref_squeeze %dma_wait3A_424 : memref<1x2x100x128xf32, #tpu.memory_space<vmem>> -> memref<2x100x128xf32, #tpu.memory_space<vmem>>
          %dma_wait3A_426 = arith.constant 0 : i32
          %dma_wait3A_427 = arith.constant 0 : i32
          %dma_wait3A_428 = tpu.memref_slice %arg4[%add3A_418, %dma_wait3A_426, %dma_wait3A_427] : memref<4096x100x128xf32, #tpu.memory_space<hbm>> -> memref<2x100x128xf32, #tpu.memory_space<hbm>>
          %dma_wait3A_429 = tpu.memref_slice %arg8[%dma_wait3A_420] : memref<4x!tpu.dma_semaphore, #tpu.memory_space<semaphore_mem>> -> memref<1x!tpu.dma_semaphore, #tpu.memory_space<semaphore_mem>>
          %dma_wait3A_430 = tpu.memref_squeeze %dma_wait3A_429 : memref<1x!tpu.dma_semaphore, #tpu.memory_space<semaphore_mem>> -> memref<!tpu.dma_semaphore, #tpu.memory_space<semaphore_mem>>
          %dma_wait3A_431 = arith.constant 0 : i32
          %dma_wait3A_432 = arith.constant 0 : i32
          %dma_wait3A_433 = tpu.memref_slice %arg4[%add3A_418, %dma_wait3A_431, %dma_wait3A_432] : memref<4096x100x128xf32, #tpu.memory_space<hbm>> -> memref<2x100x128xf32, #tpu.memory_space<hbm>>
          %dma_wait3A_434 = arith.constant 0 : i32
          %dma_wait3A_435 = arith.constant 0 : i32
          %dma_wait3A_436 = arith.constant 0 : i32
          %dma_wait3A_437 = tpu.memref_slice %arg6[%dma_wait3A_419, %dma_wait3A_434, %dma_wait3A_435, %dma_wait3A_436] : memref<4x2x100x128xf32, #tpu.memory_space<vmem>> -> memref<1x2x100x128xf32, #tpu.memory_space<vmem>>
          %dma_wait3A_438 = tpu.memref_squeeze %dma_wait3A_437 : memref<1x2x100x128xf32, #tpu.memory_space<vmem>> -> memref<2x100x128xf32, #tpu.memory_space<vmem>>
          tpu.wait_dma2 semaphore(%dma_wait3A_430 : memref<!tpu.dma_semaphore, #tpu.memory_space<semaphore_mem>>) src(%dma_wait3A_438 : memref<2x100x128xf32, #tpu.memory_space<vmem>>) dst(%dma_wait3A_433 : memref<2x100x128xf32, #tpu.memory_space<hbm>>)
        } else {
        }
        %mul3A_392 = arith.constant 2 : i32
        %mul3A_393 = arith.muli %add3A_204, %mul3A_392 : i32
        %add3A_394 = arith.addi %mul3A_2, %mul3A_393 : i32
        %dma_start3A_395 = arith.constant 3 : i32
        %dma_start3A_396 = arith.constant 3 : i32
        %dma_start3A_397 = arith.constant 0 : i32
        %dma_start3A_398 = arith.constant 0 : i32
        %dma_start3A_399 = arith.constant 0 : i32
        %dma_start3A_400 = tpu.memref_slice %arg6[%dma_start3A_395, %dma_start3A_397, %dma_start3A_398, %dma_start3A_399] : memref<4x2x100x128xf32, #tpu.memory_space<vmem>> -> memref<1x2x100x128xf32, #tpu.memory_space<vmem>>
        %dma_start3A_401 = tpu.memref_squeeze %dma_start3A_400 : memref<1x2x100x128xf32, #tpu.memory_space<vmem>> -> memref<2x100x128xf32, #tpu.memory_space<vmem>>
        %dma_start3A_402 = arith.constant 0 : i32
        %dma_start3A_403 = arith.constant 0 : i32
        %dma_start3A_404 = tpu.memref_slice %arg2[%add3A_394, %dma_start3A_402, %dma_start3A_403] : memref<4096x100x128xf32, #tpu.memory_space<hbm>> -> memref<2x100x128xf32, #tpu.memory_space<hbm>>
        %dma_start3A_405 = tpu.memref_slice %arg7[%dma_start3A_396] : memref<4x!tpu.dma_semaphore, #tpu.memory_space<semaphore_mem>> -> memref<1x!tpu.dma_semaphore, #tpu.memory_space<semaphore_mem>>
        %dma_start3A_406 = tpu.memref_squeeze %dma_start3A_405 : memref<1x!tpu.dma_semaphore, #tpu.memory_space<semaphore_mem>> -> memref<!tpu.dma_semaphore, #tpu.memory_space<semaphore_mem>>
        %dma_start3A_407 = arith.constant 0 : i32
        %dma_start3A_408 = arith.constant 0 : i32
        %dma_start3A_409 = arith.constant 0 : i32
        %dma_start3A_410 = tpu.memref_slice %arg6[%dma_start3A_395, %dma_start3A_407, %dma_start3A_408, %dma_start3A_409] : memref<4x2x100x128xf32, #tpu.memory_space<vmem>> -> memref<1x2x100x128xf32, #tpu.memory_space<vmem>>
        %dma_start3A_411 = tpu.memref_squeeze %dma_start3A_410 : memref<1x2x100x128xf32, #tpu.memory_space<vmem>> -> memref<2x100x128xf32, #tpu.memory_space<vmem>>
        %dma_start3A_412 = arith.constant 0 : i32
        %dma_start3A_413 = arith.constant 0 : i32
        %dma_start3A_414 = tpu.memref_slice %arg2[%add3A_394, %dma_start3A_412, %dma_start3A_413] : memref<4096x100x128xf32, #tpu.memory_space<hbm>> -> memref<2x100x128xf32, #tpu.memory_space<hbm>>
        tpu.enqueue_dma source(%dma_start3A_414 : memref<2x100x128xf32, #tpu.memory_space<hbm>>) target(%dma_start3A_411 : memref<2x100x128xf32, #tpu.memory_space<vmem>>) target_semaphore(%dma_start3A_406 : memref<!tpu.dma_semaphore, #tpu.memory_space<semaphore_mem>>)
      } else {
      }
      %mul3A_210 = arith.constant 2 : i32
      %mul3A_211 = arith.muli %add3A_202, %mul3A_210 : i32
      %add3A_212 = arith.addi %mul3A_2, %mul3A_211 : i32
      %dma_wait3A_213 = arith.constant 1 : i32
      %dma_wait3A_214 = arith.constant 1 : i32
      %dma_wait3A_215 = arith.constant 0 : i32
      %dma_wait3A_216 = arith.constant 0 : i32
      %dma_wait3A_217 = arith.constant 0 : i32
      %dma_wait3A_218 = tpu.memref_slice %arg6[%dma_wait3A_213, %dma_wait3A_215, %dma_wait3A_216, %dma_wait3A_217] : memref<4x2x100x128xf32, #tpu.memory_space<vmem>> -> memref<1x2x100x128xf32, #tpu.memory_space<vmem>>
      %dma_wait3A_219 = tpu.memref_squeeze %dma_wait3A_218 : memref<1x2x100x128xf32, #tpu.memory_space<vmem>> -> memref<2x100x128xf32, #tpu.memory_space<vmem>>
      %dma_wait3A_220 = arith.constant 0 : i32
      %dma_wait3A_221 = arith.constant 0 : i32
      %dma_wait3A_222 = tpu.memref_slice %arg2[%add3A_212, %dma_wait3A_220, %dma_wait3A_221] : memref<4096x100x128xf32, #tpu.memory_space<hbm>> -> memref<2x100x128xf32, #tpu.memory_space<hbm>>
      %dma_wait3A_223 = tpu.memref_slice %arg7[%dma_wait3A_214] : memref<4x!tpu.dma_semaphore, #tpu.memory_space<semaphore_mem>> -> memref<1x!tpu.dma_semaphore, #tpu.memory_space<semaphore_mem>>
      %dma_wait3A_224 = tpu.memref_squeeze %dma_wait3A_223 : memref<1x!tpu.dma_semaphore, #tpu.memory_space<semaphore_mem>> -> memref<!tpu.dma_semaphore, #tpu.memory_space<semaphore_mem>>
      %dma_wait3A_225 = arith.constant 0 : i32
      %dma_wait3A_226 = arith.constant 0 : i32
      %dma_wait3A_227 = arith.constant 0 : i32
      %dma_wait3A_228 = tpu.memref_slice %arg6[%dma_wait3A_213, %dma_wait3A_225, %dma_wait3A_226, %dma_wait3A_227] : memref<4x2x100x128xf32, #tpu.memory_space<vmem>> -> memref<1x2x100x128xf32, #tpu.memory_space<vmem>>
      %dma_wait3A_229 = tpu.memref_squeeze %dma_wait3A_228 : memref<1x2x100x128xf32, #tpu.memory_space<vmem>> -> memref<2x100x128xf32, #tpu.memory_space<vmem>>
      %dma_wait3A_230 = arith.constant 0 : i32
      %dma_wait3A_231 = arith.constant 0 : i32
      %dma_wait3A_232 = tpu.memref_slice %arg2[%add3A_212, %dma_wait3A_230, %dma_wait3A_231] : memref<4096x100x128xf32, #tpu.memory_space<hbm>> -> memref<2x100x128xf32, #tpu.memory_space<hbm>>
      tpu.wait_dma2 semaphore(%dma_wait3A_224 : memref<!tpu.dma_semaphore, #tpu.memory_space<semaphore_mem>>) src(%dma_wait3A_232 : memref<2x100x128xf32, #tpu.memory_space<hbm>>) dst(%dma_wait3A_229 : memref<2x100x128xf32, #tpu.memory_space<vmem>>)
      %scan3A_233 = arith.constant 0 : i32
      %scan3A_234 = arith.constant 0 : i32
      %scan3A_235 = arith.constant 100 : i32
      %scan3A_236 = arith.addi %scan3A_234, %scan3A_235 : i32
      %scan3A_237 = arith.constant 1 : i32
      scf.for %scan3A_388 = %scan3A_234 to %scan3A_236 step %scan3A_237  : i32 {
        %get3A = arith.index_cast %scan3A_388 : i32 to index
        %get3A_389 = arith.constant 0 : index
        %get3A_390 = tpu.vector_load %arg5[%get3A, %get3A_389] {strides = array<i32>} : memref<100x128xf32, #tpu.memory_space<vmem>>, vector<1x16xf32>,
        %get3A_391 = vector.shape_cast %get3A_390 : vector<1x16xf32> to vector<16xf32>
        %get3A_392 = arith.constant 1 : i32
        %get3A_393 = arith.constant 0 : i32
        %get3A_394 = arith.index_cast %get3A_392 : i32 to index
        %get3A_395 = arith.index_cast %get3A_393 : i32 to index
        %get3A_396 = arith.index_cast %scan3A_388 : i32 to index
        %get3A_397 = arith.constant 0 : index
        %get3A_398 = tpu.vector_load %arg6[%get3A_394, %get3A_395, %get3A_396, %get3A_397] {strides = array<i32>} : memref<4x2x100x128xf32, #tpu.memory_space<vmem>>, vector<1x1x1x16xf32>,
        %get3A_399 = vector.shape_cast %get3A_398 : vector<1x1x1x16xf32> to vector<16xf32>
        %mul3A_400 = arith.constant 8.000000e+00 : f32
        %mul3A_401 = vector.broadcast %mul3A_400 : f32 to vector<16xf32>
        %mul3A_402 = arith.mulf %get3A_399, %mul3A_401 : vector<16xf32>
        %add3A_403 = arith.addf %mul3A_402, %get3A_391 : vector<16xf32>
        %swap3A = arith.constant 1 : i32
        %swap3A_404 = arith.constant 0 : i32
        %swap3A_405 = arith.index_cast %swap3A : i32 to index
        %swap3A_406 = arith.index_cast %swap3A_404 : i32 to index
        %swap3A_407 = arith.index_cast %scan3A_388 : i32 to index
        %swap3A_408 = arith.constant 0 : index
        %swap3A_409 = tpu.vector_load %arg6[%swap3A_405, %swap3A_406, %swap3A_407, %swap3A_408] {strides = array<i32>} : memref<4x2x100x128xf32, #tpu.memory_space<vmem>>, vector<1x1x1x16xf32>,
        %swap3A_410 = vector.shape_cast %swap3A_409 : vector<1x1x1x16xf32> to vector<16xf32>
        %swap3A_411 = vector.shape_cast %add3A_403 : vector<16xf32> to vector<1x1x1x16xf32>
        tpu.vector_store %arg6[%swap3A_405, %swap3A_406, %swap3A_407, %swap3A_408], %swap3A_411 {strides = array<i32>} : memref<4x2x100x128xf32, #tpu.memory_space<vmem>>, vector<1x1x1x16xf32>,
        %get3A_412 = arith.constant 1 : i32
        %get3A_413 = arith.constant 1 : i32
        %get3A_414 = arith.index_cast %get3A_412 : i32 to index
        %get3A_415 = arith.index_cast %get3A_413 : i32 to index
        %get3A_416 = arith.index_cast %scan3A_388 : i32 to index
        %get3A_417 = arith.constant 0 : index
        %get3A_418 = tpu.vector_load %arg6[%get3A_414, %get3A_415, %get3A_416, %get3A_417] {strides = array<i32>} : memref<4x2x100x128xf32, #tpu.memory_space<vmem>>, vector<1x1x1x16xf32>,
        %get3A_419 = vector.shape_cast %get3A_418 : vector<1x1x1x16xf32> to vector<16xf32>
        %mul3A_420 = arith.constant 8.000000e+00 : f32
        %mul3A_421 = vector.broadcast %mul3A_420 : f32 to vector<16xf32>
        %mul3A_422 = arith.mulf %get3A_419, %mul3A_421 : vector<16xf32>
        %add3A_423 = arith.addf %mul3A_422, %get3A_391 : vector<16xf32>
        %swap3A_424 = arith.constant 1 : i32
        %swap3A_425 = arith.constant 1 : i32
        %swap3A_426 = arith.index_cast %swap3A_424 : i32 to index
        %swap3A_427 = arith.index_cast %swap3A_425 : i32 to index
        %swap3A_428 = arith.index_cast %scan3A_388 : i32 to index
        %swap3A_429 = arith.constant 0 : index
        %swap3A_430 = tpu.vector_load %arg6[%swap3A_426, %swap3A_427, %swap3A_428, %swap3A_429] {strides = array<i32>} : memref<4x2x100x128xf32, #tpu.memory_space<vmem>>, vector<1x1x1x16xf32>,
        %swap3A_431 = vector.shape_cast %swap3A_430 : vector<1x1x1x16xf32> to vector<16xf32>
        %swap3A_432 = vector.shape_cast %add3A_423 : vector<16xf32> to vector<1x1x1x16xf32>
        tpu.vector_store %arg6[%swap3A_426, %swap3A_427, %swap3A_428, %swap3A_429], %swap3A_432 {strides = array<i32>} : memref<4x2x100x128xf32, #tpu.memory_space<vmem>>, vector<1x1x1x16xf32>,
        %get3A_433 = arith.index_cast %scan3A_388 : i32 to index
        %get3A_434 = arith.constant 16 : index
        %get3A_435 = tpu.vector_load %arg5[%get3A_433, %get3A_434] {strides = array<i32>} : memref<100x128xf32, #tpu.memory_space<vmem>>, vector<1x16xf32>,
        %get3A_436 = vector.shape_cast %get3A_435 : vector<1x16xf32> to vector<16xf32>
        %get3A_437 = arith.constant 1 : i32
        %get3A_438 = arith.constant 0 : i32
        %get3A_439 = arith.index_cast %get3A_437 : i32 to index
        %get3A_440 = arith.index_cast %get3A_438 : i32 to index
        %get3A_441 = arith.index_cast %scan3A_388 : i32 to index
        %get3A_442 = arith.constant 16 : index
        %get3A_443 = tpu.vector_load %arg6[%get3A_439, %get3A_440, %get3A_441, %get3A_442] {strides = array<i32>} : memref<4x2x100x128xf32, #tpu.memory_space<vmem>>, vector<1x1x1x16xf32>,
        %get3A_444 = vector.shape_cast %get3A_443 : vector<1x1x1x16xf32> to vector<16xf32>
        %mul3A_445 = arith.constant 8.000000e+00 : f32
        %mul3A_446 = vector.broadcast %mul3A_445 : f32 to vector<16xf32>
        %mul3A_447 = arith.mulf %get3A_444, %mul3A_446 : vector<16xf32>
        %add3A_448 = arith.addf %mul3A_447, %get3A_436 : vector<16xf32>
        %swap3A_449 = arith.constant 1 : i32
        %swap3A_450 = arith.constant 0 : i32
        %swap3A_451 = arith.index_cast %swap3A_449 : i32 to index
        %swap3A_452 = arith.index_cast %swap3A_450 : i32 to index
        %swap3A_453 = arith.index_cast %scan3A_388 : i32 to index
        %swap3A_454 = arith.constant 16 : index
        %swap3A_455 = tpu.vector_load %arg6[%swap3A_451, %swap3A_452, %swap3A_453, %swap3A_454] {strides = array<i32>} : memref<4x2x100x128xf32, #tpu.memory_space<vmem>>, vector<1x1x1x16xf32>,
        %swap3A_456 = vector.shape_cast %swap3A_455 : vector<1x1x1x16xf32> to vector<16xf32>
        %swap3A_457 = vector.shape_cast %add3A_448 : vector<16xf32> to vector<1x1x1x16xf32>
        tpu.vector_store %arg6[%swap3A_451, %swap3A_452, %swap3A_453, %swap3A_454], %swap3A_457 {strides = array<i32>} : memref<4x2x100x128xf32, #tpu.memory_space<vmem>>, vector<1x1x1x16xf32>,
        %get3A_458 = arith.constant 1 : i32
        %get3A_459 = arith.constant 1 : i32
        %get3A_460 = arith.index_cast %get3A_458 : i32 to index
        %get3A_461 = arith.index_cast %get3A_459 : i32 to index
        %get3A_462 = arith.index_cast %scan3A_388 : i32 to index
        %get3A_463 = arith.constant 16 : index
        %get3A_464 = tpu.vector_load %arg6[%get3A_460, %get3A_461, %get3A_462, %get3A_463] {strides = array<i32>} : memref<4x2x100x128xf32, #tpu.memory_space<vmem>>, vector<1x1x1x16xf32>,
        %get3A_465 = vector.shape_cast %get3A_464 : vector<1x1x1x16xf32> to vector<16xf32>
        %mul3A_466 = arith.constant 8.000000e+00 : f32
        %mul3A_467 = vector.broadcast %mul3A_466 : f32 to vector<16xf32>
        %mul3A_468 = arith.mulf %get3A_465, %mul3A_467 : vector<16xf32>
        %add3A_469 = arith.addf %mul3A_468, %get3A_436 : vector<16xf32>
        %swap3A_470 = arith.constant 1 : i32
        %swap3A_471 = arith.constant 1 : i32
        %swap3A_472 = arith.index_cast %swap3A_470 : i32 to index
        %swap3A_473 = arith.index_cast %swap3A_471 : i32 to index
        %swap3A_474 = arith.index_cast %scan3A_388 : i32 to index
        %swap3A_475 = arith.constant 16 : index
        %swap3A_476 = tpu.vector_load %arg6[%swap3A_472, %swap3A_473, %swap3A_474, %swap3A_475] {strides = array<i32>} : memref<4x2x100x128xf32, #tpu.memory_space<vmem>>, vector<1x1x1x16xf32>,
        %swap3A_477 = vector.shape_cast %swap3A_476 : vector<1x1x1x16xf32> to vector<16xf32>
        %swap3A_478 = vector.shape_cast %add3A_469 : vector<16xf32> to vector<1x1x1x16xf32>
        tpu.vector_store %arg6[%swap3A_472, %swap3A_473, %swap3A_474, %swap3A_475], %swap3A_478 {strides = array<i32>} : memref<4x2x100x128xf32, #tpu.memory_space<vmem>>, vector<1x1x1x16xf32>,
        %get3A_479 = arith.index_cast %scan3A_388 : i32 to index
        %get3A_480 = arith.constant 32 : index
        %get3A_481 = tpu.vector_load %arg5[%get3A_479, %get3A_480] {strides = array<i32>} : memref<100x128xf32, #tpu.memory_space<vmem>>, vector<1x16xf32>,
        %get3A_482 = vector.shape_cast %get3A_481 : vector<1x16xf32> to vector<16xf32>
        %get3A_483 = arith.constant 1 : i32
        %get3A_484 = arith.constant 0 : i32
        %get3A_485 = arith.index_cast %get3A_483 : i32 to index
        %get3A_486 = arith.index_cast %get3A_484 : i32 to index
        %get3A_487 = arith.index_cast %scan3A_388 : i32 to index
        %get3A_488 = arith.constant 32 : index
        %get3A_489 = tpu.vector_load %arg6[%get3A_485, %get3A_486, %get3A_487, %get3A_488] {strides = array<i32>} : memref<4x2x100x128xf32, #tpu.memory_space<vmem>>, vector<1x1x1x16xf32>,
        %get3A_490 = vector.shape_cast %get3A_489 : vector<1x1x1x16xf32> to vector<16xf32>
        %mul3A_491 = arith.constant 8.000000e+00 : f32
        %mul3A_492 = vector.broadcast %mul3A_491 : f32 to vector<16xf32>
        %mul3A_493 = arith.mulf %get3A_490, %mul3A_492 : vector<16xf32>
        %add3A_494 = arith.addf %mul3A_493, %get3A_482 : vector<16xf32>
        %swap3A_495 = arith.constant 1 : i32
        %swap3A_496 = arith.constant 0 : i32
        %swap3A_497 = arith.index_cast %swap3A_495 : i32 to index
        %swap3A_498 = arith.index_cast %swap3A_496 : i32 to index
        %swap3A_499 = arith.index_cast %scan3A_388 : i32 to index
        %swap3A_500 = arith.constant 32 : index
        %swap3A_501 = tpu.vector_load %arg6[%swap3A_497, %swap3A_498, %swap3A_499, %swap3A_500] {strides = array<i32>} : memref<4x2x100x128xf32, #tpu.memory_space<vmem>>, vector<1x1x1x16xf32>,
        %swap3A_502 = vector.shape_cast %swap3A_501 : vector<1x1x1x16xf32> to vector<16xf32>
        %swap3A_503 = vector.shape_cast %add3A_494 : vector<16xf32> to vector<1x1x1x16xf32>
        tpu.vector_store %arg6[%swap3A_497, %swap3A_498, %swap3A_499, %swap3A_500], %swap3A_503 {strides = array<i32>} : memref<4x2x100x128xf32, #tpu.memory_space<vmem>>, vector<1x1x1x16xf32>,
        %get3A_504 = arith.constant 1 : i32
        %get3A_505 = arith.constant 1 : i32
        %get3A_506 = arith.index_cast %get3A_504 : i32 to index
        %get3A_507 = arith.index_cast %get3A_505 : i32 to index
        %get3A_508 = arith.index_cast %scan3A_388 : i32 to index
        %get3A_509 = arith.constant 32 : index
        %get3A_510 = tpu.vector_load %arg6[%get3A_506, %get3A_507, %get3A_508, %get3A_509] {strides = array<i32>} : memref<4x2x100x128xf32, #tpu.memory_space<vmem>>, vector<1x1x1x16xf32>,
        %get3A_511 = vector.shape_cast %get3A_510 : vector<1x1x1x16xf32> to vector<16xf32>
        %mul3A_512 = arith.constant 8.000000e+00 : f32
        %mul3A_513 = vector.broadcast %mul3A_512 : f32 to vector<16xf32>
        %mul3A_514 = arith.mulf %get3A_511, %mul3A_513 : vector<16xf32>
        %add3A_515 = arith.addf %mul3A_514, %get3A_482 : vector<16xf32>
        %swap3A_516 = arith.constant 1 : i32
        %swap3A_517 = arith.constant 1 : i32
        %swap3A_518 = arith.index_cast %swap3A_516 : i32 to index
        %swap3A_519 = arith.index_cast %swap3A_517 : i32 to index
        %swap3A_520 = arith.index_cast %scan3A_388 : i32 to index
        %swap3A_521 = arith.constant 32 : index
        %swap3A_522 = tpu.vector_load %arg6[%swap3A_518, %swap3A_519, %swap3A_520, %swap3A_521] {strides = array<i32>} : memref<4x2x100x128xf32, #tpu.memory_space<vmem>>, vector<1x1x1x16xf32>,
        %swap3A_523 = vector.shape_cast %swap3A_522 : vector<1x1x1x16xf32> to vector<16xf32>
        %swap3A_524 = vector.shape_cast %add3A_515 : vector<16xf32> to vector<1x1x1x16xf32>
        tpu.vector_store %arg6[%swap3A_518, %swap3A_519, %swap3A_520, %swap3A_521], %swap3A_524 {strides = array<i32>} : memref<4x2x100x128xf32, #tpu.memory_space<vmem>>, vector<1x1x1x16xf32>,
        %get3A_525 = arith.index_cast %scan3A_388 : i32 to index
        %get3A_526 = arith.constant 48 : index
        %get3A_527 = tpu.vector_load %arg5[%get3A_525, %get3A_526] {strides = array<i32>} : memref<100x128xf32, #tpu.memory_space<vmem>>, vector<1x16xf32>,
        %get3A_528 = vector.shape_cast %get3A_527 : vector<1x16xf32> to vector<16xf32>
        %get3A_529 = arith.constant 1 : i32
        %get3A_530 = arith.constant 0 : i32
        %get3A_531 = arith.index_cast %get3A_529 : i32 to index
        %get3A_532 = arith.index_cast %get3A_530 : i32 to index
        %get3A_533 = arith.index_cast %scan3A_388 : i32 to index
        %get3A_534 = arith.constant 48 : index
        %get3A_535 = tpu.vector_load %arg6[%get3A_531, %get3A_532, %get3A_533, %get3A_534] {strides = array<i32>} : memref<4x2x100x128xf32, #tpu.memory_space<vmem>>, vector<1x1x1x16xf32>,
        %get3A_536 = vector.shape_cast %get3A_535 : vector<1x1x1x16xf32> to vector<16xf32>
        %mul3A_537 = arith.constant 8.000000e+00 : f32
        %mul3A_538 = vector.broadcast %mul3A_537 : f32 to vector<16xf32>
        %mul3A_539 = arith.mulf %get3A_536, %mul3A_538 : vector<16xf32>
        %add3A_540 = arith.addf %mul3A_539, %get3A_528 : vector<16xf32>
        %swap3A_541 = arith.constant 1 : i32
        %swap3A_542 = arith.constant 0 : i32
        %swap3A_543 = arith.index_cast %swap3A_541 : i32 to index
        %swap3A_544 = arith.index_cast %swap3A_542 : i32 to index
        %swap3A_545 = arith.index_cast %scan3A_388 : i32 to index
        %swap3A_546 = arith.constant 48 : index
        %swap3A_547 = tpu.vector_load %arg6[%swap3A_543, %swap3A_544, %swap3A_545, %swap3A_546] {strides = array<i32>} : memref<4x2x100x128xf32, #tpu.memory_space<vmem>>, vector<1x1x1x16xf32>,
        %swap3A_548 = vector.shape_cast %swap3A_547 : vector<1x1x1x16xf32> to vector<16xf32>
        %swap3A_549 = vector.shape_cast %add3A_540 : vector<16xf32> to vector<1x1x1x16xf32>
        tpu.vector_store %arg6[%swap3A_543, %swap3A_544, %swap3A_545, %swap3A_546], %swap3A_549 {strides = array<i32>} : memref<4x2x100x128xf32, #tpu.memory_space<vmem>>, vector<1x1x1x16xf32>,
        %get3A_550 = arith.constant 1 : i32
        %get3A_551 = arith.constant 1 : i32
        %get3A_552 = arith.index_cast %get3A_550 : i32 to index
        %get3A_553 = arith.index_cast %get3A_551 : i32 to index
        %get3A_554 = arith.index_cast %scan3A_388 : i32 to index
        %get3A_555 = arith.constant 48 : index
        %get3A_556 = tpu.vector_load %arg6[%get3A_552, %get3A_553, %get3A_554, %get3A_555] {strides = array<i32>} : memref<4x2x100x128xf32, #tpu.memory_space<vmem>>, vector<1x1x1x16xf32>,
        %get3A_557 = vector.shape_cast %get3A_556 : vector<1x1x1x16xf32> to vector<16xf32>
        %mul3A_558 = arith.constant 8.000000e+00 : f32
        %mul3A_559 = vector.broadcast %mul3A_558 : f32 to vector<16xf32>
        %mul3A_560 = arith.mulf %get3A_557, %mul3A_559 : vector<16xf32>
        %add3A_561 = arith.addf %mul3A_560, %get3A_528 : vector<16xf32>
        %swap3A_562 = arith.constant 1 : i32
        %swap3A_563 = arith.constant 1 : i32
        %swap3A_564 = arith.index_cast %swap3A_562 : i32 to index
        %swap3A_565 = arith.index_cast %swap3A_563 : i32 to index
        %swap3A_566 = arith.index_cast %scan3A_388 : i32 to index
        %swap3A_567 = arith.constant 48 : index
        %swap3A_568 = tpu.vector_load %arg6[%swap3A_564, %swap3A_565, %swap3A_566, %swap3A_567] {strides = array<i32>} : memref<4x2x100x128xf32, #tpu.memory_space<vmem>>, vector<1x1x1x16xf32>,
        %swap3A_569 = vector.shape_cast %swap3A_568 : vector<1x1x1x16xf32> to vector<16xf32>
        %swap3A_570 = vector.shape_cast %add3A_561 : vector<16xf32> to vector<1x1x1x16xf32>
        tpu.vector_store %arg6[%swap3A_564, %swap3A_565, %swap3A_566, %swap3A_567], %swap3A_570 {strides = array<i32>} : memref<4x2x100x128xf32, #tpu.memory_space<vmem>>, vector<1x1x1x16xf32>,
        %get3A_571 = arith.index_cast %scan3A_388 : i32 to index
        %get3A_572 = arith.constant 64 : index
        %get3A_573 = tpu.vector_load %arg5[%get3A_571, %get3A_572] {strides = array<i32>} : memref<100x128xf32, #tpu.memory_space<vmem>>, vector<1x16xf32>,
        %get3A_574 = vector.shape_cast %get3A_573 : vector<1x16xf32> to vector<16xf32>
        %get3A_575 = arith.constant 1 : i32
        %get3A_576 = arith.constant 0 : i32
        %get3A_577 = arith.index_cast %get3A_575 : i32 to index
        %get3A_578 = arith.index_cast %get3A_576 : i32 to index
        %get3A_579 = arith.index_cast %scan3A_388 : i32 to index
        %get3A_580 = arith.constant 64 : index
        %get3A_581 = tpu.vector_load %arg6[%get3A_577, %get3A_578, %get3A_579, %get3A_580] {strides = array<i32>} : memref<4x2x100x128xf32, #tpu.memory_space<vmem>>, vector<1x1x1x16xf32>,
        %get3A_582 = vector.shape_cast %get3A_581 : vector<1x1x1x16xf32> to vector<16xf32>
        %mul3A_583 = arith.constant 8.000000e+00 : f32
        %mul3A_584 = vector.broadcast %mul3A_583 : f32 to vector<16xf32>
        %mul3A_585 = arith.mulf %get3A_582, %mul3A_584 : vector<16xf32>
        %add3A_586 = arith.addf %mul3A_585, %get3A_574 : vector<16xf32>
        %swap3A_587 = arith.constant 1 : i32
        %swap3A_588 = arith.constant 0 : i32
        %swap3A_589 = arith.index_cast %swap3A_587 : i32 to index
        %swap3A_590 = arith.index_cast %swap3A_588 : i32 to index
        %swap3A_591 = arith.index_cast %scan3A_388 : i32 to index
        %swap3A_592 = arith.constant 64 : index
        %swap3A_593 = tpu.vector_load %arg6[%swap3A_589, %swap3A_590, %swap3A_591, %swap3A_592] {strides = array<i32>} : memref<4x2x100x128xf32, #tpu.memory_space<vmem>>, vector<1x1x1x16xf32>,
        %swap3A_594 = vector.shape_cast %swap3A_593 : vector<1x1x1x16xf32> to vector<16xf32>
        %swap3A_595 = vector.shape_cast %add3A_586 : vector<16xf32> to vector<1x1x1x16xf32>
        tpu.vector_store %arg6[%swap3A_589, %swap3A_590, %swap3A_591, %swap3A_592], %swap3A_595 {strides = array<i32>} : memref<4x2x100x128xf32, #tpu.memory_space<vmem>>, vector<1x1x1x16xf32>,
        %get3A_596 = arith.constant 1 : i32
        %get3A_597 = arith.constant 1 : i32
        %get3A_598 = arith.index_cast %get3A_596 : i32 to index
        %get3A_599 = arith.index_cast %get3A_597 : i32 to index
        %get3A_600 = arith.index_cast %scan3A_388 : i32 to index
        %get3A_601 = arith.constant 64 : index
        %get3A_602 = tpu.vector_load %arg6[%get3A_598, %get3A_599, %get3A_600, %get3A_601] {strides = array<i32>} : memref<4x2x100x128xf32, #tpu.memory_space<vmem>>, vector<1x1x1x16xf32>,
        %get3A_603 = vector.shape_cast %get3A_602 : vector<1x1x1x16xf32> to vector<16xf32>
        %mul3A_604 = arith.constant 8.000000e+00 : f32
        %mul3A_605 = vector.broadcast %mul3A_604 : f32 to vector<16xf32>
        %mul3A_606 = arith.mulf %get3A_603, %mul3A_605 : vector<16xf32>
        %add3A_607 = arith.addf %mul3A_606, %get3A_574 : vector<16xf32>
        %swap3A_608 = arith.constant 1 : i32
        %swap3A_609 = arith.constant 1 : i32
        %swap3A_610 = arith.index_cast %swap3A_608 : i32 to index
        %swap3A_611 = arith.index_cast %swap3A_609 : i32 to index
        %swap3A_612 = arith.index_cast %scan3A_388 : i32 to index
        %swap3A_613 = arith.constant 64 : index
        %swap3A_614 = tpu.vector_load %arg6[%swap3A_610, %swap3A_611, %swap3A_612, %swap3A_613] {strides = array<i32>} : memref<4x2x100x128xf32, #tpu.memory_space<vmem>>, vector<1x1x1x16xf32>,
        %swap3A_615 = vector.shape_cast %swap3A_614 : vector<1x1x1x16xf32> to vector<16xf32>
        %swap3A_616 = vector.shape_cast %add3A_607 : vector<16xf32> to vector<1x1x1x16xf32>
        tpu.vector_store %arg6[%swap3A_610, %swap3A_611, %swap3A_612, %swap3A_613], %swap3A_616 {strides = array<i32>} : memref<4x2x100x128xf32, #tpu.memory_space<vmem>>, vector<1x1x1x16xf32>,
        %get3A_617 = arith.index_cast %scan3A_388 : i32 to index
        %get3A_618 = arith.constant 80 : index
        %get3A_619 = tpu.vector_load %arg5[%get3A_617, %get3A_618] {strides = array<i32>} : memref<100x128xf32, #tpu.memory_space<vmem>>, vector<1x16xf32>,
        %get3A_620 = vector.shape_cast %get3A_619 : vector<1x16xf32> to vector<16xf32>
        %get3A_621 = arith.constant 1 : i32
        %get3A_622 = arith.constant 0 : i32
        %get3A_623 = arith.index_cast %get3A_621 : i32 to index
        %get3A_624 = arith.index_cast %get3A_622 : i32 to index
        %get3A_625 = arith.index_cast %scan3A_388 : i32 to index
        %get3A_626 = arith.constant 80 : index
        %get3A_627 = tpu.vector_load %arg6[%get3A_623, %get3A_624, %get3A_625, %get3A_626] {strides = array<i32>} : memref<4x2x100x128xf32, #tpu.memory_space<vmem>>, vector<1x1x1x16xf32>,
        %get3A_628 = vector.shape_cast %get3A_627 : vector<1x1x1x16xf32> to vector<16xf32>
        %mul3A_629 = arith.constant 8.000000e+00 : f32
        %mul3A_630 = vector.broadcast %mul3A_629 : f32 to vector<16xf32>
        %mul3A_631 = arith.mulf %get3A_628, %mul3A_630 : vector<16xf32>
        %add3A_632 = arith.addf %mul3A_631, %get3A_620 : vector<16xf32>
        %swap3A_633 = arith.constant 1 : i32
        %swap3A_634 = arith.constant 0 : i32
        %swap3A_635 = arith.index_cast %swap3A_633 : i32 to index
        %swap3A_636 = arith.index_cast %swap3A_634 : i32 to index
        %swap3A_637 = arith.index_cast %scan3A_388 : i32 to index
        %swap3A_638 = arith.constant 80 : index
        %swap3A_639 = tpu.vector_load %arg6[%swap3A_635, %swap3A_636, %swap3A_637, %swap3A_638] {strides = array<i32>} : memref<4x2x100x128xf32, #tpu.memory_space<vmem>>, vector<1x1x1x16xf32>,
        %swap3A_640 = vector.shape_cast %swap3A_639 : vector<1x1x1x16xf32> to vector<16xf32>
        %swap3A_641 = vector.shape_cast %add3A_632 : vector<16xf32> to vector<1x1x1x16xf32>
        tpu.vector_store %arg6[%swap3A_635, %swap3A_636, %swap3A_637, %swap3A_638], %swap3A_641 {strides = array<i32>} : memref<4x2x100x128xf32, #tpu.memory_space<vmem>>, vector<1x1x1x16xf32>,
        %get3A_642 = arith.constant 1 : i32
        %get3A_643 = arith.constant 1 : i32
        %get3A_644 = arith.index_cast %get3A_642 : i32 to index
        %get3A_645 = arith.index_cast %get3A_643 : i32 to index
        %get3A_646 = arith.index_cast %scan3A_388 : i32 to index
        %get3A_647 = arith.constant 80 : index
        %get3A_648 = tpu.vector_load %arg6[%get3A_644, %get3A_645, %get3A_646, %get3A_647] {strides = array<i32>} : memref<4x2x100x128xf32, #tpu.memory_space<vmem>>, vector<1x1x1x16xf32>,
        %get3A_649 = vector.shape_cast %get3A_648 : vector<1x1x1x16xf32> to vector<16xf32>
        %mul3A_650 = arith.constant 8.000000e+00 : f32
        %mul3A_651 = vector.broadcast %mul3A_650 : f32 to vector<16xf32>
        %mul3A_652 = arith.mulf %get3A_649, %mul3A_651 : vector<16xf32>
        %add3A_653 = arith.addf %mul3A_652, %get3A_620 : vector<16xf32>
        %swap3A_654 = arith.constant 1 : i32
        %swap3A_655 = arith.constant 1 : i32
        %swap3A_656 = arith.index_cast %swap3A_654 : i32 to index
        %swap3A_657 = arith.index_cast %swap3A_655 : i32 to index
        %swap3A_658 = arith.index_cast %scan3A_388 : i32 to index
        %swap3A_659 = arith.constant 80 : index
        %swap3A_660 = tpu.vector_load %arg6[%swap3A_656, %swap3A_657, %swap3A_658, %swap3A_659] {strides = array<i32>} : memref<4x2x100x128xf32, #tpu.memory_space<vmem>>, vector<1x1x1x16xf32>,
        %swap3A_661 = vector.shape_cast %swap3A_660 : vector<1x1x1x16xf32> to vector<16xf32>
        %swap3A_662 = vector.shape_cast %add3A_653 : vector<16xf32> to vector<1x1x1x16xf32>
        tpu.vector_store %arg6[%swap3A_656, %swap3A_657, %swap3A_658, %swap3A_659], %swap3A_662 {strides = array<i32>} : memref<4x2x100x128xf32, #tpu.memory_space<vmem>>, vector<1x1x1x16xf32>,
        %get3A_663 = arith.index_cast %scan3A_388 : i32 to index
        %get3A_664 = arith.constant 96 : index
        %get3A_665 = tpu.vector_load %arg5[%get3A_663, %get3A_664] {strides = array<i32>} : memref<100x128xf32, #tpu.memory_space<vmem>>, vector<1x16xf32>,
        %get3A_666 = vector.shape_cast %get3A_665 : vector<1x16xf32> to vector<16xf32>
        %get3A_667 = arith.constant 1 : i32
        %get3A_668 = arith.constant 0 : i32
        %get3A_669 = arith.index_cast %get3A_667 : i32 to index
        %get3A_670 = arith.index_cast %get3A_668 : i32 to index
        %get3A_671 = arith.index_cast %scan3A_388 : i32 to index
        %get3A_672 = arith.constant 96 : index
        %get3A_673 = tpu.vector_load %arg6[%get3A_669, %get3A_670, %get3A_671, %get3A_672] {strides = array<i32>} : memref<4x2x100x128xf32, #tpu.memory_space<vmem>>, vector<1x1x1x16xf32>,
        %get3A_674 = vector.shape_cast %get3A_673 : vector<1x1x1x16xf32> to vector<16xf32>
        %mul3A_675 = arith.constant 8.000000e+00 : f32
        %mul3A_676 = vector.broadcast %mul3A_675 : f32 to vector<16xf32>
        %mul3A_677 = arith.mulf %get3A_674, %mul3A_676 : vector<16xf32>
        %add3A_678 = arith.addf %mul3A_677, %get3A_666 : vector<16xf32>
        %swap3A_679 = arith.constant 1 : i32
        %swap3A_680 = arith.constant 0 : i32
        %swap3A_681 = arith.index_cast %swap3A_679 : i32 to index
        %swap3A_682 = arith.index_cast %swap3A_680 : i32 to index
        %swap3A_683 = arith.index_cast %scan3A_388 : i32 to index
        %swap3A_684 = arith.constant 96 : index
        %swap3A_685 = tpu.vector_load %arg6[%swap3A_681, %swap3A_682, %swap3A_683, %swap3A_684] {strides = array<i32>} : memref<4x2x100x128xf32, #tpu.memory_space<vmem>>, vector<1x1x1x16xf32>,
        %swap3A_686 = vector.shape_cast %swap3A_685 : vector<1x1x1x16xf32> to vector<16xf32>
        %swap3A_687 = vector.shape_cast %add3A_678 : vector<16xf32> to vector<1x1x1x16xf32>
        tpu.vector_store %arg6[%swap3A_681, %swap3A_682, %swap3A_683, %swap3A_684], %swap3A_687 {strides = array<i32>} : memref<4x2x100x128xf32, #tpu.memory_space<vmem>>, vector<1x1x1x16xf32>,
        %get3A_688 = arith.constant 1 : i32
        %get3A_689 = arith.constant 1 : i32
        %get3A_690 = arith.index_cast %get3A_688 : i32 to index
        %get3A_691 = arith.index_cast %get3A_689 : i32 to index
        %get3A_692 = arith.index_cast %scan3A_388 : i32 to index
        %get3A_693 = arith.constant 96 : index
        %get3A_694 = tpu.vector_load %arg6[%get3A_690, %get3A_691, %get3A_692, %get3A_693] {strides = array<i32>} : memref<4x2x100x128xf32, #tpu.memory_space<vmem>>, vector<1x1x1x16xf32>,
        %get3A_695 = vector.shape_cast %get3A_694 : vector<1x1x1x16xf32> to vector<16xf32>
        %mul3A_696 = arith.constant 8.000000e+00 : f32
        %mul3A_697 = vector.broadcast %mul3A_696 : f32 to vector<16xf32>
        %mul3A_698 = arith.mulf %get3A_695, %mul3A_697 : vector<16xf32>
        %add3A_699 = arith.addf %mul3A_698, %get3A_666 : vector<16xf32>
        %swap3A_700 = arith.constant 1 : i32
        %swap3A_701 = arith.constant 1 : i32
        %swap3A_702 = arith.index_cast %swap3A_700 : i32 to index
        %swap3A_703 = arith.index_cast %swap3A_701 : i32 to index
        %swap3A_704 = arith.index_cast %scan3A_388 : i32 to index
        %swap3A_705 = arith.constant 96 : index
        %swap3A_706 = tpu.vector_load %arg6[%swap3A_702, %swap3A_703, %swap3A_704, %swap3A_705] {strides = array<i32>} : memref<4x2x100x128xf32, #tpu.memory_space<vmem>>, vector<1x1x1x16xf32>,
        %swap3A_707 = vector.shape_cast %swap3A_706 : vector<1x1x1x16xf32> to vector<16xf32>
        %swap3A_708 = vector.shape_cast %add3A_699 : vector<16xf32> to vector<1x1x1x16xf32>
        tpu.vector_store %arg6[%swap3A_702, %swap3A_703, %swap3A_704, %swap3A_705], %swap3A_708 {strides = array<i32>} : memref<4x2x100x128xf32, #tpu.memory_space<vmem>>, vector<1x1x1x16xf32>,
        %get3A_709 = arith.index_cast %scan3A_388 : i32 to index
        %get3A_710 = arith.constant 112 : index
        %get3A_711 = tpu.vector_load %arg5[%get3A_709, %get3A_710] {strides = array<i32>} : memref<100x128xf32, #tpu.memory_space<vmem>>, vector<1x16xf32>,
        %get3A_712 = vector.shape_cast %get3A_711 : vector<1x16xf32> to vector<16xf32>
        %get3A_713 = arith.constant 1 : i32
        %get3A_714 = arith.constant 0 : i32
        %get3A_715 = arith.index_cast %get3A_713 : i32 to index
        %get3A_716 = arith.index_cast %get3A_714 : i32 to index
        %get3A_717 = arith.index_cast %scan3A_388 : i32 to index
        %get3A_718 = arith.constant 112 : index
        %get3A_719 = tpu.vector_load %arg6[%get3A_715, %get3A_716, %get3A_717, %get3A_718] {strides = array<i32>} : memref<4x2x100x128xf32, #tpu.memory_space<vmem>>, vector<1x1x1x16xf32>,
        %get3A_720 = vector.shape_cast %get3A_719 : vector<1x1x1x16xf32> to vector<16xf32>
        %mul3A_721 = arith.constant 8.000000e+00 : f32
        %mul3A_722 = vector.broadcast %mul3A_721 : f32 to vector<16xf32>
        %mul3A_723 = arith.mulf %get3A_720, %mul3A_722 : vector<16xf32>
        %add3A_724 = arith.addf %mul3A_723, %get3A_712 : vector<16xf32>
        %swap3A_725 = arith.constant 1 : i32
        %swap3A_726 = arith.constant 0 : i32
        %swap3A_727 = arith.index_cast %swap3A_725 : i32 to index
        %swap3A_728 = arith.index_cast %swap3A_726 : i32 to index
        %swap3A_729 = arith.index_cast %scan3A_388 : i32 to index
        %swap3A_730 = arith.constant 112 : index
        %swap3A_731 = tpu.vector_load %arg6[%swap3A_727, %swap3A_728, %swap3A_729, %swap3A_730] {strides = array<i32>} : memref<4x2x100x128xf32, #tpu.memory_space<vmem>>, vector<1x1x1x16xf32>,
        %swap3A_732 = vector.shape_cast %swap3A_731 : vector<1x1x1x16xf32> to vector<16xf32>
        %swap3A_733 = vector.shape_cast %add3A_724 : vector<16xf32> to vector<1x1x1x16xf32>
        tpu.vector_store %arg6[%swap3A_727, %swap3A_728, %swap3A_729, %swap3A_730], %swap3A_733 {strides = array<i32>} : memref<4x2x100x128xf32, #tpu.memory_space<vmem>>, vector<1x1x1x16xf32>,
        %get3A_734 = arith.constant 1 : i32
        %get3A_735 = arith.constant 1 : i32
        %get3A_736 = arith.index_cast %get3A_734 : i32 to index
        %get3A_737 = arith.index_cast %get3A_735 : i32 to index
        %get3A_738 = arith.index_cast %scan3A_388 : i32 to index
        %get3A_739 = arith.constant 112 : index
        %get3A_740 = tpu.vector_load %arg6[%get3A_736, %get3A_737, %get3A_738, %get3A_739] {strides = array<i32>} : memref<4x2x100x128xf32, #tpu.memory_space<vmem>>, vector<1x1x1x16xf32>,
        %get3A_741 = vector.shape_cast %get3A_740 : vector<1x1x1x16xf32> to vector<16xf32>
        %mul3A_742 = arith.constant 8.000000e+00 : f32
        %mul3A_743 = vector.broadcast %mul3A_742 : f32 to vector<16xf32>
        %mul3A_744 = arith.mulf %get3A_741, %mul3A_743 : vector<16xf32>
        %add3A_745 = arith.addf %mul3A_744, %get3A_712 : vector<16xf32>
        %swap3A_746 = arith.constant 1 : i32
        %swap3A_747 = arith.constant 1 : i32
        %swap3A_748 = arith.index_cast %swap3A_746 : i32 to index
        %swap3A_749 = arith.index_cast %swap3A_747 : i32 to index
        %swap3A_750 = arith.index_cast %scan3A_388 : i32 to index
        %swap3A_751 = arith.constant 112 : index
        %swap3A_752 = tpu.vector_load %arg6[%swap3A_748, %swap3A_749, %swap3A_750, %swap3A_751] {strides = array<i32>} : memref<4x2x100x128xf32, #tpu.memory_space<vmem>>, vector<1x1x1x16xf32>,
        %swap3A_753 = vector.shape_cast %swap3A_752 : vector<1x1x1x16xf32> to vector<16xf32>
        %swap3A_754 = vector.shape_cast %add3A_745 : vector<16xf32> to vector<1x1x1x16xf32>
        tpu.vector_store %arg6[%swap3A_748, %swap3A_749, %swap3A_750, %swap3A_751], %swap3A_754 {strides = array<i32>} : memref<4x2x100x128xf32, #tpu.memory_space<vmem>>, vector<1x1x1x16xf32>,
      }
      %scan3A_238 = arith.constant 100 : i32
      %mul3A_239 = arith.constant 2 : i32
      %mul3A_240 = arith.muli %add3A_202, %mul3A_239 : i32
      %add3A_241 = arith.addi %mul3A_2, %mul3A_240 : i32
      %dma_start3A_242 = arith.constant 1 : i32
      %dma_start3A_243 = arith.constant 1 : i32
      %dma_start3A_244 = arith.constant 0 : i32
      %dma_start3A_245 = arith.constant 0 : i32
      %dma_start3A_246 = arith.constant 0 : i32
      %dma_start3A_247 = tpu.memref_slice %arg6[%dma_start3A_242, %dma_start3A_244, %dma_start3A_245, %dma_start3A_246] : memref<4x2x100x128xf32, #tpu.memory_space<vmem>> -> memref<1x2x100x128xf32, #tpu.memory_space<vmem>>
      %dma_start3A_248 = tpu.memref_squeeze %dma_start3A_247 : memref<1x2x100x128xf32, #tpu.memory_space<vmem>> -> memref<2x100x128xf32, #tpu.memory_space<vmem>>
      %dma_start3A_249 = arith.constant 0 : i32
      %dma_start3A_250 = arith.constant 0 : i32
      %dma_start3A_251 = tpu.memref_slice %arg4[%add3A_241, %dma_start3A_249, %dma_start3A_250] : memref<4096x100x128xf32, #tpu.memory_space<hbm>> -> memref<2x100x128xf32, #tpu.memory_space<hbm>>
      %dma_start3A_252 = tpu.memref_slice %arg8[%dma_start3A_243] : memref<4x!tpu.dma_semaphore, #tpu.memory_space<semaphore_mem>> -> memref<1x!tpu.dma_semaphore, #tpu.memory_space<semaphore_mem>>
      %dma_start3A_253 = tpu.memref_squeeze %dma_start3A_252 : memref<1x!tpu.dma_semaphore, #tpu.memory_space<semaphore_mem>> -> memref<!tpu.dma_semaphore, #tpu.memory_space<semaphore_mem>>
      %dma_start3A_254 = arith.constant 0 : i32
      %dma_start3A_255 = arith.constant 0 : i32
      %dma_start3A_256 = tpu.memref_slice %arg4[%add3A_241, %dma_start3A_254, %dma_start3A_255] : memref<4096x100x128xf32, #tpu.memory_space<hbm>> -> memref<2x100x128xf32, #tpu.memory_space<hbm>>
      %dma_start3A_257 = arith.constant 0 : i32
      %dma_start3A_258 = arith.constant 0 : i32
      %dma_start3A_259 = arith.constant 0 : i32
      %dma_start3A_260 = tpu.memref_slice %arg6[%dma_start3A_242, %dma_start3A_257, %dma_start3A_258, %dma_start3A_259] : memref<4x2x100x128xf32, #tpu.memory_space<vmem>> -> memref<1x2x100x128xf32, #tpu.memory_space<vmem>>
      %dma_start3A_261 = tpu.memref_squeeze %dma_start3A_260 : memref<1x2x100x128xf32, #tpu.memory_space<vmem>> -> memref<2x100x128xf32, #tpu.memory_space<vmem>>
      tpu.enqueue_dma source(%dma_start3A_261 : memref<2x100x128xf32, #tpu.memory_space<vmem>>) target(%dma_start3A_256 : memref<2x100x128xf32, #tpu.memory_space<hbm>>) target_semaphore(%dma_start3A_253 : memref<!tpu.dma_semaphore, #tpu.memory_space<semaphore_mem>>)
      %mul3A_262 = arith.constant 4 : i32
      %mul3A_263 = arith.muli %scan3A_138, %mul3A_262 : i32
      %add3A_264 = arith.constant 2 : i32
      %add3A_265 = arith.addi %mul3A_263, %add3A_264 : i32
      %add3A_266 = arith.constant 2 : i32
      %add3A_267 = arith.addi %add3A_265, %add3A_266 : i32
      %lt3A_268 = arith.constant 64 : i32
      %lt3A_269 = arith.cmpi slt, %add3A_267, %lt3A_268 : i32
      %convert_element_type3A_270 = arith.extui %lt3A_269 : i1 to i32
      %cond3A_271 = arith.constant 0 : i32
      %cond3A_272 = arith.cmpi ne, %convert_element_type3A_270, %cond3A_271 : i32
      scf.if %cond3A_272 {
        %ge3A = arith.constant 4 : i32
        %ge3A_388 = arith.cmpi sge, %add3A_267, %ge3A : i32
        %convert_element_type3A_389 = arith.extui %ge3A_388 : i1 to i32
        %cond3A_390 = arith.constant 0 : i32
        %cond3A_391 = arith.cmpi ne, %convert_element_type3A_389, %cond3A_390 : i32
        scf.if %cond3A_391 {
          %sub3A = arith.constant 4 : i32
          %sub3A_415 = arith.subi %add3A_267, %sub3A : i32
          %mul3A_416 = arith.constant 2 : i32
          %mul3A_417 = arith.muli %sub3A_415, %mul3A_416 : i32
          %add3A_418 = arith.addi %mul3A_2, %mul3A_417 : i32
          %dma_wait3A_419 = arith.constant 0 : i32
          %dma_wait3A_420 = arith.constant 0 : i32
          %dma_wait3A_421 = arith.constant 0 : i32
          %dma_wait3A_422 = arith.constant 0 : i32
          %dma_wait3A_423 = arith.constant 0 : i32
          %dma_wait3A_424 = tpu.memref_slice %arg6[%dma_wait3A_419, %dma_wait3A_421, %dma_wait3A_422, %dma_wait3A_423] : memref<4x2x100x128xf32, #tpu.memory_space<vmem>> -> memref<1x2x100x128xf32, #tpu.memory_space<vmem>>
          %dma_wait3A_425 = tpu.memref_squeeze %dma_wait3A_424 : memref<1x2x100x128xf32, #tpu.memory_space<vmem>> -> memref<2x100x128xf32, #tpu.memory_space<vmem>>
          %dma_wait3A_426 = arith.constant 0 : i32
          %dma_wait3A_427 = arith.constant 0 : i32
          %dma_wait3A_428 = tpu.memref_slice %arg4[%add3A_418, %dma_wait3A_426, %dma_wait3A_427] : memref<4096x100x128xf32, #tpu.memory_space<hbm>> -> memref<2x100x128xf32, #tpu.memory_space<hbm>>
          %dma_wait3A_429 = tpu.memref_slice %arg8[%dma_wait3A_420] : memref<4x!tpu.dma_semaphore, #tpu.memory_space<semaphore_mem>> -> memref<1x!tpu.dma_semaphore, #tpu.memory_space<semaphore_mem>>
          %dma_wait3A_430 = tpu.memref_squeeze %dma_wait3A_429 : memref<1x!tpu.dma_semaphore, #tpu.memory_space<semaphore_mem>> -> memref<!tpu.dma_semaphore, #tpu.memory_space<semaphore_mem>>
          %dma_wait3A_431 = arith.constant 0 : i32
          %dma_wait3A_432 = arith.constant 0 : i32
          %dma_wait3A_433 = tpu.memref_slice %arg4[%add3A_418, %dma_wait3A_431, %dma_wait3A_432] : memref<4096x100x128xf32, #tpu.memory_space<hbm>> -> memref<2x100x128xf32, #tpu.memory_space<hbm>>
          %dma_wait3A_434 = arith.constant 0 : i32
          %dma_wait3A_435 = arith.constant 0 : i32
          %dma_wait3A_436 = arith.constant 0 : i32
          %dma_wait3A_437 = tpu.memref_slice %arg6[%dma_wait3A_419, %dma_wait3A_434, %dma_wait3A_435, %dma_wait3A_436] : memref<4x2x100x128xf32, #tpu.memory_space<vmem>> -> memref<1x2x100x128xf32, #tpu.memory_space<vmem>>
          %dma_wait3A_438 = tpu.memref_squeeze %dma_wait3A_437 : memref<1x2x100x128xf32, #tpu.memory_space<vmem>> -> memref<2x100x128xf32, #tpu.memory_space<vmem>>
          tpu.wait_dma2 semaphore(%dma_wait3A_430 : memref<!tpu.dma_semaphore, #tpu.memory_space<semaphore_mem>>) src(%dma_wait3A_438 : memref<2x100x128xf32, #tpu.memory_space<vmem>>) dst(%dma_wait3A_433 : memref<2x100x128xf32, #tpu.memory_space<hbm>>)
        } else {
        }
        %mul3A_392 = arith.constant 2 : i32
        %mul3A_393 = arith.muli %add3A_267, %mul3A_392 : i32
        %add3A_394 = arith.addi %mul3A_2, %mul3A_393 : i32
        %dma_start3A_395 = arith.constant 0 : i32
        %dma_start3A_396 = arith.constant 0 : i32
        %dma_start3A_397 = arith.constant 0 : i32
        %dma_start3A_398 = arith.constant 0 : i32
        %dma_start3A_399 = arith.constant 0 : i32
        %dma_start3A_400 = tpu.memref_slice %arg6[%dma_start3A_395, %dma_start3A_397, %dma_start3A_398, %dma_start3A_399] : memref<4x2x100x128xf32, #tpu.memory_space<vmem>> -> memref<1x2x100x128xf32, #tpu.memory_space<vmem>>
        %dma_start3A_401 = tpu.memref_squeeze %dma_start3A_400 : memref<1x2x100x128xf32, #tpu.memory_space<vmem>> -> memref<2x100x128xf32, #tpu.memory_space<vmem>>
        %dma_start3A_402 = arith.constant 0 : i32
        %dma_start3A_403 = arith.constant 0 : i32
        %dma_start3A_404 = tpu.memref_slice %arg2[%add3A_394, %dma_start3A_402, %dma_start3A_403] : memref<4096x100x128xf32, #tpu.memory_space<hbm>> -> memref<2x100x128xf32, #tpu.memory_space<hbm>>
        %dma_start3A_405 = tpu.memref_slice %arg7[%dma_start3A_396] : memref<4x!tpu.dma_semaphore, #tpu.memory_space<semaphore_mem>> -> memref<1x!tpu.dma_semaphore, #tpu.memory_space<semaphore_mem>>
        %dma_start3A_406 = tpu.memref_squeeze %dma_start3A_405 : memref<1x!tpu.dma_semaphore, #tpu.memory_space<semaphore_mem>> -> memref<!tpu.dma_semaphore, #tpu.memory_space<semaphore_mem>>
        %dma_start3A_407 = arith.constant 0 : i32
        %dma_start3A_408 = arith.constant 0 : i32
        %dma_start3A_409 = arith.constant 0 : i32
        %dma_start3A_410 = tpu.memref_slice %arg6[%dma_start3A_395, %dma_start3A_407, %dma_start3A_408, %dma_start3A_409] : memref<4x2x100x128xf32, #tpu.memory_space<vmem>> -> memref<1x2x100x128xf32, #tpu.memory_space<vmem>>
        %dma_start3A_411 = tpu.memref_squeeze %dma_start3A_410 : memref<1x2x100x128xf32, #tpu.memory_space<vmem>> -> memref<2x100x128xf32, #tpu.memory_space<vmem>>
        %dma_start3A_412 = arith.constant 0 : i32
        %dma_start3A_413 = arith.constant 0 : i32
        %dma_start3A_414 = tpu.memref_slice %arg2[%add3A_394, %dma_start3A_412, %dma_start3A_413] : memref<4096x100x128xf32, #tpu.memory_space<hbm>> -> memref<2x100x128xf32, #tpu.memory_space<hbm>>
        tpu.enqueue_dma source(%dma_start3A_414 : memref<2x100x128xf32, #tpu.memory_space<hbm>>) target(%dma_start3A_411 : memref<2x100x128xf32, #tpu.memory_space<vmem>>) target_semaphore(%dma_start3A_406 : memref<!tpu.dma_semaphore, #tpu.memory_space<semaphore_mem>>)
      } else {
      }
      %mul3A_273 = arith.constant 2 : i32
      %mul3A_274 = arith.muli %add3A_265, %mul3A_273 : i32
      %add3A_275 = arith.addi %mul3A_2, %mul3A_274 : i32
      %dma_wait3A_276 = arith.constant 2 : i32
      %dma_wait3A_277 = arith.constant 2 : i32
      %dma_wait3A_278 = arith.constant 0 : i32
      %dma_wait3A_279 = arith.constant 0 : i32
      %dma_wait3A_280 = arith.constant 0 : i32
      %dma_wait3A_281 = tpu.memref_slice %arg6[%dma_wait3A_276, %dma_wait3A_278, %dma_wait3A_279, %dma_wait3A_280] : memref<4x2x100x128xf32, #tpu.memory_space<vmem>> -> memref<1x2x100x128xf32, #tpu.memory_space<vmem>>
      %dma_wait3A_282 = tpu.memref_squeeze %dma_wait3A_281 : memref<1x2x100x128xf32, #tpu.memory_space<vmem>> -> memref<2x100x128xf32, #tpu.memory_space<vmem>>
      %dma_wait3A_283 = arith.constant 0 : i32
      %dma_wait3A_284 = arith.constant 0 : i32
      %dma_wait3A_285 = tpu.memref_slice %arg2[%add3A_275, %dma_wait3A_283, %dma_wait3A_284] : memref<4096x100x128xf32, #tpu.memory_space<hbm>> -> memref<2x100x128xf32, #tpu.memory_space<hbm>>
      %dma_wait3A_286 = tpu.memref_slice %arg7[%dma_wait3A_277] : memref<4x!tpu.dma_semaphore, #tpu.memory_space<semaphore_mem>> -> memref<1x!tpu.dma_semaphore, #tpu.memory_space<semaphore_mem>>
      %dma_wait3A_287 = tpu.memref_squeeze %dma_wait3A_286 : memref<1x!tpu.dma_semaphore, #tpu.memory_space<semaphore_mem>> -> memref<!tpu.dma_semaphore, #tpu.memory_space<semaphore_mem>>
      %dma_wait3A_288 = arith.constant 0 : i32
      %dma_wait3A_289 = arith.constant 0 : i32
      %dma_wait3A_290 = arith.constant 0 : i32
      %dma_wait3A_291 = tpu.memref_slice %arg6[%dma_wait3A_276, %dma_wait3A_288, %dma_wait3A_289, %dma_wait3A_290] : memref<4x2x100x128xf32, #tpu.memory_space<vmem>> -> memref<1x2x100x128xf32, #tpu.memory_space<vmem>>
      %dma_wait3A_292 = tpu.memref_squeeze %dma_wait3A_291 : memref<1x2x100x128xf32, #tpu.memory_space<vmem>> -> memref<2x100x128xf32, #tpu.memory_space<vmem>>
      %dma_wait3A_293 = arith.constant 0 : i32
      %dma_wait3A_294 = arith.constant 0 : i32
      %dma_wait3A_295 = tpu.memref_slice %arg2[%add3A_275, %dma_wait3A_293, %dma_wait3A_294] : memref<4096x100x128xf32, #tpu.memory_space<hbm>> -> memref<2x100x128xf32, #tpu.memory_space<hbm>>
      tpu.wait_dma2 semaphore(%dma_wait3A_287 : memref<!tpu.dma_semaphore, #tpu.memory_space<semaphore_mem>>) src(%dma_wait3A_295 : memref<2x100x128xf32, #tpu.memory_space<hbm>>) dst(%dma_wait3A_292 : memref<2x100x128xf32, #tpu.memory_space<vmem>>)
      %scan3A_296 = arith.constant 0 : i32
      %scan3A_297 = arith.constant 0 : i32
      %scan3A_298 = arith.constant 100 : i32
      %scan3A_299 = arith.addi %scan3A_297, %scan3A_298 : i32
      %scan3A_300 = arith.constant 1 : i32
      scf.for %scan3A_388 = %scan3A_297 to %scan3A_299 step %scan3A_300  : i32 {
        %get3A = arith.index_cast %scan3A_388 : i32 to index
        %get3A_389 = arith.constant 0 : index
        %get3A_390 = tpu.vector_load %arg5[%get3A, %get3A_389] {strides = array<i32>} : memref<100x128xf32, #tpu.memory_space<vmem>>, vector<1x16xf32>,
        %get3A_391 = vector.shape_cast %get3A_390 : vector<1x16xf32> to vector<16xf32>
        %get3A_392 = arith.constant 2 : i32
        %get3A_393 = arith.constant 0 : i32
        %get3A_394 = arith.index_cast %get3A_392 : i32 to index
        %get3A_395 = arith.index_cast %get3A_393 : i32 to index
        %get3A_396 = arith.index_cast %scan3A_388 : i32 to index
        %get3A_397 = arith.constant 0 : index
        %get3A_398 = tpu.vector_load %arg6[%get3A_394, %get3A_395, %get3A_396, %get3A_397] {strides = array<i32>} : memref<4x2x100x128xf32, #tpu.memory_space<vmem>>, vector<1x1x1x16xf32>,
        %get3A_399 = vector.shape_cast %get3A_398 : vector<1x1x1x16xf32> to vector<16xf32>
        %mul3A_400 = arith.constant 8.000000e+00 : f32
        %mul3A_401 = vector.broadcast %mul3A_400 : f32 to vector<16xf32>
        %mul3A_402 = arith.mulf %get3A_399, %mul3A_401 : vector<16xf32>
        %add3A_403 = arith.addf %mul3A_402, %get3A_391 : vector<16xf32>
        %swap3A = arith.constant 2 : i32
        %swap3A_404 = arith.constant 0 : i32
        %swap3A_405 = arith.index_cast %swap3A : i32 to index
        %swap3A_406 = arith.index_cast %swap3A_404 : i32 to index
        %swap3A_407 = arith.index_cast %scan3A_388 : i32 to index
        %swap3A_408 = arith.constant 0 : index
        %swap3A_409 = tpu.vector_load %arg6[%swap3A_405, %swap3A_406, %swap3A_407, %swap3A_408] {strides = array<i32>} : memref<4x2x100x128xf32, #tpu.memory_space<vmem>>, vector<1x1x1x16xf32>,
        %swap3A_410 = vector.shape_cast %swap3A_409 : vector<1x1x1x16xf32> to vector<16xf32>
        %swap3A_411 = vector.shape_cast %add3A_403 : vector<16xf32> to vector<1x1x1x16xf32>
        tpu.vector_store %arg6[%swap3A_405, %swap3A_406, %swap3A_407, %swap3A_408], %swap3A_411 {strides = array<i32>} : memref<4x2x100x128xf32, #tpu.memory_space<vmem>>, vector<1x1x1x16xf32>,
        %get3A_412 = arith.constant 2 : i32
        %get3A_413 = arith.constant 1 : i32
        %get3A_414 = arith.index_cast %get3A_412 : i32 to index
        %get3A_415 = arith.index_cast %get3A_413 : i32 to index
        %get3A_416 = arith.index_cast %scan3A_388 : i32 to index
        %get3A_417 = arith.constant 0 : index
        %get3A_418 = tpu.vector_load %arg6[%get3A_414, %get3A_415, %get3A_416, %get3A_417] {strides = array<i32>} : memref<4x2x100x128xf32, #tpu.memory_space<vmem>>, vector<1x1x1x16xf32>,
        %get3A_419 = vector.shape_cast %get3A_418 : vector<1x1x1x16xf32> to vector<16xf32>
        %mul3A_420 = arith.constant 8.000000e+00 : f32
        %mul3A_421 = vector.broadcast %mul3A_420 : f32 to vector<16xf32>
        %mul3A_422 = arith.mulf %get3A_419, %mul3A_421 : vector<16xf32>
        %add3A_423 = arith.addf %mul3A_422, %get3A_391 : vector<16xf32>
        %swap3A_424 = arith.constant 2 : i32
        %swap3A_425 = arith.constant 1 : i32
        %swap3A_426 = arith.index_cast %swap3A_424 : i32 to index
        %swap3A_427 = arith.index_cast %swap3A_425 : i32 to index
        %swap3A_428 = arith.index_cast %scan3A_388 : i32 to index
        %swap3A_429 = arith.constant 0 : index
        %swap3A_430 = tpu.vector_load %arg6[%swap3A_426, %swap3A_427, %swap3A_428, %swap3A_429] {strides = array<i32>} : memref<4x2x100x128xf32, #tpu.memory_space<vmem>>, vector<1x1x1x16xf32>,
        %swap3A_431 = vector.shape_cast %swap3A_430 : vector<1x1x1x16xf32> to vector<16xf32>
        %swap3A_432 = vector.shape_cast %add3A_423 : vector<16xf32> to vector<1x1x1x16xf32>
        tpu.vector_store %arg6[%swap3A_426, %swap3A_427, %swap3A_428, %swap3A_429], %swap3A_432 {strides = array<i32>} : memref<4x2x100x128xf32, #tpu.memory_space<vmem>>, vector<1x1x1x16xf32>,
        %get3A_433 = arith.index_cast %scan3A_388 : i32 to index
        %get3A_434 = arith.constant 16 : index
        %get3A_435 = tpu.vector_load %arg5[%get3A_433, %get3A_434] {strides = array<i32>} : memref<100x128xf32, #tpu.memory_space<vmem>>, vector<1x16xf32>,
        %get3A_436 = vector.shape_cast %get3A_435 : vector<1x16xf32> to vector<16xf32>
        %get3A_437 = arith.constant 2 : i32
        %get3A_438 = arith.constant 0 : i32
        %get3A_439 = arith.index_cast %get3A_437 : i32 to index
        %get3A_440 = arith.index_cast %get3A_438 : i32 to index
        %get3A_441 = arith.index_cast %scan3A_388 : i32 to index
        %get3A_442 = arith.constant 16 : index
        %get3A_443 = tpu.vector_load %arg6[%get3A_439, %get3A_440, %get3A_441, %get3A_442] {strides = array<i32>} : memref<4x2x100x128xf32, #tpu.memory_space<vmem>>, vector<1x1x1x16xf32>,
        %get3A_444 = vector.shape_cast %get3A_443 : vector<1x1x1x16xf32> to vector<16xf32>
        %mul3A_445 = arith.constant 8.000000e+00 : f32
        %mul3A_446 = vector.broadcast %mul3A_445 : f32 to vector<16xf32>
        %mul3A_447 = arith.mulf %get3A_444, %mul3A_446 : vector<16xf32>
        %add3A_448 = arith.addf %mul3A_447, %get3A_436 : vector<16xf32>
        %swap3A_449 = arith.constant 2 : i32
        %swap3A_450 = arith.constant 0 : i32
        %swap3A_451 = arith.index_cast %swap3A_449 : i32 to index
        %swap3A_452 = arith.index_cast %swap3A_450 : i32 to index
        %swap3A_453 = arith.index_cast %scan3A_388 : i32 to index
        %swap3A_454 = arith.constant 16 : index
        %swap3A_455 = tpu.vector_load %arg6[%swap3A_451, %swap3A_452, %swap3A_453, %swap3A_454] {strides = array<i32>} : memref<4x2x100x128xf32, #tpu.memory_space<vmem>>, vector<1x1x1x16xf32>,
        %swap3A_456 = vector.shape_cast %swap3A_455 : vector<1x1x1x16xf32> to vector<16xf32>
        %swap3A_457 = vector.shape_cast %add3A_448 : vector<16xf32> to vector<1x1x1x16xf32>
        tpu.vector_store %arg6[%swap3A_451, %swap3A_452, %swap3A_453, %swap3A_454], %swap3A_457 {strides = array<i32>} : memref<4x2x100x128xf32, #tpu.memory_space<vmem>>, vector<1x1x1x16xf32>,
        %get3A_458 = arith.constant 2 : i32
        %get3A_459 = arith.constant 1 : i32
        %get3A_460 = arith.index_cast %get3A_458 : i32 to index
        %get3A_461 = arith.index_cast %get3A_459 : i32 to index
        %get3A_462 = arith.index_cast %scan3A_388 : i32 to index
        %get3A_463 = arith.constant 16 : index
        %get3A_464 = tpu.vector_load %arg6[%get3A_460, %get3A_461, %get3A_462, %get3A_463] {strides = array<i32>} : memref<4x2x100x128xf32, #tpu.memory_space<vmem>>, vector<1x1x1x16xf32>,
        %get3A_465 = vector.shape_cast %get3A_464 : vector<1x1x1x16xf32> to vector<16xf32>
        %mul3A_466 = arith.constant 8.000000e+00 : f32
        %mul3A_467 = vector.broadcast %mul3A_466 : f32 to vector<16xf32>
        %mul3A_468 = arith.mulf %get3A_465, %mul3A_467 : vector<16xf32>
        %add3A_469 = arith.addf %mul3A_468, %get3A_436 : vector<16xf32>
        %swap3A_470 = arith.constant 2 : i32
        %swap3A_471 = arith.constant 1 : i32
        %swap3A_472 = arith.index_cast %swap3A_470 : i32 to index
        %swap3A_473 = arith.index_cast %swap3A_471 : i32 to index
        %swap3A_474 = arith.index_cast %scan3A_388 : i32 to index
        %swap3A_475 = arith.constant 16 : index
        %swap3A_476 = tpu.vector_load %arg6[%swap3A_472, %swap3A_473, %swap3A_474, %swap3A_475] {strides = array<i32>} : memref<4x2x100x128xf32, #tpu.memory_space<vmem>>, vector<1x1x1x16xf32>,
        %swap3A_477 = vector.shape_cast %swap3A_476 : vector<1x1x1x16xf32> to vector<16xf32>
        %swap3A_478 = vector.shape_cast %add3A_469 : vector<16xf32> to vector<1x1x1x16xf32>
        tpu.vector_store %arg6[%swap3A_472, %swap3A_473, %swap3A_474, %swap3A_475], %swap3A_478 {strides = array<i32>} : memref<4x2x100x128xf32, #tpu.memory_space<vmem>>, vector<1x1x1x16xf32>,
        %get3A_479 = arith.index_cast %scan3A_388 : i32 to index
        %get3A_480 = arith.constant 32 : index
        %get3A_481 = tpu.vector_load %arg5[%get3A_479, %get3A_480] {strides = array<i32>} : memref<100x128xf32, #tpu.memory_space<vmem>>, vector<1x16xf32>,
        %get3A_482 = vector.shape_cast %get3A_481 : vector<1x16xf32> to vector<16xf32>
        %get3A_483 = arith.constant 2 : i32
        %get3A_484 = arith.constant 0 : i32
        %get3A_485 = arith.index_cast %get3A_483 : i32 to index
        %get3A_486 = arith.index_cast %get3A_484 : i32 to index
        %get3A_487 = arith.index_cast %scan3A_388 : i32 to index
        %get3A_488 = arith.constant 32 : index
        %get3A_489 = tpu.vector_load %arg6[%get3A_485, %get3A_486, %get3A_487, %get3A_488] {strides = array<i32>} : memref<4x2x100x128xf32, #tpu.memory_space<vmem>>, vector<1x1x1x16xf32>,
        %get3A_490 = vector.shape_cast %get3A_489 : vector<1x1x1x16xf32> to vector<16xf32>
        %mul3A_491 = arith.constant 8.000000e+00 : f32
        %mul3A_492 = vector.broadcast %mul3A_491 : f32 to vector<16xf32>
        %mul3A_493 = arith.mulf %get3A_490, %mul3A_492 : vector<16xf32>
        %add3A_494 = arith.addf %mul3A_493, %get3A_482 : vector<16xf32>
        %swap3A_495 = arith.constant 2 : i32
        %swap3A_496 = arith.constant 0 : i32
        %swap3A_497 = arith.index_cast %swap3A_495 : i32 to index
        %swap3A_498 = arith.index_cast %swap3A_496 : i32 to index
        %swap3A_499 = arith.index_cast %scan3A_388 : i32 to index
        %swap3A_500 = arith.constant 32 : index
        %swap3A_501 = tpu.vector_load %arg6[%swap3A_497, %swap3A_498, %swap3A_499, %swap3A_500] {strides = array<i32>} : memref<4x2x100x128xf32, #tpu.memory_space<vmem>>, vector<1x1x1x16xf32>,
        %swap3A_502 = vector.shape_cast %swap3A_501 : vector<1x1x1x16xf32> to vector<16xf32>
        %swap3A_503 = vector.shape_cast %add3A_494 : vector<16xf32> to vector<1x1x1x16xf32>
        tpu.vector_store %arg6[%swap3A_497, %swap3A_498, %swap3A_499, %swap3A_500], %swap3A_503 {strides = array<i32>} : memref<4x2x100x128xf32, #tpu.memory_space<vmem>>, vector<1x1x1x16xf32>,
        %get3A_504 = arith.constant 2 : i32
        %get3A_505 = arith.constant 1 : i32
        %get3A_506 = arith.index_cast %get3A_504 : i32 to index
        %get3A_507 = arith.index_cast %get3A_505 : i32 to index
        %get3A_508 = arith.index_cast %scan3A_388 : i32 to index
        %get3A_509 = arith.constant 32 : index
        %get3A_510 = tpu.vector_load %arg6[%get3A_506, %get3A_507, %get3A_508, %get3A_509] {strides = array<i32>} : memref<4x2x100x128xf32, #tpu.memory_space<vmem>>, vector<1x1x1x16xf32>,
        %get3A_511 = vector.shape_cast %get3A_510 : vector<1x1x1x16xf32> to vector<16xf32>
        %mul3A_512 = arith.constant 8.000000e+00 : f32
        %mul3A_513 = vector.broadcast %mul3A_512 : f32 to vector<16xf32>
        %mul3A_514 = arith.mulf %get3A_511, %mul3A_513 : vector<16xf32>
        %add3A_515 = arith.addf %mul3A_514, %get3A_482 : vector<16xf32>
        %swap3A_516 = arith.constant 2 : i32
        %swap3A_517 = arith.constant 1 : i32
        %swap3A_518 = arith.index_cast %swap3A_516 : i32 to index
        %swap3A_519 = arith.index_cast %swap3A_517 : i32 to index
        %swap3A_520 = arith.index_cast %scan3A_388 : i32 to index
        %swap3A_521 = arith.constant 32 : index
        %swap3A_522 = tpu.vector_load %arg6[%swap3A_518, %swap3A_519, %swap3A_520, %swap3A_521] {strides = array<i32>} : memref<4x2x100x128xf32, #tpu.memory_space<vmem>>, vector<1x1x1x16xf32>,
        %swap3A_523 = vector.shape_cast %swap3A_522 : vector<1x1x1x16xf32> to vector<16xf32>
        %swap3A_524 = vector.shape_cast %add3A_515 : vector<16xf32> to vector<1x1x1x16xf32>
        tpu.vector_store %arg6[%swap3A_518, %swap3A_519, %swap3A_520, %swap3A_521], %swap3A_524 {strides = array<i32>} : memref<4x2x100x128xf32, #tpu.memory_space<vmem>>, vector<1x1x1x16xf32>,
        %get3A_525 = arith.index_cast %scan3A_388 : i32 to index
        %get3A_526 = arith.constant 48 : index
        %get3A_527 = tpu.vector_load %arg5[%get3A_525, %get3A_526] {strides = array<i32>} : memref<100x128xf32, #tpu.memory_space<vmem>>, vector<1x16xf32>,
        %get3A_528 = vector.shape_cast %get3A_527 : vector<1x16xf32> to vector<16xf32>
        %get3A_529 = arith.constant 2 : i32
        %get3A_530 = arith.constant 0 : i32
        %get3A_531 = arith.index_cast %get3A_529 : i32 to index
        %get3A_532 = arith.index_cast %get3A_530 : i32 to index
        %get3A_533 = arith.index_cast %scan3A_388 : i32 to index
        %get3A_534 = arith.constant 48 : index
        %get3A_535 = tpu.vector_load %arg6[%get3A_531, %get3A_532, %get3A_533, %get3A_534] {strides = array<i32>} : memref<4x2x100x128xf32, #tpu.memory_space<vmem>>, vector<1x1x1x16xf32>,
        %get3A_536 = vector.shape_cast %get3A_535 : vector<1x1x1x16xf32> to vector<16xf32>
        %mul3A_537 = arith.constant 8.000000e+00 : f32
        %mul3A_538 = vector.broadcast %mul3A_537 : f32 to vector<16xf32>
        %mul3A_539 = arith.mulf %get3A_536, %mul3A_538 : vector<16xf32>
        %add3A_540 = arith.addf %mul3A_539, %get3A_528 : vector<16xf32>
        %swap3A_541 = arith.constant 2 : i32
        %swap3A_542 = arith.constant 0 : i32
        %swap3A_543 = arith.index_cast %swap3A_541 : i32 to index
        %swap3A_544 = arith.index_cast %swap3A_542 : i32 to index
        %swap3A_545 = arith.index_cast %scan3A_388 : i32 to index
        %swap3A_546 = arith.constant 48 : index
        %swap3A_547 = tpu.vector_load %arg6[%swap3A_543, %swap3A_544, %swap3A_545, %swap3A_546] {strides = array<i32>} : memref<4x2x100x128xf32, #tpu.memory_space<vmem>>, vector<1x1x1x16xf32>,
        %swap3A_548 = vector.shape_cast %swap3A_547 : vector<1x1x1x16xf32> to vector<16xf32>
        %swap3A_549 = vector.shape_cast %add3A_540 : vector<16xf32> to vector<1x1x1x16xf32>
        tpu.vector_store %arg6[%swap3A_543, %swap3A_544, %swap3A_545, %swap3A_546], %swap3A_549 {strides = array<i32>} : memref<4x2x100x128xf32, #tpu.memory_space<vmem>>, vector<1x1x1x16xf32>,
        %get3A_550 = arith.constant 2 : i32
        %get3A_551 = arith.constant 1 : i32
        %get3A_552 = arith.index_cast %get3A_550 : i32 to index
        %get3A_553 = arith.index_cast %get3A_551 : i32 to index
        %get3A_554 = arith.index_cast %scan3A_388 : i32 to index
        %get3A_555 = arith.constant 48 : index
        %get3A_556 = tpu.vector_load %arg6[%get3A_552, %get3A_553, %get3A_554, %get3A_555] {strides = array<i32>} : memref<4x2x100x128xf32, #tpu.memory_space<vmem>>, vector<1x1x1x16xf32>,
        %get3A_557 = vector.shape_cast %get3A_556 : vector<1x1x1x16xf32> to vector<16xf32>
        %mul3A_558 = arith.constant 8.000000e+00 : f32
        %mul3A_559 = vector.broadcast %mul3A_558 : f32 to vector<16xf32>
        %mul3A_560 = arith.mulf %get3A_557, %mul3A_559 : vector<16xf32>
        %add3A_561 = arith.addf %mul3A_560, %get3A_528 : vector<16xf32>
        %swap3A_562 = arith.constant 2 : i32
        %swap3A_563 = arith.constant 1 : i32
        %swap3A_564 = arith.index_cast %swap3A_562 : i32 to index
        %swap3A_565 = arith.index_cast %swap3A_563 : i32 to index
        %swap3A_566 = arith.index_cast %scan3A_388 : i32 to index
        %swap3A_567 = arith.constant 48 : index
        %swap3A_568 = tpu.vector_load %arg6[%swap3A_564, %swap3A_565, %swap3A_566, %swap3A_567] {strides = array<i32>} : memref<4x2x100x128xf32, #tpu.memory_space<vmem>>, vector<1x1x1x16xf32>,
        %swap3A_569 = vector.shape_cast %swap3A_568 : vector<1x1x1x16xf32> to vector<16xf32>
        %swap3A_570 = vector.shape_cast %add3A_561 : vector<16xf32> to vector<1x1x1x16xf32>
        tpu.vector_store %arg6[%swap3A_564, %swap3A_565, %swap3A_566, %swap3A_567], %swap3A_570 {strides = array<i32>} : memref<4x2x100x128xf32, #tpu.memory_space<vmem>>, vector<1x1x1x16xf32>,
        %get3A_571 = arith.index_cast %scan3A_388 : i32 to index
        %get3A_572 = arith.constant 64 : index
        %get3A_573 = tpu.vector_load %arg5[%get3A_571, %get3A_572] {strides = array<i32>} : memref<100x128xf32, #tpu.memory_space<vmem>>, vector<1x16xf32>,
        %get3A_574 = vector.shape_cast %get3A_573 : vector<1x16xf32> to vector<16xf32>
        %get3A_575 = arith.constant 2 : i32
        %get3A_576 = arith.constant 0 : i32
        %get3A_577 = arith.index_cast %get3A_575 : i32 to index
        %get3A_578 = arith.index_cast %get3A_576 : i32 to index
        %get3A_579 = arith.index_cast %scan3A_388 : i32 to index
        %get3A_580 = arith.constant 64 : index
        %get3A_581 = tpu.vector_load %arg6[%get3A_577, %get3A_578, %get3A_579, %get3A_580] {strides = array<i32>} : memref<4x2x100x128xf32, #tpu.memory_space<vmem>>, vector<1x1x1x16xf32>,
        %get3A_582 = vector.shape_cast %get3A_581 : vector<1x1x1x16xf32> to vector<16xf32>
        %mul3A_583 = arith.constant 8.000000e+00 : f32
        %mul3A_584 = vector.broadcast %mul3A_583 : f32 to vector<16xf32>
        %mul3A_585 = arith.mulf %get3A_582, %mul3A_584 : vector<16xf32>
        %add3A_586 = arith.addf %mul3A_585, %get3A_574 : vector<16xf32>
        %swap3A_587 = arith.constant 2 : i32
        %swap3A_588 = arith.constant 0 : i32
        %swap3A_589 = arith.index_cast %swap3A_587 : i32 to index
        %swap3A_590 = arith.index_cast %swap3A_588 : i32 to index
        %swap3A_591 = arith.index_cast %scan3A_388 : i32 to index
        %swap3A_592 = arith.constant 64 : index
        %swap3A_593 = tpu.vector_load %arg6[%swap3A_589, %swap3A_590, %swap3A_591, %swap3A_592] {strides = array<i32>} : memref<4x2x100x128xf32, #tpu.memory_space<vmem>>, vector<1x1x1x16xf32>,
        %swap3A_594 = vector.shape_cast %swap3A_593 : vector<1x1x1x16xf32> to vector<16xf32>
        %swap3A_595 = vector.shape_cast %add3A_586 : vector<16xf32> to vector<1x1x1x16xf32>
        tpu.vector_store %arg6[%swap3A_589, %swap3A_590, %swap3A_591, %swap3A_592], %swap3A_595 {strides = array<i32>} : memref<4x2x100x128xf32, #tpu.memory_space<vmem>>, vector<1x1x1x16xf32>,
        %get3A_596 = arith.constant 2 : i32
        %get3A_597 = arith.constant 1 : i32
        %get3A_598 = arith.index_cast %get3A_596 : i32 to index
        %get3A_599 = arith.index_cast %get3A_597 : i32 to index
        %get3A_600 = arith.index_cast %scan3A_388 : i32 to index
        %get3A_601 = arith.constant 64 : index
        %get3A_602 = tpu.vector_load %arg6[%get3A_598, %get3A_599, %get3A_600, %get3A_601] {strides = array<i32>} : memref<4x2x100x128xf32, #tpu.memory_space<vmem>>, vector<1x1x1x16xf32>,
        %get3A_603 = vector.shape_cast %get3A_602 : vector<1x1x1x16xf32> to vector<16xf32>
        %mul3A_604 = arith.constant 8.000000e+00 : f32
        %mul3A_605 = vector.broadcast %mul3A_604 : f32 to vector<16xf32>
        %mul3A_606 = arith.mulf %get3A_603, %mul3A_605 : vector<16xf32>
        %add3A_607 = arith.addf %mul3A_606, %get3A_574 : vector<16xf32>
        %swap3A_608 = arith.constant 2 : i32
        %swap3A_609 = arith.constant 1 : i32
        %swap3A_610 = arith.index_cast %swap3A_608 : i32 to index
        %swap3A_611 = arith.index_cast %swap3A_609 : i32 to index
        %swap3A_612 = arith.index_cast %scan3A_388 : i32 to index
        %swap3A_613 = arith.constant 64 : index
        %swap3A_614 = tpu.vector_load %arg6[%swap3A_610, %swap3A_611, %swap3A_612, %swap3A_613] {strides = array<i32>} : memref<4x2x100x128xf32, #tpu.memory_space<vmem>>, vector<1x1x1x16xf32>,
        %swap3A_615 = vector.shape_cast %swap3A_614 : vector<1x1x1x16xf32> to vector<16xf32>
        %swap3A_616 = vector.shape_cast %add3A_607 : vector<16xf32> to vector<1x1x1x16xf32>
        tpu.vector_store %arg6[%swap3A_610, %swap3A_611, %swap3A_612, %swap3A_613], %swap3A_616 {strides = array<i32>} : memref<4x2x100x128xf32, #tpu.memory_space<vmem>>, vector<1x1x1x16xf32>,
        %get3A_617 = arith.index_cast %scan3A_388 : i32 to index
        %get3A_618 = arith.constant 80 : index
        %get3A_619 = tpu.vector_load %arg5[%get3A_617, %get3A_618] {strides = array<i32>} : memref<100x128xf32, #tpu.memory_space<vmem>>, vector<1x16xf32>,
        %get3A_620 = vector.shape_cast %get3A_619 : vector<1x16xf32> to vector<16xf32>
        %get3A_621 = arith.constant 2 : i32
        %get3A_622 = arith.constant 0 : i32
        %get3A_623 = arith.index_cast %get3A_621 : i32 to index
        %get3A_624 = arith.index_cast %get3A_622 : i32 to index
        %get3A_625 = arith.index_cast %scan3A_388 : i32 to index
        %get3A_626 = arith.constant 80 : index
        %get3A_627 = tpu.vector_load %arg6[%get3A_623, %get3A_624, %get3A_625, %get3A_626] {strides = array<i32>} : memref<4x2x100x128xf32, #tpu.memory_space<vmem>>, vector<1x1x1x16xf32>,
        %get3A_628 = vector.shape_cast %get3A_627 : vector<1x1x1x16xf32> to vector<16xf32>
        %mul3A_629 = arith.constant 8.000000e+00 : f32
        %mul3A_630 = vector.broadcast %mul3A_629 : f32 to vector<16xf32>
        %mul3A_631 = arith.mulf %get3A_628, %mul3A_630 : vector<16xf32>
        %add3A_632 = arith.addf %mul3A_631, %get3A_620 : vector<16xf32>
        %swap3A_633 = arith.constant 2 : i32
        %swap3A_634 = arith.constant 0 : i32
        %swap3A_635 = arith.index_cast %swap3A_633 : i32 to index
        %swap3A_636 = arith.index_cast %swap3A_634 : i32 to index
        %swap3A_637 = arith.index_cast %scan3A_388 : i32 to index
        %swap3A_638 = arith.constant 80 : index
        %swap3A_639 = tpu.vector_load %arg6[%swap3A_635, %swap3A_636, %swap3A_637, %swap3A_638] {strides = array<i32>} : memref<4x2x100x128xf32, #tpu.memory_space<vmem>>, vector<1x1x1x16xf32>,
        %swap3A_640 = vector.shape_cast %swap3A_639 : vector<1x1x1x16xf32> to vector<16xf32>
        %swap3A_641 = vector.shape_cast %add3A_632 : vector<16xf32> to vector<1x1x1x16xf32>
        tpu.vector_store %arg6[%swap3A_635, %swap3A_636, %swap3A_637, %swap3A_638], %swap3A_641 {strides = array<i32>} : memref<4x2x100x128xf32, #tpu.memory_space<vmem>>, vector<1x1x1x16xf32>,
        %get3A_642 = arith.constant 2 : i32
        %get3A_643 = arith.constant 1 : i32
        %get3A_644 = arith.index_cast %get3A_642 : i32 to index
        %get3A_645 = arith.index_cast %get3A_643 : i32 to index
        %get3A_646 = arith.index_cast %scan3A_388 : i32 to index
        %get3A_647 = arith.constant 80 : index
        %get3A_648 = tpu.vector_load %arg6[%get3A_644, %get3A_645, %get3A_646, %get3A_647] {strides = array<i32>} : memref<4x2x100x128xf32, #tpu.memory_space<vmem>>, vector<1x1x1x16xf32>,
        %get3A_649 = vector.shape_cast %get3A_648 : vector<1x1x1x16xf32> to vector<16xf32>
        %mul3A_650 = arith.constant 8.000000e+00 : f32
        %mul3A_651 = vector.broadcast %mul3A_650 : f32 to vector<16xf32>
        %mul3A_652 = arith.mulf %get3A_649, %mul3A_651 : vector<16xf32>
        %add3A_653 = arith.addf %mul3A_652, %get3A_620 : vector<16xf32>
        %swap3A_654 = arith.constant 2 : i32
        %swap3A_655 = arith.constant 1 : i32
        %swap3A_656 = arith.index_cast %swap3A_654 : i32 to index
        %swap3A_657 = arith.index_cast %swap3A_655 : i32 to index
        %swap3A_658 = arith.index_cast %scan3A_388 : i32 to index
        %swap3A_659 = arith.constant 80 : index
        %swap3A_660 = tpu.vector_load %arg6[%swap3A_656, %swap3A_657, %swap3A_658, %swap3A_659] {strides = array<i32>} : memref<4x2x100x128xf32, #tpu.memory_space<vmem>>, vector<1x1x1x16xf32>,
        %swap3A_661 = vector.shape_cast %swap3A_660 : vector<1x1x1x16xf32> to vector<16xf32>
        %swap3A_662 = vector.shape_cast %add3A_653 : vector<16xf32> to vector<1x1x1x16xf32>
        tpu.vector_store %arg6[%swap3A_656, %swap3A_657, %swap3A_658, %swap3A_659], %swap3A_662 {strides = array<i32>} : memref<4x2x100x128xf32, #tpu.memory_space<vmem>>, vector<1x1x1x16xf32>,
        %get3A_663 = arith.index_cast %scan3A_388 : i32 to index
        %get3A_664 = arith.constant 96 : index
        %get3A_665 = tpu.vector_load %arg5[%get3A_663, %get3A_664] {strides = array<i32>} : memref<100x128xf32, #tpu.memory_space<vmem>>, vector<1x16xf32>,
        %get3A_666 = vector.shape_cast %get3A_665 : vector<1x16xf32> to vector<16xf32>
        %get3A_667 = arith.constant 2 : i32
        %get3A_668 = arith.constant 0 : i32
        %get3A_669 = arith.index_cast %get3A_667 : i32 to index
        %get3A_670 = arith.index_cast %get3A_668 : i32 to index
        %get3A_671 = arith.index_cast %scan3A_388 : i32 to index
        %get3A_672 = arith.constant 96 : index
        %get3A_673 = tpu.vector_load %arg6[%get3A_669, %get3A_670, %get3A_671, %get3A_672] {strides = array<i32>} : memref<4x2x100x128xf32, #tpu.memory_space<vmem>>, vector<1x1x1x16xf32>,
        %get3A_674 = vector.shape_cast %get3A_673 : vector<1x1x1x16xf32> to vector<16xf32>
        %mul3A_675 = arith.constant 8.000000e+00 : f32
        %mul3A_676 = vector.broadcast %mul3A_675 : f32 to vector<16xf32>
        %mul3A_677 = arith.mulf %get3A_674, %mul3A_676 : vector<16xf32>
        %add3A_678 = arith.addf %mul3A_677, %get3A_666 : vector<16xf32>
        %swap3A_679 = arith.constant 2 : i32
        %swap3A_680 = arith.constant 0 : i32
        %swap3A_681 = arith.index_cast %swap3A_679 : i32 to index
        %swap3A_682 = arith.index_cast %swap3A_680 : i32 to index
        %swap3A_683 = arith.index_cast %scan3A_388 : i32 to index
        %swap3A_684 = arith.constant 96 : index
        %swap3A_685 = tpu.vector_load %arg6[%swap3A_681, %swap3A_682, %swap3A_683, %swap3A_684] {strides = array<i32>} : memref<4x2x100x128xf32, #tpu.memory_space<vmem>>, vector<1x1x1x16xf32>,
        %swap3A_686 = vector.shape_cast %swap3A_685 : vector<1x1x1x16xf32> to vector<16xf32>
        %swap3A_687 = vector.shape_cast %add3A_678 : vector<16xf32> to vector<1x1x1x16xf32>
        tpu.vector_store %arg6[%swap3A_681, %swap3A_682, %swap3A_683, %swap3A_684], %swap3A_687 {strides = array<i32>} : memref<4x2x100x128xf32, #tpu.memory_space<vmem>>, vector<1x1x1x16xf32>,
        %get3A_688 = arith.constant 2 : i32
        %get3A_689 = arith.constant 1 : i32
        %get3A_690 = arith.index_cast %get3A_688 : i32 to index
        %get3A_691 = arith.index_cast %get3A_689 : i32 to index
        %get3A_692 = arith.index_cast %scan3A_388 : i32 to index
        %get3A_693 = arith.constant 96 : index
        %get3A_694 = tpu.vector_load %arg6[%get3A_690, %get3A_691, %get3A_692, %get3A_693] {strides = array<i32>} : memref<4x2x100x128xf32, #tpu.memory_space<vmem>>, vector<1x1x1x16xf32>,
        %get3A_695 = vector.shape_cast %get3A_694 : vector<1x1x1x16xf32> to vector<16xf32>
        %mul3A_696 = arith.constant 8.000000e+00 : f32
        %mul3A_697 = vector.broadcast %mul3A_696 : f32 to vector<16xf32>
        %mul3A_698 = arith.mulf %get3A_695, %mul3A_697 : vector<16xf32>
        %add3A_699 = arith.addf %mul3A_698, %get3A_666 : vector<16xf32>
        %swap3A_700 = arith.constant 2 : i32
        %swap3A_701 = arith.constant 1 : i32
        %swap3A_702 = arith.index_cast %swap3A_700 : i32 to index
        %swap3A_703 = arith.index_cast %swap3A_701 : i32 to index
        %swap3A_704 = arith.index_cast %scan3A_388 : i32 to index
        %swap3A_705 = arith.constant 96 : index
        %swap3A_706 = tpu.vector_load %arg6[%swap3A_702, %swap3A_703, %swap3A_704, %swap3A_705] {strides = array<i32>} : memref<4x2x100x128xf32, #tpu.memory_space<vmem>>, vector<1x1x1x16xf32>,
        %swap3A_707 = vector.shape_cast %swap3A_706 : vector<1x1x1x16xf32> to vector<16xf32>
        %swap3A_708 = vector.shape_cast %add3A_699 : vector<16xf32> to vector<1x1x1x16xf32>
        tpu.vector_store %arg6[%swap3A_702, %swap3A_703, %swap3A_704, %swap3A_705], %swap3A_708 {strides = array<i32>} : memref<4x2x100x128xf32, #tpu.memory_space<vmem>>, vector<1x1x1x16xf32>,
        %get3A_709 = arith.index_cast %scan3A_388 : i32 to index
        %get3A_710 = arith.constant 112 : index
        %get3A_711 = tpu.vector_load %arg5[%get3A_709, %get3A_710] {strides = array<i32>} : memref<100x128xf32, #tpu.memory_space<vmem>>, vector<1x16xf32>,
        %get3A_712 = vector.shape_cast %get3A_711 : vector<1x16xf32> to vector<16xf32>
        %get3A_713 = arith.constant 2 : i32
        %get3A_714 = arith.constant 0 : i32
        %get3A_715 = arith.index_cast %get3A_713 : i32 to index
        %get3A_716 = arith.index_cast %get3A_714 : i32 to index
        %get3A_717 = arith.index_cast %scan3A_388 : i32 to index
        %get3A_718 = arith.constant 112 : index
        %get3A_719 = tpu.vector_load %arg6[%get3A_715, %get3A_716, %get3A_717, %get3A_718] {strides = array<i32>} : memref<4x2x100x128xf32, #tpu.memory_space<vmem>>, vector<1x1x1x16xf32>,
        %get3A_720 = vector.shape_cast %get3A_719 : vector<1x1x1x16xf32> to vector<16xf32>
        %mul3A_721 = arith.constant 8.000000e+00 : f32
        %mul3A_722 = vector.broadcast %mul3A_721 : f32 to vector<16xf32>
        %mul3A_723 = arith.mulf %get3A_720, %mul3A_722 : vector<16xf32>
        %add3A_724 = arith.addf %mul3A_723, %get3A_712 : vector<16xf32>
        %swap3A_725 = arith.constant 2 : i32
        %swap3A_726 = arith.constant 0 : i32
        %swap3A_727 = arith.index_cast %swap3A_725 : i32 to index
        %swap3A_728 = arith.index_cast %swap3A_726 : i32 to index
        %swap3A_729 = arith.index_cast %scan3A_388 : i32 to index
        %swap3A_730 = arith.constant 112 : index
        %swap3A_731 = tpu.vector_load %arg6[%swap3A_727, %swap3A_728, %swap3A_729, %swap3A_730] {strides = array<i32>} : memref<4x2x100x128xf32, #tpu.memory_space<vmem>>, vector<1x1x1x16xf32>,
        %swap3A_732 = vector.shape_cast %swap3A_731 : vector<1x1x1x16xf32> to vector<16xf32>
        %swap3A_733 = vector.shape_cast %add3A_724 : vector<16xf32> to vector<1x1x1x16xf32>
        tpu.vector_store %arg6[%swap3A_727, %swap3A_728, %swap3A_729, %swap3A_730], %swap3A_733 {strides = array<i32>} : memref<4x2x100x128xf32, #tpu.memory_space<vmem>>, vector<1x1x1x16xf32>,
        %get3A_734 = arith.constant 2 : i32
        %get3A_735 = arith.constant 1 : i32
        %get3A_736 = arith.index_cast %get3A_734 : i32 to index
        %get3A_737 = arith.index_cast %get3A_735 : i32 to index
        %get3A_738 = arith.index_cast %scan3A_388 : i32 to index
        %get3A_739 = arith.constant 112 : index
        %get3A_740 = tpu.vector_load %arg6[%get3A_736, %get3A_737, %get3A_738, %get3A_739] {strides = array<i32>} : memref<4x2x100x128xf32, #tpu.memory_space<vmem>>, vector<1x1x1x16xf32>,
        %get3A_741 = vector.shape_cast %get3A_740 : vector<1x1x1x16xf32> to vector<16xf32>
        %mul3A_742 = arith.constant 8.000000e+00 : f32
        %mul3A_743 = vector.broadcast %mul3A_742 : f32 to vector<16xf32>
        %mul3A_744 = arith.mulf %get3A_741, %mul3A_743 : vector<16xf32>
        %add3A_745 = arith.addf %mul3A_744, %get3A_712 : vector<16xf32>
        %swap3A_746 = arith.constant 2 : i32
        %swap3A_747 = arith.constant 1 : i32
        %swap3A_748 = arith.index_cast %swap3A_746 : i32 to index
        %swap3A_749 = arith.index_cast %swap3A_747 : i32 to index
        %swap3A_750 = arith.index_cast %scan3A_388 : i32 to index
        %swap3A_751 = arith.constant 112 : index
        %swap3A_752 = tpu.vector_load %arg6[%swap3A_748, %swap3A_749, %swap3A_750, %swap3A_751] {strides = array<i32>} : memref<4x2x100x128xf32, #tpu.memory_space<vmem>>, vector<1x1x1x16xf32>,
        %swap3A_753 = vector.shape_cast %swap3A_752 : vector<1x1x1x16xf32> to vector<16xf32>
        %swap3A_754 = vector.shape_cast %add3A_745 : vector<16xf32> to vector<1x1x1x16xf32>
        tpu.vector_store %arg6[%swap3A_748, %swap3A_749, %swap3A_750, %swap3A_751], %swap3A_754 {strides = array<i32>} : memref<4x2x100x128xf32, #tpu.memory_space<vmem>>, vector<1x1x1x16xf32>,
      }
      %scan3A_301 = arith.constant 100 : i32
      %mul3A_302 = arith.constant 2 : i32
      %mul3A_303 = arith.muli %add3A_265, %mul3A_302 : i32
      %add3A_304 = arith.addi %mul3A_2, %mul3A_303 : i32
      %dma_start3A_305 = arith.constant 2 : i32
      %dma_start3A_306 = arith.constant 2 : i32
      %dma_start3A_307 = arith.constant 0 : i32
      %dma_start3A_308 = arith.constant 0 : i32
      %dma_start3A_309 = arith.constant 0 : i32
      %dma_start3A_310 = tpu.memref_slice %arg6[%dma_start3A_305, %dma_start3A_307, %dma_start3A_308, %dma_start3A_309] : memref<4x2x100x128xf32, #tpu.memory_space<vmem>> -> memref<1x2x100x128xf32, #tpu.memory_space<vmem>>
      %dma_start3A_311 = tpu.memref_squeeze %dma_start3A_310 : memref<1x2x100x128xf32, #tpu.memory_space<vmem>> -> memref<2x100x128xf32, #tpu.memory_space<vmem>>
      %dma_start3A_312 = arith.constant 0 : i32
      %dma_start3A_313 = arith.constant 0 : i32
      %dma_start3A_314 = tpu.memref_slice %arg4[%add3A_304, %dma_start3A_312, %dma_start3A_313] : memref<4096x100x128xf32, #tpu.memory_space<hbm>> -> memref<2x100x128xf32, #tpu.memory_space<hbm>>
      %dma_start3A_315 = tpu.memref_slice %arg8[%dma_start3A_306] : memref<4x!tpu.dma_semaphore, #tpu.memory_space<semaphore_mem>> -> memref<1x!tpu.dma_semaphore, #tpu.memory_space<semaphore_mem>>
      %dma_start3A_316 = tpu.memref_squeeze %dma_start3A_315 : memref<1x!tpu.dma_semaphore, #tpu.memory_space<semaphore_mem>> -> memref<!tpu.dma_semaphore, #tpu.memory_space<semaphore_mem>>
      %dma_start3A_317 = arith.constant 0 : i32
      %dma_start3A_318 = arith.constant 0 : i32
      %dma_start3A_319 = tpu.memref_slice %arg4[%add3A_304, %dma_start3A_317, %dma_start3A_318] : memref<4096x100x128xf32, #tpu.memory_space<hbm>> -> memref<2x100x128xf32, #tpu.memory_space<hbm>>
      %dma_start3A_320 = arith.constant 0 : i32
      %dma_start3A_321 = arith.constant 0 : i32
      %dma_start3A_322 = arith.constant 0 : i32
      %dma_start3A_323 = tpu.memref_slice %arg6[%dma_start3A_305, %dma_start3A_320, %dma_start3A_321, %dma_start3A_322] : memref<4x2x100x128xf32, #tpu.memory_space<vmem>> -> memref<1x2x100x128xf32, #tpu.memory_space<vmem>>
      %dma_start3A_324 = tpu.memref_squeeze %dma_start3A_323 : memref<1x2x100x128xf32, #tpu.memory_space<vmem>> -> memref<2x100x128xf32, #tpu.memory_space<vmem>>
      tpu.enqueue_dma source(%dma_start3A_324 : memref<2x100x128xf32, #tpu.memory_space<vmem>>) target(%dma_start3A_319 : memref<2x100x128xf32, #tpu.memory_space<hbm>>) target_semaphore(%dma_start3A_316 : memref<!tpu.dma_semaphore, #tpu.memory_space<semaphore_mem>>)
      %mul3A_325 = arith.constant 4 : i32
      %mul3A_326 = arith.muli %scan3A_138, %mul3A_325 : i32
      %add3A_327 = arith.constant 3 : i32
      %add3A_328 = arith.addi %mul3A_326, %add3A_327 : i32
      %add3A_329 = arith.constant 2 : i32
      %add3A_330 = arith.addi %add3A_328, %add3A_329 : i32
      %lt3A_331 = arith.constant 64 : i32
      %lt3A_332 = arith.cmpi slt, %add3A_330, %lt3A_331 : i32
      %convert_element_type3A_333 = arith.extui %lt3A_332 : i1 to i32
      %cond3A_334 = arith.constant 0 : i32
      %cond3A_335 = arith.cmpi ne, %convert_element_type3A_333, %cond3A_334 : i32
      scf.if %cond3A_335 {
        %ge3A = arith.constant 4 : i32
        %ge3A_388 = arith.cmpi sge, %add3A_330, %ge3A : i32
        %convert_element_type3A_389 = arith.extui %ge3A_388 : i1 to i32
        %cond3A_390 = arith.constant 0 : i32
        %cond3A_391 = arith.cmpi ne, %convert_element_type3A_389, %cond3A_390 : i32
        scf.if %cond3A_391 {
          %sub3A = arith.constant 4 : i32
          %sub3A_415 = arith.subi %add3A_330, %sub3A : i32
          %mul3A_416 = arith.constant 2 : i32
          %mul3A_417 = arith.muli %sub3A_415, %mul3A_416 : i32
          %add3A_418 = arith.addi %mul3A_2, %mul3A_417 : i32
          %dma_wait3A_419 = arith.constant 1 : i32
          %dma_wait3A_420 = arith.constant 1 : i32
          %dma_wait3A_421 = arith.constant 0 : i32
          %dma_wait3A_422 = arith.constant 0 : i32
          %dma_wait3A_423 = arith.constant 0 : i32
          %dma_wait3A_424 = tpu.memref_slice %arg6[%dma_wait3A_419, %dma_wait3A_421, %dma_wait3A_422, %dma_wait3A_423] : memref<4x2x100x128xf32, #tpu.memory_space<vmem>> -> memref<1x2x100x128xf32, #tpu.memory_space<vmem>>
          %dma_wait3A_425 = tpu.memref_squeeze %dma_wait3A_424 : memref<1x2x100x128xf32, #tpu.memory_space<vmem>> -> memref<2x100x128xf32, #tpu.memory_space<vmem>>
          %dma_wait3A_426 = arith.constant 0 : i32
          %dma_wait3A_427 = arith.constant 0 : i32
          %dma_wait3A_428 = tpu.memref_slice %arg4[%add3A_418, %dma_wait3A_426, %dma_wait3A_427] : memref<4096x100x128xf32, #tpu.memory_space<hbm>> -> memref<2x100x128xf32, #tpu.memory_space<hbm>>
          %dma_wait3A_429 = tpu.memref_slice %arg8[%dma_wait3A_420] : memref<4x!tpu.dma_semaphore, #tpu.memory_space<semaphore_mem>> -> memref<1x!tpu.dma_semaphore, #tpu.memory_space<semaphore_mem>>
          %dma_wait3A_430 = tpu.memref_squeeze %dma_wait3A_429 : memref<1x!tpu.dma_semaphore, #tpu.memory_space<semaphore_mem>> -> memref<!tpu.dma_semaphore, #tpu.memory_space<semaphore_mem>>
          %dma_wait3A_431 = arith.constant 0 : i32
          %dma_wait3A_432 = arith.constant 0 : i32
          %dma_wait3A_433 = tpu.memref_slice %arg4[%add3A_418, %dma_wait3A_431, %dma_wait3A_432] : memref<4096x100x128xf32, #tpu.memory_space<hbm>> -> memref<2x100x128xf32, #tpu.memory_space<hbm>>
          %dma_wait3A_434 = arith.constant 0 : i32
          %dma_wait3A_435 = arith.constant 0 : i32
          %dma_wait3A_436 = arith.constant 0 : i32
          %dma_wait3A_437 = tpu.memref_slice %arg6[%dma_wait3A_419, %dma_wait3A_434, %dma_wait3A_435, %dma_wait3A_436] : memref<4x2x100x128xf32, #tpu.memory_space<vmem>> -> memref<1x2x100x128xf32, #tpu.memory_space<vmem>>
          %dma_wait3A_438 = tpu.memref_squeeze %dma_wait3A_437 : memref<1x2x100x128xf32, #tpu.memory_space<vmem>> -> memref<2x100x128xf32, #tpu.memory_space<vmem>>
          tpu.wait_dma2 semaphore(%dma_wait3A_430 : memref<!tpu.dma_semaphore, #tpu.memory_space<semaphore_mem>>) src(%dma_wait3A_438 : memref<2x100x128xf32, #tpu.memory_space<vmem>>) dst(%dma_wait3A_433 : memref<2x100x128xf32, #tpu.memory_space<hbm>>)
        } else {
        }
        %mul3A_392 = arith.constant 2 : i32
        %mul3A_393 = arith.muli %add3A_330, %mul3A_392 : i32
        %add3A_394 = arith.addi %mul3A_2, %mul3A_393 : i32
        %dma_start3A_395 = arith.constant 1 : i32
        %dma_start3A_396 = arith.constant 1 : i32
        %dma_start3A_397 = arith.constant 0 : i32
        %dma_start3A_398 = arith.constant 0 : i32
        %dma_start3A_399 = arith.constant 0 : i32
        %dma_start3A_400 = tpu.memref_slice %arg6[%dma_start3A_395, %dma_start3A_397, %dma_start3A_398, %dma_start3A_399] : memref<4x2x100x128xf32, #tpu.memory_space<vmem>> -> memref<1x2x100x128xf32, #tpu.memory_space<vmem>>
        %dma_start3A_401 = tpu.memref_squeeze %dma_start3A_400 : memref<1x2x100x128xf32, #tpu.memory_space<vmem>> -> memref<2x100x128xf32, #tpu.memory_space<vmem>>
        %dma_start3A_402 = arith.constant 0 : i32
        %dma_start3A_403 = arith.constant 0 : i32
        %dma_start3A_404 = tpu.memref_slice %arg2[%add3A_394, %dma_start3A_402, %dma_start3A_403] : memref<4096x100x128xf32, #tpu.memory_space<hbm>> -> memref<2x100x128xf32, #tpu.memory_space<hbm>>
        %dma_start3A_405 = tpu.memref_slice %arg7[%dma_start3A_396] : memref<4x!tpu.dma_semaphore, #tpu.memory_space<semaphore_mem>> -> memref<1x!tpu.dma_semaphore, #tpu.memory_space<semaphore_mem>>
        %dma_start3A_406 = tpu.memref_squeeze %dma_start3A_405 : memref<1x!tpu.dma_semaphore, #tpu.memory_space<semaphore_mem>> -> memref<!tpu.dma_semaphore, #tpu.memory_space<semaphore_mem>>
        %dma_start3A_407 = arith.constant 0 : i32
        %dma_start3A_408 = arith.constant 0 : i32
        %dma_start3A_409 = arith.constant 0 : i32
        %dma_start3A_410 = tpu.memref_slice %arg6[%dma_start3A_395, %dma_start3A_407, %dma_start3A_408, %dma_start3A_409] : memref<4x2x100x128xf32, #tpu.memory_space<vmem>> -> memref<1x2x100x128xf32, #tpu.memory_space<vmem>>
        %dma_start3A_411 = tpu.memref_squeeze %dma_start3A_410 : memref<1x2x100x128xf32, #tpu.memory_space<vmem>> -> memref<2x100x128xf32, #tpu.memory_space<vmem>>
        %dma_start3A_412 = arith.constant 0 : i32
        %dma_start3A_413 = arith.constant 0 : i32
        %dma_start3A_414 = tpu.memref_slice %arg2[%add3A_394, %dma_start3A_412, %dma_start3A_413] : memref<4096x100x128xf32, #tpu.memory_space<hbm>> -> memref<2x100x128xf32, #tpu.memory_space<hbm>>
        tpu.enqueue_dma source(%dma_start3A_414 : memref<2x100x128xf32, #tpu.memory_space<hbm>>) target(%dma_start3A_411 : memref<2x100x128xf32, #tpu.memory_space<vmem>>) target_semaphore(%dma_start3A_406 : memref<!tpu.dma_semaphore, #tpu.memory_space<semaphore_mem>>)
      } else {
      }
      %mul3A_336 = arith.constant 2 : i32
      %mul3A_337 = arith.muli %add3A_328, %mul3A_336 : i32
      %add3A_338 = arith.addi %mul3A_2, %mul3A_337 : i32
      %dma_wait3A_339 = arith.constant 3 : i32
      %dma_wait3A_340 = arith.constant 3 : i32
      %dma_wait3A_341 = arith.constant 0 : i32
      %dma_wait3A_342 = arith.constant 0 : i32
      %dma_wait3A_343 = arith.constant 0 : i32
      %dma_wait3A_344 = tpu.memref_slice %arg6[%dma_wait3A_339, %dma_wait3A_341, %dma_wait3A_342, %dma_wait3A_343] : memref<4x2x100x128xf32, #tpu.memory_space<vmem>> -> memref<1x2x100x128xf32, #tpu.memory_space<vmem>>
      %dma_wait3A_345 = tpu.memref_squeeze %dma_wait3A_344 : memref<1x2x100x128xf32, #tpu.memory_space<vmem>> -> memref<2x100x128xf32, #tpu.memory_space<vmem>>
      %dma_wait3A_346 = arith.constant 0 : i32
      %dma_wait3A_347 = arith.constant 0 : i32
      %dma_wait3A_348 = tpu.memref_slice %arg2[%add3A_338, %dma_wait3A_346, %dma_wait3A_347] : memref<4096x100x128xf32, #tpu.memory_space<hbm>> -> memref<2x100x128xf32, #tpu.memory_space<hbm>>
      %dma_wait3A_349 = tpu.memref_slice %arg7[%dma_wait3A_340] : memref<4x!tpu.dma_semaphore, #tpu.memory_space<semaphore_mem>> -> memref<1x!tpu.dma_semaphore, #tpu.memory_space<semaphore_mem>>
      %dma_wait3A_350 = tpu.memref_squeeze %dma_wait3A_349 : memref<1x!tpu.dma_semaphore, #tpu.memory_space<semaphore_mem>> -> memref<!tpu.dma_semaphore, #tpu.memory_space<semaphore_mem>>
      %dma_wait3A_351 = arith.constant 0 : i32
      %dma_wait3A_352 = arith.constant 0 : i32
      %dma_wait3A_353 = arith.constant 0 : i32
      %dma_wait3A_354 = tpu.memref_slice %arg6[%dma_wait3A_339, %dma_wait3A_351, %dma_wait3A_352, %dma_wait3A_353] : memref<4x2x100x128xf32, #tpu.memory_space<vmem>> -> memref<1x2x100x128xf32, #tpu.memory_space<vmem>>
      %dma_wait3A_355 = tpu.memref_squeeze %dma_wait3A_354 : memref<1x2x100x128xf32, #tpu.memory_space<vmem>> -> memref<2x100x128xf32, #tpu.memory_space<vmem>>
      %dma_wait3A_356 = arith.constant 0 : i32
      %dma_wait3A_357 = arith.constant 0 : i32
      %dma_wait3A_358 = tpu.memref_slice %arg2[%add3A_338, %dma_wait3A_356, %dma_wait3A_357] : memref<4096x100x128xf32, #tpu.memory_space<hbm>> -> memref<2x100x128xf32, #tpu.memory_space<hbm>>
      tpu.wait_dma2 semaphore(%dma_wait3A_350 : memref<!tpu.dma_semaphore, #tpu.memory_space<semaphore_mem>>) src(%dma_wait3A_358 : memref<2x100x128xf32, #tpu.memory_space<hbm>>) dst(%dma_wait3A_355 : memref<2x100x128xf32, #tpu.memory_space<vmem>>)
      %scan3A_359 = arith.constant 0 : i32
      %scan3A_360 = arith.constant 0 : i32
      %scan3A_361 = arith.constant 100 : i32
      %scan3A_362 = arith.addi %scan3A_360, %scan3A_361 : i32
      %scan3A_363 = arith.constant 1 : i32
      scf.for %scan3A_388 = %scan3A_360 to %scan3A_362 step %scan3A_363  : i32 {
        %get3A = arith.index_cast %scan3A_388 : i32 to index
        %get3A_389 = arith.constant 0 : index
        %get3A_390 = tpu.vector_load %arg5[%get3A, %get3A_389] {strides = array<i32>} : memref<100x128xf32, #tpu.memory_space<vmem>>, vector<1x16xf32>,
        %get3A_391 = vector.shape_cast %get3A_390 : vector<1x16xf32> to vector<16xf32>
        %get3A_392 = arith.constant 3 : i32
        %get3A_393 = arith.constant 0 : i32
        %get3A_394 = arith.index_cast %get3A_392 : i32 to index
        %get3A_395 = arith.index_cast %get3A_393 : i32 to index
        %get3A_396 = arith.index_cast %scan3A_388 : i32 to index
        %get3A_397 = arith.constant 0 : index
        %get3A_398 = tpu.vector_load %arg6[%get3A_394, %get3A_395, %get3A_396, %get3A_397] {strides = array<i32>} : memref<4x2x100x128xf32, #tpu.memory_space<vmem>>, vector<1x1x1x16xf32>,
        %get3A_399 = vector.shape_cast %get3A_398 : vector<1x1x1x16xf32> to vector<16xf32>
        %mul3A_400 = arith.constant 8.000000e+00 : f32
        %mul3A_401 = vector.broadcast %mul3A_400 : f32 to vector<16xf32>
        %mul3A_402 = arith.mulf %get3A_399, %mul3A_401 : vector<16xf32>
        %add3A_403 = arith.addf %mul3A_402, %get3A_391 : vector<16xf32>
        %swap3A = arith.constant 3 : i32
        %swap3A_404 = arith.constant 0 : i32
        %swap3A_405 = arith.index_cast %swap3A : i32 to index
        %swap3A_406 = arith.index_cast %swap3A_404 : i32 to index
        %swap3A_407 = arith.index_cast %scan3A_388 : i32 to index
        %swap3A_408 = arith.constant 0 : index
        %swap3A_409 = tpu.vector_load %arg6[%swap3A_405, %swap3A_406, %swap3A_407, %swap3A_408] {strides = array<i32>} : memref<4x2x100x128xf32, #tpu.memory_space<vmem>>, vector<1x1x1x16xf32>,
        %swap3A_410 = vector.shape_cast %swap3A_409 : vector<1x1x1x16xf32> to vector<16xf32>
        %swap3A_411 = vector.shape_cast %add3A_403 : vector<16xf32> to vector<1x1x1x16xf32>
        tpu.vector_store %arg6[%swap3A_405, %swap3A_406, %swap3A_407, %swap3A_408], %swap3A_411 {strides = array<i32>} : memref<4x2x100x128xf32, #tpu.memory_space<vmem>>, vector<1x1x1x16xf32>,
        %get3A_412 = arith.constant 3 : i32
        %get3A_413 = arith.constant 1 : i32
        %get3A_414 = arith.index_cast %get3A_412 : i32 to index
        %get3A_415 = arith.index_cast %get3A_413 : i32 to index
        %get3A_416 = arith.index_cast %scan3A_388 : i32 to index
        %get3A_417 = arith.constant 0 : index
        %get3A_418 = tpu.vector_load %arg6[%get3A_414, %get3A_415, %get3A_416, %get3A_417] {strides = array<i32>} : memref<4x2x100x128xf32, #tpu.memory_space<vmem>>, vector<1x1x1x16xf32>,
        %get3A_419 = vector.shape_cast %get3A_418 : vector<1x1x1x16xf32> to vector<16xf32>
        %mul3A_420 = arith.constant 8.000000e+00 : f32
        %mul3A_421 = vector.broadcast %mul3A_420 : f32 to vector<16xf32>
        %mul3A_422 = arith.mulf %get3A_419, %mul3A_421 : vector<16xf32>
        %add3A_423 = arith.addf %mul3A_422, %get3A_391 : vector<16xf32>
        %swap3A_424 = arith.constant 3 : i32
        %swap3A_425 = arith.constant 1 : i32
        %swap3A_426 = arith.index_cast %swap3A_424 : i32 to index
        %swap3A_427 = arith.index_cast %swap3A_425 : i32 to index
        %swap3A_428 = arith.index_cast %scan3A_388 : i32 to index
        %swap3A_429 = arith.constant 0 : index
        %swap3A_430 = tpu.vector_load %arg6[%swap3A_426, %swap3A_427, %swap3A_428, %swap3A_429] {strides = array<i32>} : memref<4x2x100x128xf32, #tpu.memory_space<vmem>>, vector<1x1x1x16xf32>,
        %swap3A_431 = vector.shape_cast %swap3A_430 : vector<1x1x1x16xf32> to vector<16xf32>
        %swap3A_432 = vector.shape_cast %add3A_423 : vector<16xf32> to vector<1x1x1x16xf32>
        tpu.vector_store %arg6[%swap3A_426, %swap3A_427, %swap3A_428, %swap3A_429], %swap3A_432 {strides = array<i32>} : memref<4x2x100x128xf32, #tpu.memory_space<vmem>>, vector<1x1x1x16xf32>,
        %get3A_433 = arith.index_cast %scan3A_388 : i32 to index
        %get3A_434 = arith.constant 16 : index
        %get3A_435 = tpu.vector_load %arg5[%get3A_433, %get3A_434] {strides = array<i32>} : memref<100x128xf32, #tpu.memory_space<vmem>>, vector<1x16xf32>,
        %get3A_436 = vector.shape_cast %get3A_435 : vector<1x16xf32> to vector<16xf32>
        %get3A_437 = arith.constant 3 : i32
        %get3A_438 = arith.constant 0 : i32
        %get3A_439 = arith.index_cast %get3A_437 : i32 to index
        %get3A_440 = arith.index_cast %get3A_438 : i32 to index
        %get3A_441 = arith.index_cast %scan3A_388 : i32 to index
        %get3A_442 = arith.constant 16 : index
        %get3A_443 = tpu.vector_load %arg6[%get3A_439, %get3A_440, %get3A_441, %get3A_442] {strides = array<i32>} : memref<4x2x100x128xf32, #tpu.memory_space<vmem>>, vector<1x1x1x16xf32>,
        %get3A_444 = vector.shape_cast %get3A_443 : vector<1x1x1x16xf32> to vector<16xf32>
        %mul3A_445 = arith.constant 8.000000e+00 : f32
        %mul3A_446 = vector.broadcast %mul3A_445 : f32 to vector<16xf32>
        %mul3A_447 = arith.mulf %get3A_444, %mul3A_446 : vector<16xf32>
        %add3A_448 = arith.addf %mul3A_447, %get3A_436 : vector<16xf32>
        %swap3A_449 = arith.constant 3 : i32
        %swap3A_450 = arith.constant 0 : i32
        %swap3A_451 = arith.index_cast %swap3A_449 : i32 to index
        %swap3A_452 = arith.index_cast %swap3A_450 : i32 to index
        %swap3A_453 = arith.index_cast %scan3A_388 : i32 to index
        %swap3A_454 = arith.constant 16 : index
        %swap3A_455 = tpu.vector_load %arg6[%swap3A_451, %swap3A_452, %swap3A_453, %swap3A_454] {strides = array<i32>} : memref<4x2x100x128xf32, #tpu.memory_space<vmem>>, vector<1x1x1x16xf32>,
        %swap3A_456 = vector.shape_cast %swap3A_455 : vector<1x1x1x16xf32> to vector<16xf32>
        %swap3A_457 = vector.shape_cast %add3A_448 : vector<16xf32> to vector<1x1x1x16xf32>
        tpu.vector_store %arg6[%swap3A_451, %swap3A_452, %swap3A_453, %swap3A_454], %swap3A_457 {strides = array<i32>} : memref<4x2x100x128xf32, #tpu.memory_space<vmem>>, vector<1x1x1x16xf32>,
        %get3A_458 = arith.constant 3 : i32
        %get3A_459 = arith.constant 1 : i32
        %get3A_460 = arith.index_cast %get3A_458 : i32 to index
        %get3A_461 = arith.index_cast %get3A_459 : i32 to index
        %get3A_462 = arith.index_cast %scan3A_388 : i32 to index
        %get3A_463 = arith.constant 16 : index
        %get3A_464 = tpu.vector_load %arg6[%get3A_460, %get3A_461, %get3A_462, %get3A_463] {strides = array<i32>} : memref<4x2x100x128xf32, #tpu.memory_space<vmem>>, vector<1x1x1x16xf32>,
        %get3A_465 = vector.shape_cast %get3A_464 : vector<1x1x1x16xf32> to vector<16xf32>
        %mul3A_466 = arith.constant 8.000000e+00 : f32
        %mul3A_467 = vector.broadcast %mul3A_466 : f32 to vector<16xf32>
        %mul3A_468 = arith.mulf %get3A_465, %mul3A_467 : vector<16xf32>
        %add3A_469 = arith.addf %mul3A_468, %get3A_436 : vector<16xf32>
        %swap3A_470 = arith.constant 3 : i32
        %swap3A_471 = arith.constant 1 : i32
        %swap3A_472 = arith.index_cast %swap3A_470 : i32 to index
        %swap3A_473 = arith.index_cast %swap3A_471 : i32 to index
        %swap3A_474 = arith.index_cast %scan3A_388 : i32 to index
        %swap3A_475 = arith.constant 16 : index
        %swap3A_476 = tpu.vector_load %arg6[%swap3A_472, %swap3A_473, %swap3A_474, %swap3A_475] {strides = array<i32>} : memref<4x2x100x128xf32, #tpu.memory_space<vmem>>, vector<1x1x1x16xf32>,
        %swap3A_477 = vector.shape_cast %swap3A_476 : vector<1x1x1x16xf32> to vector<16xf32>
        %swap3A_478 = vector.shape_cast %add3A_469 : vector<16xf32> to vector<1x1x1x16xf32>
        tpu.vector_store %arg6[%swap3A_472, %swap3A_473, %swap3A_474, %swap3A_475], %swap3A_478 {strides = array<i32>} : memref<4x2x100x128xf32, #tpu.memory_space<vmem>>, vector<1x1x1x16xf32>,
        %get3A_479 = arith.index_cast %scan3A_388 : i32 to index
        %get3A_480 = arith.constant 32 : index
        %get3A_481 = tpu.vector_load %arg5[%get3A_479, %get3A_480] {strides = array<i32>} : memref<100x128xf32, #tpu.memory_space<vmem>>, vector<1x16xf32>,
        %get3A_482 = vector.shape_cast %get3A_481 : vector<1x16xf32> to vector<16xf32>
        %get3A_483 = arith.constant 3 : i32
        %get3A_484 = arith.constant 0 : i32
        %get3A_485 = arith.index_cast %get3A_483 : i32 to index
        %get3A_486 = arith.index_cast %get3A_484 : i32 to index
        %get3A_487 = arith.index_cast %scan3A_388 : i32 to index
        %get3A_488 = arith.constant 32 : index
        %get3A_489 = tpu.vector_load %arg6[%get3A_485, %get3A_486, %get3A_487, %get3A_488] {strides = array<i32>} : memref<4x2x100x128xf32, #tpu.memory_space<vmem>>, vector<1x1x1x16xf32>,
        %get3A_490 = vector.shape_cast %get3A_489 : vector<1x1x1x16xf32> to vector<16xf32>
        %mul3A_491 = arith.constant 8.000000e+00 : f32
        %mul3A_492 = vector.broadcast %mul3A_491 : f32 to vector<16xf32>
        %mul3A_493 = arith.mulf %get3A_490, %mul3A_492 : vector<16xf32>
        %add3A_494 = arith.addf %mul3A_493, %get3A_482 : vector<16xf32>
        %swap3A_495 = arith.constant 3 : i32
        %swap3A_496 = arith.constant 0 : i32
        %swap3A_497 = arith.index_cast %swap3A_495 : i32 to index
        %swap3A_498 = arith.index_cast %swap3A_496 : i32 to index
        %swap3A_499 = arith.index_cast %scan3A_388 : i32 to index
        %swap3A_500 = arith.constant 32 : index
        %swap3A_501 = tpu.vector_load %arg6[%swap3A_497, %swap3A_498, %swap3A_499, %swap3A_500] {strides = array<i32>} : memref<4x2x100x128xf32, #tpu.memory_space<vmem>>, vector<1x1x1x16xf32>,
        %swap3A_502 = vector.shape_cast %swap3A_501 : vector<1x1x1x16xf32> to vector<16xf32>
        %swap3A_503 = vector.shape_cast %add3A_494 : vector<16xf32> to vector<1x1x1x16xf32>
        tpu.vector_store %arg6[%swap3A_497, %swap3A_498, %swap3A_499, %swap3A_500], %swap3A_503 {strides = array<i32>} : memref<4x2x100x128xf32, #tpu.memory_space<vmem>>, vector<1x1x1x16xf32>,
        %get3A_504 = arith.constant 3 : i32
        %get3A_505 = arith.constant 1 : i32
        %get3A_506 = arith.index_cast %get3A_504 : i32 to index
        %get3A_507 = arith.index_cast %get3A_505 : i32 to index
        %get3A_508 = arith.index_cast %scan3A_388 : i32 to index
        %get3A_509 = arith.constant 32 : index
        %get3A_510 = tpu.vector_load %arg6[%get3A_506, %get3A_507, %get3A_508, %get3A_509] {strides = array<i32>} : memref<4x2x100x128xf32, #tpu.memory_space<vmem>>, vector<1x1x1x16xf32>,
        %get3A_511 = vector.shape_cast %get3A_510 : vector<1x1x1x16xf32> to vector<16xf32>
        %mul3A_512 = arith.constant 8.000000e+00 : f32
        %mul3A_513 = vector.broadcast %mul3A_512 : f32 to vector<16xf32>
        %mul3A_514 = arith.mulf %get3A_511, %mul3A_513 : vector<16xf32>
        %add3A_515 = arith.addf %mul3A_514, %get3A_482 : vector<16xf32>
        %swap3A_516 = arith.constant 3 : i32
        %swap3A_517 = arith.constant 1 : i32
        %swap3A_518 = arith.index_cast %swap3A_516 : i32 to index
        %swap3A_519 = arith.index_cast %swap3A_517 : i32 to index
        %swap3A_520 = arith.index_cast %scan3A_388 : i32 to index
        %swap3A_521 = arith.constant 32 : index
        %swap3A_522 = tpu.vector_load %arg6[%swap3A_518, %swap3A_519, %swap3A_520, %swap3A_521] {strides = array<i32>} : memref<4x2x100x128xf32, #tpu.memory_space<vmem>>, vector<1x1x1x16xf32>,
        %swap3A_523 = vector.shape_cast %swap3A_522 : vector<1x1x1x16xf32> to vector<16xf32>
        %swap3A_524 = vector.shape_cast %add3A_515 : vector<16xf32> to vector<1x1x1x16xf32>
        tpu.vector_store %arg6[%swap3A_518, %swap3A_519, %swap3A_520, %swap3A_521], %swap3A_524 {strides = array<i32>} : memref<4x2x100x128xf32, #tpu.memory_space<vmem>>, vector<1x1x1x16xf32>,
        %get3A_525 = arith.index_cast %scan3A_388 : i32 to index
        %get3A_526 = arith.constant 48 : index
        %get3A_527 = tpu.vector_load %arg5[%get3A_525, %get3A_526] {strides = array<i32>} : memref<100x128xf32, #tpu.memory_space<vmem>>, vector<1x16xf32>,
        %get3A_528 = vector.shape_cast %get3A_527 : vector<1x16xf32> to vector<16xf32>
        %get3A_529 = arith.constant 3 : i32
        %get3A_530 = arith.constant 0 : i32
        %get3A_531 = arith.index_cast %get3A_529 : i32 to index
        %get3A_532 = arith.index_cast %get3A_530 : i32 to index
        %get3A_533 = arith.index_cast %scan3A_388 : i32 to index
        %get3A_534 = arith.constant 48 : index
        %get3A_535 = tpu.vector_load %arg6[%get3A_531, %get3A_532, %get3A_533, %get3A_534] {strides = array<i32>} : memref<4x2x100x128xf32, #tpu.memory_space<vmem>>, vector<1x1x1x16xf32>,
        %get3A_536 = vector.shape_cast %get3A_535 : vector<1x1x1x16xf32> to vector<16xf32>
        %mul3A_537 = arith.constant 8.000000e+00 : f32
        %mul3A_538 = vector.broadcast %mul3A_537 : f32 to vector<16xf32>
        %mul3A_539 = arith.mulf %get3A_536, %mul3A_538 : vector<16xf32>
        %add3A_540 = arith.addf %mul3A_539, %get3A_528 : vector<16xf32>
        %swap3A_541 = arith.constant 3 : i32
        %swap3A_542 = arith.constant 0 : i32
        %swap3A_543 = arith.index_cast %swap3A_541 : i32 to index
        %swap3A_544 = arith.index_cast %swap3A_542 : i32 to index
        %swap3A_545 = arith.index_cast %scan3A_388 : i32 to index
        %swap3A_546 = arith.constant 48 : index
        %swap3A_547 = tpu.vector_load %arg6[%swap3A_543, %swap3A_544, %swap3A_545, %swap3A_546] {strides = array<i32>} : memref<4x2x100x128xf32, #tpu.memory_space<vmem>>, vector<1x1x1x16xf32>,
        %swap3A_548 = vector.shape_cast %swap3A_547 : vector<1x1x1x16xf32> to vector<16xf32>
        %swap3A_549 = vector.shape_cast %add3A_540 : vector<16xf32> to vector<1x1x1x16xf32>
        tpu.vector_store %arg6[%swap3A_543, %swap3A_544, %swap3A_545, %swap3A_546], %swap3A_549 {strides = array<i32>} : memref<4x2x100x128xf32, #tpu.memory_space<vmem>>, vector<1x1x1x16xf32>,
        %get3A_550 = arith.constant 3 : i32
        %get3A_551 = arith.constant 1 : i32
        %get3A_552 = arith.index_cast %get3A_550 : i32 to index
        %get3A_553 = arith.index_cast %get3A_551 : i32 to index
        %get3A_554 = arith.index_cast %scan3A_388 : i32 to index
        %get3A_555 = arith.constant 48 : index
        %get3A_556 = tpu.vector_load %arg6[%get3A_552, %get3A_553, %get3A_554, %get3A_555] {strides = array<i32>} : memref<4x2x100x128xf32, #tpu.memory_space<vmem>>, vector<1x1x1x16xf32>,
        %get3A_557 = vector.shape_cast %get3A_556 : vector<1x1x1x16xf32> to vector<16xf32>
        %mul3A_558 = arith.constant 8.000000e+00 : f32
        %mul3A_559 = vector.broadcast %mul3A_558 : f32 to vector<16xf32>
        %mul3A_560 = arith.mulf %get3A_557, %mul3A_559 : vector<16xf32>
        %add3A_561 = arith.addf %mul3A_560, %get3A_528 : vector<16xf32>
        %swap3A_562 = arith.constant 3 : i32
        %swap3A_563 = arith.constant 1 : i32
        %swap3A_564 = arith.index_cast %swap3A_562 : i32 to index
        %swap3A_565 = arith.index_cast %swap3A_563 : i32 to index
        %swap3A_566 = arith.index_cast %scan3A_388 : i32 to index
        %swap3A_567 = arith.constant 48 : index
        %swap3A_568 = tpu.vector_load %arg6[%swap3A_564, %swap3A_565, %swap3A_566, %swap3A_567] {strides = array<i32>} : memref<4x2x100x128xf32, #tpu.memory_space<vmem>>, vector<1x1x1x16xf32>,
        %swap3A_569 = vector.shape_cast %swap3A_568 : vector<1x1x1x16xf32> to vector<16xf32>
        %swap3A_570 = vector.shape_cast %add3A_561 : vector<16xf32> to vector<1x1x1x16xf32>
        tpu.vector_store %arg6[%swap3A_564, %swap3A_565, %swap3A_566, %swap3A_567], %swap3A_570 {strides = array<i32>} : memref<4x2x100x128xf32, #tpu.memory_space<vmem>>, vector<1x1x1x16xf32>,
        %get3A_571 = arith.index_cast %scan3A_388 : i32 to index
        %get3A_572 = arith.constant 64 : index
        %get3A_573 = tpu.vector_load %arg5[%get3A_571, %get3A_572] {strides = array<i32>} : memref<100x128xf32, #tpu.memory_space<vmem>>, vector<1x16xf32>,
        %get3A_574 = vector.shape_cast %get3A_573 : vector<1x16xf32> to vector<16xf32>
        %get3A_575 = arith.constant 3 : i32
        %get3A_576 = arith.constant 0 : i32
        %get3A_577 = arith.index_cast %get3A_575 : i32 to index
        %get3A_578 = arith.index_cast %get3A_576 : i32 to index
        %get3A_579 = arith.index_cast %scan3A_388 : i32 to index
        %get3A_580 = arith.constant 64 : index
        %get3A_581 = tpu.vector_load %arg6[%get3A_577, %get3A_578, %get3A_579, %get3A_580] {strides = array<i32>} : memref<4x2x100x128xf32, #tpu.memory_space<vmem>>, vector<1x1x1x16xf32>,
        %get3A_582 = vector.shape_cast %get3A_581 : vector<1x1x1x16xf32> to vector<16xf32>
        %mul3A_583 = arith.constant 8.000000e+00 : f32
        %mul3A_584 = vector.broadcast %mul3A_583 : f32 to vector<16xf32>
        %mul3A_585 = arith.mulf %get3A_582, %mul3A_584 : vector<16xf32>
        %add3A_586 = arith.addf %mul3A_585, %get3A_574 : vector<16xf32>
        %swap3A_587 = arith.constant 3 : i32
        %swap3A_588 = arith.constant 0 : i32
        %swap3A_589 = arith.index_cast %swap3A_587 : i32 to index
        %swap3A_590 = arith.index_cast %swap3A_588 : i32 to index
        %swap3A_591 = arith.index_cast %scan3A_388 : i32 to index
        %swap3A_592 = arith.constant 64 : index
        %swap3A_593 = tpu.vector_load %arg6[%swap3A_589, %swap3A_590, %swap3A_591, %swap3A_592] {strides = array<i32>} : memref<4x2x100x128xf32, #tpu.memory_space<vmem>>, vector<1x1x1x16xf32>,
        %swap3A_594 = vector.shape_cast %swap3A_593 : vector<1x1x1x16xf32> to vector<16xf32>
        %swap3A_595 = vector.shape_cast %add3A_586 : vector<16xf32> to vector<1x1x1x16xf32>
        tpu.vector_store %arg6[%swap3A_589, %swap3A_590, %swap3A_591, %swap3A_592], %swap3A_595 {strides = array<i32>} : memref<4x2x100x128xf32, #tpu.memory_space<vmem>>, vector<1x1x1x16xf32>,
        %get3A_596 = arith.constant 3 : i32
        %get3A_597 = arith.constant 1 : i32
        %get3A_598 = arith.index_cast %get3A_596 : i32 to index
        %get3A_599 = arith.index_cast %get3A_597 : i32 to index
        %get3A_600 = arith.index_cast %scan3A_388 : i32 to index
        %get3A_601 = arith.constant 64 : index
        %get3A_602 = tpu.vector_load %arg6[%get3A_598, %get3A_599, %get3A_600, %get3A_601] {strides = array<i32>} : memref<4x2x100x128xf32, #tpu.memory_space<vmem>>, vector<1x1x1x16xf32>,
        %get3A_603 = vector.shape_cast %get3A_602 : vector<1x1x1x16xf32> to vector<16xf32>
        %mul3A_604 = arith.constant 8.000000e+00 : f32
        %mul3A_605 = vector.broadcast %mul3A_604 : f32 to vector<16xf32>
        %mul3A_606 = arith.mulf %get3A_603, %mul3A_605 : vector<16xf32>
        %add3A_607 = arith.addf %mul3A_606, %get3A_574 : vector<16xf32>
        %swap3A_608 = arith.constant 3 : i32
        %swap3A_609 = arith.constant 1 : i32
        %swap3A_610 = arith.index_cast %swap3A_608 : i32 to index
        %swap3A_611 = arith.index_cast %swap3A_609 : i32 to index
        %swap3A_612 = arith.index_cast %scan3A_388 : i32 to index
        %swap3A_613 = arith.constant 64 : index
        %swap3A_614 = tpu.vector_load %arg6[%swap3A_610, %swap3A_611, %swap3A_612, %swap3A_613] {strides = array<i32>} : memref<4x2x100x128xf32, #tpu.memory_space<vmem>>, vector<1x1x1x16xf32>,
        %swap3A_615 = vector.shape_cast %swap3A_614 : vector<1x1x1x16xf32> to vector<16xf32>
        %swap3A_616 = vector.shape_cast %add3A_607 : vector<16xf32> to vector<1x1x1x16xf32>
        tpu.vector_store %arg6[%swap3A_610, %swap3A_611, %swap3A_612, %swap3A_613], %swap3A_616 {strides = array<i32>} : memref<4x2x100x128xf32, #tpu.memory_space<vmem>>, vector<1x1x1x16xf32>,
        %get3A_617 = arith.index_cast %scan3A_388 : i32 to index
        %get3A_618 = arith.constant 80 : index
        %get3A_619 = tpu.vector_load %arg5[%get3A_617, %get3A_618] {strides = array<i32>} : memref<100x128xf32, #tpu.memory_space<vmem>>, vector<1x16xf32>,
        %get3A_620 = vector.shape_cast %get3A_619 : vector<1x16xf32> to vector<16xf32>
        %get3A_621 = arith.constant 3 : i32
        %get3A_622 = arith.constant 0 : i32
        %get3A_623 = arith.index_cast %get3A_621 : i32 to index
        %get3A_624 = arith.index_cast %get3A_622 : i32 to index
        %get3A_625 = arith.index_cast %scan3A_388 : i32 to index
        %get3A_626 = arith.constant 80 : index
        %get3A_627 = tpu.vector_load %arg6[%get3A_623, %get3A_624, %get3A_625, %get3A_626] {strides = array<i32>} : memref<4x2x100x128xf32, #tpu.memory_space<vmem>>, vector<1x1x1x16xf32>,
        %get3A_628 = vector.shape_cast %get3A_627 : vector<1x1x1x16xf32> to vector<16xf32>
        %mul3A_629 = arith.constant 8.000000e+00 : f32
        %mul3A_630 = vector.broadcast %mul3A_629 : f32 to vector<16xf32>
        %mul3A_631 = arith.mulf %get3A_628, %mul3A_630 : vector<16xf32>
        %add3A_632 = arith.addf %mul3A_631, %get3A_620 : vector<16xf32>
        %swap3A_633 = arith.constant 3 : i32
        %swap3A_634 = arith.constant 0 : i32
        %swap3A_635 = arith.index_cast %swap3A_633 : i32 to index
        %swap3A_636 = arith.index_cast %swap3A_634 : i32 to index
        %swap3A_637 = arith.index_cast %scan3A_388 : i32 to index
        %swap3A_638 = arith.constant 80 : index
        %swap3A_639 = tpu.vector_load %arg6[%swap3A_635, %swap3A_636, %swap3A_637, %swap3A_638] {strides = array<i32>} : memref<4x2x100x128xf32, #tpu.memory_space<vmem>>, vector<1x1x1x16xf32>,
        %swap3A_640 = vector.shape_cast %swap3A_639 : vector<1x1x1x16xf32> to vector<16xf32>
        %swap3A_641 = vector.shape_cast %add3A_632 : vector<16xf32> to vector<1x1x1x16xf32>
        tpu.vector_store %arg6[%swap3A_635, %swap3A_636, %swap3A_637, %swap3A_638], %swap3A_641 {strides = array<i32>} : memref<4x2x100x128xf32, #tpu.memory_space<vmem>>, vector<1x1x1x16xf32>,
        %get3A_642 = arith.constant 3 : i32
        %get3A_643 = arith.constant 1 : i32
        %get3A_644 = arith.index_cast %get3A_642 : i32 to index
        %get3A_645 = arith.index_cast %get3A_643 : i32 to index
        %get3A_646 = arith.index_cast %scan3A_388 : i32 to index
        %get3A_647 = arith.constant 80 : index
        %get3A_648 = tpu.vector_load %arg6[%get3A_644, %get3A_645, %get3A_646, %get3A_647] {strides = array<i32>} : memref<4x2x100x128xf32, #tpu.memory_space<vmem>>, vector<1x1x1x16xf32>,
        %get3A_649 = vector.shape_cast %get3A_648 : vector<1x1x1x16xf32> to vector<16xf32>
        %mul3A_650 = arith.constant 8.000000e+00 : f32
        %mul3A_651 = vector.broadcast %mul3A_650 : f32 to vector<16xf32>
        %mul3A_652 = arith.mulf %get3A_649, %mul3A_651 : vector<16xf32>
        %add3A_653 = arith.addf %mul3A_652, %get3A_620 : vector<16xf32>
        %swap3A_654 = arith.constant 3 : i32
        %swap3A_655 = arith.constant 1 : i32
        %swap3A_656 = arith.index_cast %swap3A_654 : i32 to index
        %swap3A_657 = arith.index_cast %swap3A_655 : i32 to index
        %swap3A_658 = arith.index_cast %scan3A_388 : i32 to index
        %swap3A_659 = arith.constant 80 : index
        %swap3A_660 = tpu.vector_load %arg6[%swap3A_656, %swap3A_657, %swap3A_658, %swap3A_659] {strides = array<i32>} : memref<4x2x100x128xf32, #tpu.memory_space<vmem>>, vector<1x1x1x16xf32>,
        %swap3A_661 = vector.shape_cast %swap3A_660 : vector<1x1x1x16xf32> to vector<16xf32>
        %swap3A_662 = vector.shape_cast %add3A_653 : vector<16xf32> to vector<1x1x1x16xf32>
        tpu.vector_store %arg6[%swap3A_656, %swap3A_657, %swap3A_658, %swap3A_659], %swap3A_662 {strides = array<i32>} : memref<4x2x100x128xf32, #tpu.memory_space<vmem>>, vector<1x1x1x16xf32>,
        %get3A_663 = arith.index_cast %scan3A_388 : i32 to index
        %get3A_664 = arith.constant 96 : index
        %get3A_665 = tpu.vector_load %arg5[%get3A_663, %get3A_664] {strides = array<i32>} : memref<100x128xf32, #tpu.memory_space<vmem>>, vector<1x16xf32>,
        %get3A_666 = vector.shape_cast %get3A_665 : vector<1x16xf32> to vector<16xf32>
        %get3A_667 = arith.constant 3 : i32
        %get3A_668 = arith.constant 0 : i32
        %get3A_669 = arith.index_cast %get3A_667 : i32 to index
        %get3A_670 = arith.index_cast %get3A_668 : i32 to index
        %get3A_671 = arith.index_cast %scan3A_388 : i32 to index
        %get3A_672 = arith.constant 96 : index
        %get3A_673 = tpu.vector_load %arg6[%get3A_669, %get3A_670, %get3A_671, %get3A_672] {strides = array<i32>} : memref<4x2x100x128xf32, #tpu.memory_space<vmem>>, vector<1x1x1x16xf32>,
        %get3A_674 = vector.shape_cast %get3A_673 : vector<1x1x1x16xf32> to vector<16xf32>
        %mul3A_675 = arith.constant 8.000000e+00 : f32
        %mul3A_676 = vector.broadcast %mul3A_675 : f32 to vector<16xf32>
        %mul3A_677 = arith.mulf %get3A_674, %mul3A_676 : vector<16xf32>
        %add3A_678 = arith.addf %mul3A_677, %get3A_666 : vector<16xf32>
        %swap3A_679 = arith.constant 3 : i32
        %swap3A_680 = arith.constant 0 : i32
        %swap3A_681 = arith.index_cast %swap3A_679 : i32 to index
        %swap3A_682 = arith.index_cast %swap3A_680 : i32 to index
        %swap3A_683 = arith.index_cast %scan3A_388 : i32 to index
        %swap3A_684 = arith.constant 96 : index
        %swap3A_685 = tpu.vector_load %arg6[%swap3A_681, %swap3A_682, %swap3A_683, %swap3A_684] {strides = array<i32>} : memref<4x2x100x128xf32, #tpu.memory_space<vmem>>, vector<1x1x1x16xf32>,
        %swap3A_686 = vector.shape_cast %swap3A_685 : vector<1x1x1x16xf32> to vector<16xf32>
        %swap3A_687 = vector.shape_cast %add3A_678 : vector<16xf32> to vector<1x1x1x16xf32>
        tpu.vector_store %arg6[%swap3A_681, %swap3A_682, %swap3A_683, %swap3A_684], %swap3A_687 {strides = array<i32>} : memref<4x2x100x128xf32, #tpu.memory_space<vmem>>, vector<1x1x1x16xf32>,
        %get3A_688 = arith.constant 3 : i32
        %get3A_689 = arith.constant 1 : i32
        %get3A_690 = arith.index_cast %get3A_688 : i32 to index
        %get3A_691 = arith.index_cast %get3A_689 : i32 to index
        %get3A_692 = arith.index_cast %scan3A_388 : i32 to index
        %get3A_693 = arith.constant 96 : index
        %get3A_694 = tpu.vector_load %arg6[%get3A_690, %get3A_691, %get3A_692, %get3A_693] {strides = array<i32>} : memref<4x2x100x128xf32, #tpu.memory_space<vmem>>, vector<1x1x1x16xf32>,
        %get3A_695 = vector.shape_cast %get3A_694 : vector<1x1x1x16xf32> to vector<16xf32>
        %mul3A_696 = arith.constant 8.000000e+00 : f32
        %mul3A_697 = vector.broadcast %mul3A_696 : f32 to vector<16xf32>
        %mul3A_698 = arith.mulf %get3A_695, %mul3A_697 : vector<16xf32>
        %add3A_699 = arith.addf %mul3A_698, %get3A_666 : vector<16xf32>
        %swap3A_700 = arith.constant 3 : i32
        %swap3A_701 = arith.constant 1 : i32
        %swap3A_702 = arith.index_cast %swap3A_700 : i32 to index
        %swap3A_703 = arith.index_cast %swap3A_701 : i32 to index
        %swap3A_704 = arith.index_cast %scan3A_388 : i32 to index
        %swap3A_705 = arith.constant 96 : index
        %swap3A_706 = tpu.vector_load %arg6[%swap3A_702, %swap3A_703, %swap3A_704, %swap3A_705] {strides = array<i32>} : memref<4x2x100x128xf32, #tpu.memory_space<vmem>>, vector<1x1x1x16xf32>,
        %swap3A_707 = vector.shape_cast %swap3A_706 : vector<1x1x1x16xf32> to vector<16xf32>
        %swap3A_708 = vector.shape_cast %add3A_699 : vector<16xf32> to vector<1x1x1x16xf32>
        tpu.vector_store %arg6[%swap3A_702, %swap3A_703, %swap3A_704, %swap3A_705], %swap3A_708 {strides = array<i32>} : memref<4x2x100x128xf32, #tpu.memory_space<vmem>>, vector<1x1x1x16xf32>,
        %get3A_709 = arith.index_cast %scan3A_388 : i32 to index
        %get3A_710 = arith.constant 112 : index
        %get3A_711 = tpu.vector_load %arg5[%get3A_709, %get3A_710] {strides = array<i32>} : memref<100x128xf32, #tpu.memory_space<vmem>>, vector<1x16xf32>,
        %get3A_712 = vector.shape_cast %get3A_711 : vector<1x16xf32> to vector<16xf32>
        %get3A_713 = arith.constant 3 : i32
        %get3A_714 = arith.constant 0 : i32
        %get3A_715 = arith.index_cast %get3A_713 : i32 to index
        %get3A_716 = arith.index_cast %get3A_714 : i32 to index
        %get3A_717 = arith.index_cast %scan3A_388 : i32 to index
        %get3A_718 = arith.constant 112 : index
        %get3A_719 = tpu.vector_load %arg6[%get3A_715, %get3A_716, %get3A_717, %get3A_718] {strides = array<i32>} : memref<4x2x100x128xf32, #tpu.memory_space<vmem>>, vector<1x1x1x16xf32>,
        %get3A_720 = vector.shape_cast %get3A_719 : vector<1x1x1x16xf32> to vector<16xf32>
        %mul3A_721 = arith.constant 8.000000e+00 : f32
        %mul3A_722 = vector.broadcast %mul3A_721 : f32 to vector<16xf32>
        %mul3A_723 = arith.mulf %get3A_720, %mul3A_722 : vector<16xf32>
        %add3A_724 = arith.addf %mul3A_723, %get3A_712 : vector<16xf32>
        %swap3A_725 = arith.constant 3 : i32
        %swap3A_726 = arith.constant 0 : i32
        %swap3A_727 = arith.index_cast %swap3A_725 : i32 to index
        %swap3A_728 = arith.index_cast %swap3A_726 : i32 to index
        %swap3A_729 = arith.index_cast %scan3A_388 : i32 to index
        %swap3A_730 = arith.constant 112 : index
        %swap3A_731 = tpu.vector_load %arg6[%swap3A_727, %swap3A_728, %swap3A_729, %swap3A_730] {strides = array<i32>} : memref<4x2x100x128xf32, #tpu.memory_space<vmem>>, vector<1x1x1x16xf32>,
        %swap3A_732 = vector.shape_cast %swap3A_731 : vector<1x1x1x16xf32> to vector<16xf32>
        %swap3A_733 = vector.shape_cast %add3A_724 : vector<16xf32> to vector<1x1x1x16xf32>
        tpu.vector_store %arg6[%swap3A_727, %swap3A_728, %swap3A_729, %swap3A_730], %swap3A_733 {strides = array<i32>} : memref<4x2x100x128xf32, #tpu.memory_space<vmem>>, vector<1x1x1x16xf32>,
        %get3A_734 = arith.constant 3 : i32
        %get3A_735 = arith.constant 1 : i32
        %get3A_736 = arith.index_cast %get3A_734 : i32 to index
        %get3A_737 = arith.index_cast %get3A_735 : i32 to index
        %get3A_738 = arith.index_cast %scan3A_388 : i32 to index
        %get3A_739 = arith.constant 112 : index
        %get3A_740 = tpu.vector_load %arg6[%get3A_736, %get3A_737, %get3A_738, %get3A_739] {strides = array<i32>} : memref<4x2x100x128xf32, #tpu.memory_space<vmem>>, vector<1x1x1x16xf32>,
        %get3A_741 = vector.shape_cast %get3A_740 : vector<1x1x1x16xf32> to vector<16xf32>
        %mul3A_742 = arith.constant 8.000000e+00 : f32
        %mul3A_743 = vector.broadcast %mul3A_742 : f32 to vector<16xf32>
        %mul3A_744 = arith.mulf %get3A_741, %mul3A_743 : vector<16xf32>
        %add3A_745 = arith.addf %mul3A_744, %get3A_712 : vector<16xf32>
        %swap3A_746 = arith.constant 3 : i32
        %swap3A_747 = arith.constant 1 : i32
        %swap3A_748 = arith.index_cast %swap3A_746 : i32 to index
        %swap3A_749 = arith.index_cast %swap3A_747 : i32 to index
        %swap3A_750 = arith.index_cast %scan3A_388 : i32 to index
        %swap3A_751 = arith.constant 112 : index
        %swap3A_752 = tpu.vector_load %arg6[%swap3A_748, %swap3A_749, %swap3A_750, %swap3A_751] {strides = array<i32>} : memref<4x2x100x128xf32, #tpu.memory_space<vmem>>, vector<1x1x1x16xf32>,
        %swap3A_753 = vector.shape_cast %swap3A_752 : vector<1x1x1x16xf32> to vector<16xf32>
        %swap3A_754 = vector.shape_cast %add3A_745 : vector<16xf32> to vector<1x1x1x16xf32>
        tpu.vector_store %arg6[%swap3A_748, %swap3A_749, %swap3A_750, %swap3A_751], %swap3A_754 {strides = array<i32>} : memref<4x2x100x128xf32, #tpu.memory_space<vmem>>, vector<1x1x1x16xf32>,
      }
      %scan3A_364 = arith.constant 100 : i32
      %mul3A_365 = arith.constant 2 : i32
      %mul3A_366 = arith.muli %add3A_328, %mul3A_365 : i32
      %add3A_367 = arith.addi %mul3A_2, %mul3A_366 : i32
      %dma_start3A_368 = arith.constant 3 : i32
      %dma_start3A_369 = arith.constant 3 : i32
      %dma_start3A_370 = arith.constant 0 : i32
      %dma_start3A_371 = arith.constant 0 : i32
      %dma_start3A_372 = arith.constant 0 : i32
      %dma_start3A_373 = tpu.memref_slice %arg6[%dma_start3A_368, %dma_start3A_370, %dma_start3A_371, %dma_start3A_372] : memref<4x2x100x128xf32, #tpu.memory_space<vmem>> -> memref<1x2x100x128xf32, #tpu.memory_space<vmem>>
      %dma_start3A_374 = tpu.memref_squeeze %dma_start3A_373 : memref<1x2x100x128xf32, #tpu.memory_space<vmem>> -> memref<2x100x128xf32, #tpu.memory_space<vmem>>
      %dma_start3A_375 = arith.constant 0 : i32
      %dma_start3A_376 = arith.constant 0 : i32
      %dma_start3A_377 = tpu.memref_slice %arg4[%add3A_367, %dma_start3A_375, %dma_start3A_376] : memref<4096x100x128xf32, #tpu.memory_space<hbm>> -> memref<2x100x128xf32, #tpu.memory_space<hbm>>
      %dma_start3A_378 = tpu.memref_slice %arg8[%dma_start3A_369] : memref<4x!tpu.dma_semaphore, #tpu.memory_space<semaphore_mem>> -> memref<1x!tpu.dma_semaphore, #tpu.memory_space<semaphore_mem>>
      %dma_start3A_379 = tpu.memref_squeeze %dma_start3A_378 : memref<1x!tpu.dma_semaphore, #tpu.memory_space<semaphore_mem>> -> memref<!tpu.dma_semaphore, #tpu.memory_space<semaphore_mem>>
      %dma_start3A_380 = arith.constant 0 : i32
      %dma_start3A_381 = arith.constant 0 : i32
      %dma_start3A_382 = tpu.memref_slice %arg4[%add3A_367, %dma_start3A_380, %dma_start3A_381] : memref<4096x100x128xf32, #tpu.memory_space<hbm>> -> memref<2x100x128xf32, #tpu.memory_space<hbm>>
      %dma_start3A_383 = arith.constant 0 : i32
      %dma_start3A_384 = arith.constant 0 : i32
      %dma_start3A_385 = arith.constant 0 : i32
      %dma_start3A_386 = tpu.memref_slice %arg6[%dma_start3A_368, %dma_start3A_383, %dma_start3A_384, %dma_start3A_385] : memref<4x2x100x128xf32, #tpu.memory_space<vmem>> -> memref<1x2x100x128xf32, #tpu.memory_space<vmem>>
      %dma_start3A_387 = tpu.memref_squeeze %dma_start3A_386 : memref<1x2x100x128xf32, #tpu.memory_space<vmem>> -> memref<2x100x128xf32, #tpu.memory_space<vmem>>
      tpu.enqueue_dma source(%dma_start3A_387 : memref<2x100x128xf32, #tpu.memory_space<vmem>>) target(%dma_start3A_382 : memref<2x100x128xf32, #tpu.memory_space<hbm>>) target_semaphore(%dma_start3A_379 : memref<!tpu.dma_semaphore, #tpu.memory_space<semaphore_mem>>)
    }
    %scan3A_50 = arith.constant 16 : i32
    %add3A_51 = arith.constant 120 : i32
    %add3A_52 = arith.addi %mul3A_2, %add3A_51 : i32
    %dma_wait3A = arith.constant 0 : i32
    %dma_wait3A_53 = arith.constant 0 : i32
    %dma_wait3A_54 = arith.constant 0 : i32
    %dma_wait3A_55 = arith.constant 0 : i32
    %dma_wait3A_56 = arith.constant 0 : i32
    %dma_wait3A_57 = tpu.memref_slice %arg6[%dma_wait3A, %dma_wait3A_54, %dma_wait3A_55, %dma_wait3A_56] : memref<4x2x100x128xf32, #tpu.memory_space<vmem>> -> memref<1x2x100x128xf32, #tpu.memory_space<vmem>>
    %dma_wait3A_58 = tpu.memref_squeeze %dma_wait3A_57 : memref<1x2x100x128xf32, #tpu.memory_space<vmem>> -> memref<2x100x128xf32, #tpu.memory_space<vmem>>
    %dma_wait3A_59 = arith.constant 0 : i32
    %dma_wait3A_60 = arith.constant 0 : i32
    %dma_wait3A_61 = tpu.memref_slice %arg4[%add3A_52, %dma_wait3A_59, %dma_wait3A_60] : memref<4096x100x128xf32, #tpu.memory_space<hbm>> -> memref<2x100x128xf32, #tpu.memory_space<hbm>>
    %dma_wait3A_62 = tpu.memref_slice %arg8[%dma_wait3A_53] : memref<4x!tpu.dma_semaphore, #tpu.memory_space<semaphore_mem>> -> memref<1x!tpu.dma_semaphore, #tpu.memory_space<semaphore_mem>>
    %dma_wait3A_63 = tpu.memref_squeeze %dma_wait3A_62 : memref<1x!tpu.dma_semaphore, #tpu.memory_space<semaphore_mem>> -> memref<!tpu.dma_semaphore, #tpu.memory_space<semaphore_mem>>
    %dma_wait3A_64 = arith.constant 0 : i32
    %dma_wait3A_65 = arith.constant 0 : i32
    %dma_wait3A_66 = tpu.memref_slice %arg4[%add3A_52, %dma_wait3A_64, %dma_wait3A_65] : memref<4096x100x128xf32, #tpu.memory_space<hbm>> -> memref<2x100x128xf32, #tpu.memory_space<hbm>>
    %dma_wait3A_67 = arith.constant 0 : i32
    %dma_wait3A_68 = arith.constant 0 : i32
    %dma_wait3A_69 = arith.constant 0 : i32
    %dma_wait3A_70 = tpu.memref_slice %arg6[%dma_wait3A, %dma_wait3A_67, %dma_wait3A_68, %dma_wait3A_69] : memref<4x2x100x128xf32, #tpu.memory_space<vmem>> -> memref<1x2x100x128xf32, #tpu.memory_space<vmem>>
    %dma_wait3A_71 = tpu.memref_squeeze %dma_wait3A_70 : memref<1x2x100x128xf32, #tpu.memory_space<vmem>> -> memref<2x100x128xf32, #tpu.memory_space<vmem>>
    tpu.wait_dma2 semaphore(%dma_wait3A_63 : memref<!tpu.dma_semaphore, #tpu.memory_space<semaphore_mem>>) src(%dma_wait3A_71 : memref<2x100x128xf32, #tpu.memory_space<vmem>>) dst(%dma_wait3A_66 : memref<2x100x128xf32, #tpu.memory_space<hbm>>)
    %add3A_72 = arith.constant 122 : i32
    %add3A_73 = arith.addi %mul3A_2, %add3A_72 : i32
    %dma_wait3A_74 = arith.constant 1 : i32
    %dma_wait3A_75 = arith.constant 1 : i32
    %dma_wait3A_76 = arith.constant 0 : i32
    %dma_wait3A_77 = arith.constant 0 : i32
    %dma_wait3A_78 = arith.constant 0 : i32
    %dma_wait3A_79 = tpu.memref_slice %arg6[%dma_wait3A_74, %dma_wait3A_76, %dma_wait3A_77, %dma_wait3A_78] : memref<4x2x100x128xf32, #tpu.memory_space<vmem>> -> memref<1x2x100x128xf32, #tpu.memory_space<vmem>>
    %dma_wait3A_80 = tpu.memref_squeeze %dma_wait3A_79 : memref<1x2x100x128xf32, #tpu.memory_space<vmem>> -> memref<2x100x128xf32, #tpu.memory_space<vmem>>
    %dma_wait3A_81 = arith.constant 0 : i32
    %dma_wait3A_82 = arith.constant 0 : i32
    %dma_wait3A_83 = tpu.memref_slice %arg4[%add3A_73, %dma_wait3A_81, %dma_wait3A_82] : memref<4096x100x128xf32, #tpu.memory_space<hbm>> -> memref<2x100x128xf32, #tpu.memory_space<hbm>>
    %dma_wait3A_84 = tpu.memref_slice %arg8[%dma_wait3A_75] : memref<4x!tpu.dma_semaphore, #tpu.memory_space<semaphore_mem>> -> memref<1x!tpu.dma_semaphore, #tpu.memory_space<semaphore_mem>>
    %dma_wait3A_85 = tpu.memref_squeeze %dma_wait3A_84 : memref<1x!tpu.dma_semaphore, #tpu.memory_space<semaphore_mem>> -> memref<!tpu.dma_semaphore, #tpu.memory_space<semaphore_mem>>
    %dma_wait3A_86 = arith.constant 0 : i32
    %dma_wait3A_87 = arith.constant 0 : i32
    %dma_wait3A_88 = tpu.memref_slice %arg4[%add3A_73, %dma_wait3A_86, %dma_wait3A_87] : memref<4096x100x128xf32, #tpu.memory_space<hbm>> -> memref<2x100x128xf32, #tpu.memory_space<hbm>>
    %dma_wait3A_89 = arith.constant 0 : i32
    %dma_wait3A_90 = arith.constant 0 : i32
    %dma_wait3A_91 = arith.constant 0 : i32
    %dma_wait3A_92 = tpu.memref_slice %arg6[%dma_wait3A_74, %dma_wait3A_89, %dma_wait3A_90, %dma_wait3A_91] : memref<4x2x100x128xf32, #tpu.memory_space<vmem>> -> memref<1x2x100x128xf32, #tpu.memory_space<vmem>>
    %dma_wait3A_93 = tpu.memref_squeeze %dma_wait3A_92 : memref<1x2x100x128xf32, #tpu.memory_space<vmem>> -> memref<2x100x128xf32, #tpu.memory_space<vmem>>
    tpu.wait_dma2 semaphore(%dma_wait3A_85 : memref<!tpu.dma_semaphore, #tpu.memory_space<semaphore_mem>>) src(%dma_wait3A_93 : memref<2x100x128xf32, #tpu.memory_space<vmem>>) dst(%dma_wait3A_88 : memref<2x100x128xf32, #tpu.memory_space<hbm>>)
    %add3A_94 = arith.constant 124 : i32
    %add3A_95 = arith.addi %mul3A_2, %add3A_94 : i32
    %dma_wait3A_96 = arith.constant 2 : i32
    %dma_wait3A_97 = arith.constant 2 : i32
    %dma_wait3A_98 = arith.constant 0 : i32
    %dma_wait3A_99 = arith.constant 0 : i32
    %dma_wait3A_100 = arith.constant 0 : i32
    %dma_wait3A_101 = tpu.memref_slice %arg6[%dma_wait3A_96, %dma_wait3A_98, %dma_wait3A_99, %dma_wait3A_100] : memref<4x2x100x128xf32, #tpu.memory_space<vmem>> -> memref<1x2x100x128xf32, #tpu.memory_space<vmem>>
    %dma_wait3A_102 = tpu.memref_squeeze %dma_wait3A_101 : memref<1x2x100x128xf32, #tpu.memory_space<vmem>> -> memref<2x100x128xf32, #tpu.memory_space<vmem>>
    %dma_wait3A_103 = arith.constant 0 : i32
    %dma_wait3A_104 = arith.constant 0 : i32
    %dma_wait3A_105 = tpu.memref_slice %arg4[%add3A_95, %dma_wait3A_103, %dma_wait3A_104] : memref<4096x100x128xf32, #tpu.memory_space<hbm>> -> memref<2x100x128xf32, #tpu.memory_space<hbm>>
    %dma_wait3A_106 = tpu.memref_slice %arg8[%dma_wait3A_97] : memref<4x!tpu.dma_semaphore, #tpu.memory_space<semaphore_mem>> -> memref<1x!tpu.dma_semaphore, #tpu.memory_space<semaphore_mem>>
    %dma_wait3A_107 = tpu.memref_squeeze %dma_wait3A_106 : memref<1x!tpu.dma_semaphore, #tpu.memory_space<semaphore_mem>> -> memref<!tpu.dma_semaphore, #tpu.memory_space<semaphore_mem>>
    %dma_wait3A_108 = arith.constant 0 : i32
    %dma_wait3A_109 = arith.constant 0 : i32
    %dma_wait3A_110 = tpu.memref_slice %arg4[%add3A_95, %dma_wait3A_108, %dma_wait3A_109] : memref<4096x100x128xf32, #tpu.memory_space<hbm>> -> memref<2x100x128xf32, #tpu.memory_space<hbm>>
    %dma_wait3A_111 = arith.constant 0 : i32
    %dma_wait3A_112 = arith.constant 0 : i32
    %dma_wait3A_113 = arith.constant 0 : i32
    %dma_wait3A_114 = tpu.memref_slice %arg6[%dma_wait3A_96, %dma_wait3A_111, %dma_wait3A_112, %dma_wait3A_113] : memref<4x2x100x128xf32, #tpu.memory_space<vmem>> -> memref<1x2x100x128xf32, #tpu.memory_space<vmem>>
    %dma_wait3A_115 = tpu.memref_squeeze %dma_wait3A_114 : memref<1x2x100x128xf32, #tpu.memory_space<vmem>> -> memref<2x100x128xf32, #tpu.memory_space<vmem>>
    tpu.wait_dma2 semaphore(%dma_wait3A_107 : memref<!tpu.dma_semaphore, #tpu.memory_space<semaphore_mem>>) src(%dma_wait3A_115 : memref<2x100x128xf32, #tpu.memory_space<vmem>>) dst(%dma_wait3A_110 : memref<2x100x128xf32, #tpu.memory_space<hbm>>)
    %add3A_116 = arith.constant 126 : i32
    %add3A_117 = arith.addi %mul3A_2, %add3A_116 : i32
    %dma_wait3A_118 = arith.constant 3 : i32
    %dma_wait3A_119 = arith.constant 3 : i32
    %dma_wait3A_120 = arith.constant 0 : i32
    %dma_wait3A_121 = arith.constant 0 : i32
    %dma_wait3A_122 = arith.constant 0 : i32
    %dma_wait3A_123 = tpu.memref_slice %arg6[%dma_wait3A_118, %dma_wait3A_120, %dma_wait3A_121, %dma_wait3A_122] : memref<4x2x100x128xf32, #tpu.memory_space<vmem>> -> memref<1x2x100x128xf32, #tpu.memory_space<vmem>>
    %dma_wait3A_124 = tpu.memref_squeeze %dma_wait3A_123 : memref<1x2x100x128xf32, #tpu.memory_space<vmem>> -> memref<2x100x128xf32, #tpu.memory_space<vmem>>
    %dma_wait3A_125 = arith.constant 0 : i32
    %dma_wait3A_126 = arith.constant 0 : i32
    %dma_wait3A_127 = tpu.memref_slice %arg4[%add3A_117, %dma_wait3A_125, %dma_wait3A_126] : memref<4096x100x128xf32, #tpu.memory_space<hbm>> -> memref<2x100x128xf32, #tpu.memory_space<hbm>>
    %dma_wait3A_128 = tpu.memref_slice %arg8[%dma_wait3A_119] : memref<4x!tpu.dma_semaphore, #tpu.memory_space<semaphore_mem>> -> memref<1x!tpu.dma_semaphore, #tpu.memory_space<semaphore_mem>>
    %dma_wait3A_129 = tpu.memref_squeeze %dma_wait3A_128 : memref<1x!tpu.dma_semaphore, #tpu.memory_space<semaphore_mem>> -> memref<!tpu.dma_semaphore, #tpu.memory_space<semaphore_mem>>
    %dma_wait3A_130 = arith.constant 0 : i32
    %dma_wait3A_131 = arith.constant 0 : i32
    %dma_wait3A_132 = tpu.memref_slice %arg4[%add3A_117, %dma_wait3A_130, %dma_wait3A_131] : memref<4096x100x128xf32, #tpu.memory_space<hbm>> -> memref<2x100x128xf32, #tpu.memory_space<hbm>>
    %dma_wait3A_133 = arith.constant 0 : i32
    %dma_wait3A_134 = arith.constant 0 : i32
    %dma_wait3A_135 = arith.constant 0 : i32
    %dma_wait3A_136 = tpu.memref_slice %arg6[%dma_wait3A_118, %dma_wait3A_133, %dma_wait3A_134, %dma_wait3A_135] : memref<4x2x100x128xf32, #tpu.memory_space<vmem>> -> memref<1x2x100x128xf32, #tpu.memory_space<vmem>>
    %dma_wait3A_137 = tpu.memref_squeeze %dma_wait3A_136 : memref<1x2x100x128xf32, #tpu.memory_space<vmem>> -> memref<2x100x128xf32, #tpu.memory_space<vmem>>
    tpu.wait_dma2 semaphore(%dma_wait3A_129 : memref<!tpu.dma_semaphore, #tpu.memory_space<semaphore_mem>>) src(%dma_wait3A_137 : memref<2x100x128xf32, #tpu.memory_space<vmem>>) dst(%dma_wait3A_132 : memref<2x100x128xf32, #tpu.memory_space<hbm>>)
    return
  }
}

</mosaic_0001>

<sc_bundles>
// kernel: kernel.3.cloned.1.call-start
scs
__scs_entry_jumppad:
0x0: {  	(pc) =	sbr.rel $0x88, $3  }
0x1: {  	(tag) =	ssettag $0x0;
	lr =	simm.s32 $0x1  }
0x2: {  	[smem:$0x3F9F] =	sst lr;
	_ =	strace $0xD0000000  }
0x3: {  	_ = 	snop  }
0x4: {  	_ = 	snop  }
0x5: {  	_ = 	snop  }
0x6: {  	_ = 	snop  }
0x7: {  	_ = 	snop  }
__scs_overlays_trampoline_lowered:
0x8: {  	[smem:$0x3FAE] =	sst s0  }
0x9: {  	[smem:$0x3FAF] =	sst s1  }
0xa: {  	[smem:$0x3FB0] =	sst s2  }
0xb: {  	[smem:$0x3FB1] =	sst s3  }
0xc: {  	[smem:$0x3FB2] =	sst s4  }
0xd: {  	[smem:$0x3FB3] =	sst s5  }
0xe: {  	[smem:$0x3FB4] =	sst s6  }
0xf: {  	[smem:$0x3FB5] =	sst s7  }
0x10: {  	[smem:$0x3FB6] =	sst s8  }
0x11: {  	[smem:$0x3FB7] =	sst s9;
	s0 =	simm.s32 @!p0 $0x0  }
0x12: {  	s1 =	sld [smem:$0x3F9D];
	s0 =	simm.s32 @p0 $0x1  }
0x13: {  	[smem:$0x3FB8] =	sst s0;
	s0 =	simm.s32 @!p1 $0x0  }
0x14: {  	s2 =	sld [smem:$0x3F9C];
	s0 =	simm.s32 @p1 $0x1  }
0x15: {  	[smem:$0x3FB9] =	sst s0;
	s0 =	simm.s32 @!p2 $0x0  }
0x16: {  	s3 =	sld [smem:$0x3FDB];
	s0 =	simm.s32 @p2 $0x1  }
0x17: {  	s4 =	simm.s32 $0x1BF5;
	[smem:$0x3FBB] =	sst s0  }
0x18: {  	s0 =	sld [smem:$0x3F9E];
	_ =	swait.ge [sflag:s4], $0x0  }
0x19: {  	s7 =	sld [smem:$0x3F9F]  }
0x1a: {  	s8 =	sadd.s32 $0xFFFFE003, lr  }
0x1b: {  	s9 =	sadd.s32 $0xFFFFFEF7, lr;
	s5 =	simm.s32 $0xFFFFFFFF;
	p2 =	slt.u32 s8, $0xFFFFF086  }
0x1c: {  	p1 =	slt.u32 s9, $0xF7A;
	s5 =	simm.s32 @!p2 $0x0  }
0x1d: {  	s5 =	simm.s32 @p1 $0x1;
	p0 =	seq.s32 s7, s2  }
0x1e: {  	s7 =	smul.u32 @!p0 $0xF7A, s2;
	p2 =	seq.s32 @!p0 s5, $0x0  }
0x1f: {  	s9 =	smul.u32 $0xF7A, s1;
	s8 =	simm.s32 @!p0 $0x1BF5;
	p2 =	por !p2, p0  }
0x20: {  	[sflag:s8] =	ssyncset.s32 @!p0 $0xFFFFF086;
	s6 =	sadd.s32 @!p0 s3, s7;
	s7 =	simm.s32 @!p0 $0x108  }
0x21: {  	s3 =	sadd.s32 s3, s9;
	s6 =	sadd.s32 @!p0 $0x88, s6;
	s7 =	simm.s32 @p2 $0x1082  }
0x22: {  	[simem:s7], [sflag:s8] =	dma.local @!p0 [hbm:s6], $0xF7A  }
0x23: {  	s9 =	sor.u32 $0xD0000000, s2;
	s6 =	simm.s32 $0x108;
	_ =	swait.ge @!p0 [sflag:s8], $0x0  }
0x24: {  	s3 =	sadd.s32 $0x88, s3;
	s6 =	simm.s32 @!p1 $0x1082;
	[sflag:s4] =	ssyncset.s32 $0xFFFFF086  }
0x25: {  	[simem:s6], [sflag:s4] =	dma.local [hbm:s3], $0xF7A  }
0x26: {  	[smem:$0x3F9F] =	sst s1;
	(tag) =	ssettag s2;
	_ =	strace s9  }
0x27: {  	s1 =	sld [smem:$0x3FAF]  }
0x28: {  	s2 =	sld [smem:$0x3FB0]  }
0x29: {  	s4 =	sld [smem:$0x3FB2]  }
0x2a: {  	p0 =	seq.s32 s5, $0x0;
	s5 =	sld [smem:$0x3FB3]  }
0x2b: {  	s6 =	sld [smem:$0x3FB4]  }
0x2c: {  	s7 =	sld [smem:$0x3FB5]  }
0x2d: {  	s3 =	simm.s32 $0x108;
	s8 =	sld [smem:$0x3FB6]  }
0x2e: {  	s3 =	simm.s32 @!p0 $0x1082;
	s9 =	sld [smem:$0x3FB7]  }
0x2f: {  	lr =	sadd.s32 s0, s3;
	s0 =	sld [smem:$0x3FAE]  }
0x30: {  	s3 =	sld [smem:$0x3FB1]  }
0x31: {  	[smem:$0x3FBA] =	sst s10  }
0x32: {  	s10 =	sld [smem:$0x3FB8];
	_ =	sdelay $0x3  }
0x33: {  	p0 =	seq.s32 s10, $0x1;
	s10 =	sld [smem:$0x3FBA];
	_ =	sdelay $0x3  }
0x34: {  	[smem:$0x3FBA] =	sst s10  }
0x35: {  	s10 =	sld [smem:$0x3FB9];
	_ =	sdelay $0x3  }
0x36: {  	p1 =	seq.s32 s10, $0x1;
	s10 =	sld [smem:$0x3FBA];
	_ =	sdelay $0x3  }
0x37: {  	[smem:$0x3FBA] =	sst s10  }
0x38: {  	s10 =	sld [smem:$0x3FBB]  }
0x39: {  	_ = 	snop;
	(pc) =	sbr.ind lr, $3  }
0x3a: {  	_ = 	snop  }
0x3b: {  	_ = 	snop  }
0x3c: {  	p2 =	seq.s32 s10, $0x1;
	s10 =	sld [smem:$0x3FBA]  }
0x3d: {  	_ =	shalt  }
0x3e: {  	_ =	shalt  }
0x3f: {  	_ =	shalt  }
0x40: {  	_ =	shalt  }
0x41: {  	_ =	shalt  }
0x42: {  	_ =	shalt  }
0x43: {  	_ =	shalt  }
0x44: {  	_ =	shalt  }
0x45: {  	_ =	shalt  }
0x46: {  	_ =	shalt  }
0x47: {  	_ =	shalt  }
0x48: {  	_ =	shalt  }
0x49: {  	_ =	shalt  }
0x4a: {  	_ =	shalt  }
0x4b: {  	_ =	shalt  }
0x4c: {  	_ =	shalt  }
0x4d: {  	_ =	shalt  }
0x4e: {  	_ =	shalt  }
0x4f: {  	_ =	shalt  }
0x50: {  	_ =	shalt  }
0x51: {  	_ =	shalt  }
0x52: {  	_ =	shalt  }
0x53: {  	_ =	shalt  }
0x54: {  	_ =	shalt  }
0x55: {  	_ =	shalt  }
0x56: {  	_ =	shalt  }
0x57: {  	_ =	shalt  }
0x58: {  	_ =	shalt  }
0x59: {  	_ =	shalt  }
0x5a: {  	_ =	shalt  }
0x5b: {  	_ =	shalt  }
0x5c: {  	_ =	shalt  }
0x5d: {  	_ =	shalt  }
0x5e: {  	_ =	shalt  }
0x5f: {  	_ =	shalt  }
0x60: {  	_ =	shalt  }
0x61: {  	_ =	shalt  }
0x62: {  	_ =	shalt  }
0x63: {  	_ =	shalt  }
0x64: {  	_ =	shalt  }
0x65: {  	_ =	shalt  }
0x66: {  	_ =	shalt  }
0x67: {  	_ =	shalt  }
0x68: {  	_ =	shalt  }
0x69: {  	_ =	shalt  }
0x6a: {  	_ =	shalt  }
0x6b: {  	_ =	shalt  }
0x6c: {  	_ =	shalt  }
0x6d: {  	_ =	shalt  }
0x6e: {  	_ =	shalt  }
0x6f: {  	_ =	shalt  }
0x70: {  	_ =	shalt  }
0x71: {  	_ =	shalt  }
0x72: {  	_ =	shalt  }
0x73: {  	_ =	shalt  }
0x74: {  	_ =	shalt  }
0x75: {  	_ =	shalt  }
0x76: {  	_ =	shalt  }
0x77: {  	_ =	shalt  }
0x78: {  	_ =	shalt  }
0x79: {  	_ =	shalt  }
0x7a: {  	_ =	shalt  }
0x7b: {  	_ =	shalt  }
0x7c: {  	_ =	shalt  }
0x7d: {  	_ =	shalt  }
0x7e: {  	_ =	shalt  }
0x7f: {  	_ =	shalt  }
0x80: {  	_ =	shalt  }
0x81: {  	_ =	shalt  }
0x82: {  	_ =	shalt  }
0x83: {  	_ =	shalt  }
0x84: {  	_ =	shalt  }
0x85: {  	_ =	shalt  }
0x86: {  	_ =	shalt  }
0x87: {  	_ =	shalt  }
.Lfunc_end0:
.L_simem_size_0:
called_computation_lowered:
.L_overlay_start_0:
0x88: {  	s2 =	sld [smem:$0x3FD9]  }
0x89: {  	s3 =	sld [smem:$0x3FFE];
	_ =	sdelay $0x1  }
0x8a: {  	s1 =	srdreg.scid  }
0x8b: {  	s0 =	sand.u32 $0x1, s1  }
0x8c: {  	s17 =	sshll.u32 s0, $0xA;
	s2 =	sadd.s32 s3, s2  }
0x8d: {  	s2 =	sadd.s32 s2, s17  }
0x8e: {  	[smem:$0x3FC6] =	sst s2  }
0x8f: {  	_ = 	snop  }
0x90: {  	s2 =	sld [smem:$0x3FD0];
	(tm) =	ssettm $0x1  }
0x91: {  	s18 =	sld [smem:$0x3FFB];
	_ =	sdelay $0x3  }
0x92: {  	_ =	strace s18  }
0x93: {  	s3 =	sld [smem:$0x3FFC];
	_ =	sdelay $0x3  }
0x94: {  	_ =	strace s3  }
0x95: {  	s3 =	sld [smem:$0x3FFD];
	_ =	sdelay $0x3  }
0x96: {  	_ =	strace s3  }
0x97: {  	_ =	strace $0x8FFFFFFF  }
0x98: {  	s19 =	sld [smem:$0x3FDB];
	_ =	sdelay $0x1  }
0x99: {  	s4 =	simm.s32 $_scs_section_size  }
0x9a: {  	s5 =	simm.s32 $_size__tile_overlayer_lowered;
	s6 =	simm.s32 $_tile_overlayer_lowered  }
0x9b: {  	s22 =	simm.s32 $0x1BFF;
	s21 =	sshll.u32 s6, $0x1;
	s3 =	sadd.s32 s4, s19  }
0x9c: {  	s7 =	simm.s32 $0x0;
	s20 =	sshll.u32 s5, $0x1;
	s5 =	sadd.s32 s21, s3  }
0x9d: {  	[timem:s7], [sflag:s22] =	dma.local [hbm:s5], s20  }
0x9e: {  	_ =	swait.ge [sflag:s22], s20  }
0x9f: {  	s4 =	ssub.s32 $0x0, s20;
	[sflag:s22] =	ssyncset.done $0x0  }
0xa0: {  	[sflag:s22] =	ssyncadd.s32 s4;
	_ =	sdelay $0x1  }
0xa1: {  	s23 =	simm.s32 $0x1B8B  }
0xa2: {  	_ =	swait.ge [sflag:s23], $0x1  }
0xa3: {  	[sflag:s23] =	ssyncset.done $0x0  }
0xa4: {  	s25 =	simm.s32 $0x1B8E;
	s24 =	sld [smem:$0x3FFE];
	[sflag:s23] =	ssyncadd.s32 $0xFFFFFFFF  }
0xa5: {  	s26 =	simm.s32 $execute0_lowered;
	[smem:$0x3FD2] =	sst s25  }
0xa6: {  	s5 =	sshll.u32 s26, $0x1;
	_ =	strace $0x80000046;
	[dreg:$0x1] =	wrdreg $0xFFFFFFFF  }
0xa7: {  	s28 =	simm.s32 $_size_execute0_lowered;
	s3 =	sadd.s32 s3, s5;
	[dreg:$0x0] =	wrdreg $0x0  }
0xa8: {  	s5 =	sshll.u32 s28, $0x1;
	[dreg:$0x2] =	wrdreg s3  }
0xa9: {  	[dreg:$0x3] =	wrdreg s5  }
0xaa: {  	[dreg:$0x4] =	wrdreg $0xC0  }
0xab: {  	_ =	task [dreg:s7], $0x5FFFF  }
0xac: {  	[dreg:$0x1] =	wrdreg $0xFFFFFFFF  }
0xad: {  	[dreg:$0x0] =	wrdreg $0x60  }
0xae: {  	[dreg:$0x2] =	wrdreg s24  }
0xaf: {  	[dreg:$0x3] =	wrdreg s2  }
0xb0: {  	[dreg:$0x4] =	wrdreg $0x9  }
0xb1: {  	_ =	task.clear_ibuf [dreg:s7], $0x5FFFF;
	_ =	strace $0x90000046  }
0xb2: {  	s29 =	simm.s32 $0x9;
	_ =	strace $0x80000048  }
0xb3: {  	_ =	swait.ge [sflag:s29], $0x1  }
0xb4: {  	[sflag:s29] =	ssyncadd.s32 $0xFFFFFFFF  }
0xb5: {  	_ =	strace $0x90000048  }
0xb6: {  	_ =	sfence  }
0xb7: {  	s30 =	sld [smem:$0x0];
	_ =	sdelay $0x2  }
0xb8: {  	s31 =	sshll.u32 s1, $0xD;
	s1 =	sshrl.u32 s1, $0x2  }
0xb9: {  	s3 =	sand.u32 $0x4000, s31;
	s1 =	sadd.s32 s1, s30  }
0xba: {  	s0 =	sor.u32 s3, s0;
	s1 =	sshll.u32 s1, $0x11  }
0xbb: {  	s0 =	sor.u32 s1, s0  }
0xbc: {  	s0 =	sadd.s32 $0x8F2B, s0  }
0xbd: {  	[sflag:s0] =	ssyncadd.remote.s32 $0x1  }
0xbe: {  	_ =	sfence.sel $0xFFFF  }
0xbf: {  	[dreg:$0x0] =	wrdreg $0xFFFFFFFF;
	(pc) =	sbr.abs _section_cstart, $3  }
0xc0: {  	[dreg:$0x1] =	wrdreg $0xFFFFFFFF  }
0xc1: {  	_ =	task.clear_ibuf [dreg:s7], $0x2FFFF;
	_ =	strace $0x9FFFFFFF  }
0xc2: {  	(tm) =	ssettm $0x7FFFFFFF  }
0xc3: {  	_ =	shalt  }
tec
execute0_lowered:
.L_overlay_start_1:
0x0: {  	(tag) =	ssettag $0x1  }
0x1: {  	s0 =	srdreg.scid  }
0x2: {  	s1 =	rddreg [dreg:$0x0];
	s3 =	stileid.u32;
	s15 =	simm.s32 $0x3400  }
0x3: {  	s17 =	simm.s32 $0x6800;
	s18 =	simm.s32 $0x9C00;
	s20 =	simm.s32 $0xD000  }
0x4: {  	s21 =	simm.s32 $0x10400;
	s22 =	simm.s32 $0x13800;
	s23 =	simm.s32 $0x1  }
0x5: {  	s28 =	simm.s32 $0x3;
	s29 =	simm.s32 $0x4;
	s31 =	simm.s32 $0x6  }
0x6: {  	s0 =	sand.u32 $0x1, s0;
	s4 =	sshll.u32 s3, $0x7;
	s3 =	simm.s32 $0x0  }
0x7: {  	s5 =	sadd.s32 $0x400, s1;
	s6 =	sadd.s32 $0x680400, s1;
	s1 =	simm.s32 $0x7  }
0x8: {  	s2 =	sshll.u32 s0, $0xB;
	[smem:$0x7FF] =	sst s3;
	s0 =	ssub.s32 $0x2, s0  }
0x9: {  	s4 =	sor.u32 s4, s2;
	_ =	strace $0x80000047;
	s24 =	sshrl.u32 s0, $0x1  }
0xa: {  	s2 =	smul.u32 $0x680, s4;
	s0 =	ssub.s32 s0, s24;
	s9 =	sor.u32 $0x4, s4  }
0xb: {  	s10 =	sor.u32 $0x6, s4;
	s11 =	sor.u32 $0x8, s4;
	s0 =	smax.u32 s0, $0x1  }
0xc: {  	s12 =	sor.u32 $0xA, s4;
	s2 =	sadd.s32 s5, s2;
	[dreg:$0x5] =	wrdreg s0  }
0xd: {  	s24 =	simm.s32 $0x16C00;
	[dreg:$0x3] =	wrdreg s2;
	s26 =	sadd.s32 $0x680, s2  }
0xe: {  	s0 =	simm.s32 $0x8;
	s25 =	sadd.s32 $0xD00, s2;
	[dreg:$0x6] =	wrdreg s26  }
0xf: {  	s2 =	simm.s32 $0x0;
	[dreg:$0x4] =	wrdreg s25;
	s30 =	sadd.s32 $0x680, s25  }
0x10: {  	s25 =	simm.s32 $0x1A000;
	s26 =	simm.s32 $0x2;
	[dreg:$0x7] =	wrdreg s30  }
.LBB2_1:
0x11: {  	s7 =	rddreg [dreg:$0x1];
	s13 =	simm.s32 $0x9  }
0x12: {  	[tilespmem:s3], [sflag:$0x9] =	stream.linear.gather [hbm4b:s7+s3], $0x3200, $0x38;
	[tilespmem:$0x1D400] =	vst v63  }
0x13: {  	_ =	swait.ge [sflag:s13], $0x3200  }
0x14: {  	[sflag:s13] =	ssyncset.done $0x0  }
0x15: {  	s14 =	rddreg [dreg:$0x3];
	[sflag:s13] =	ssyncadd.s32 $0xFFFFCE00  }
0x16: {  	[tilespmem:s15], [sflag:$0x1] =	stream.linear.gather [hbm4b:s14+s3], $0x3200, $0x38;
	[tilespmem:$0x1D400] =	vst v63  }
0x17: {  	s16 =	rddreg [dreg:$0x6]  }
0x18: {  	[tilespmem:s17], [sflag:$0x1] =	stream.linear.gather [hbm4b:s16+s3], $0x3200, $0x38;
	[tilespmem:$0x1D400] =	vst v63  }
0x19: {  	s19 =	rddreg [dreg:$0x4]  }
0x1a: {  	[tilespmem:s18], [sflag:$0x2] =	stream.linear.gather [hbm4b:s19+s3], $0x3200, $0x38;
	[tilespmem:$0x1D400] =	vst v63  }
0x1b: {  	s30 =	rddreg [dreg:$0x7];
	s13 =	simm.s32 $0x0  }
0x1c: {  	[tilespmem:s20], [sflag:$0x2] =	stream.linear.gather [hbm4b:s30+s3], $0x3200, $0x38;
	[tilespmem:$0x1D400] =	vst v63  }
.LBB2_2:
0x1d: {  	s16 =	sshll.u32 s13, $0x3;
	p0 =	seq.s32 s13, $0x0  }
0x1e: {  	s7 =	simm.s32 @!p0 $0x7;
	s8 =	sadd.s32 s9, s16  }
0x1f: {  	_ =	swait.ge @!p0 [sflag:s7], $0x6400;
	s19 =	smul.u32 $0x680, s8  }
0x20: {  	[sflag:s7] =	ssyncset.done @!p0 $0x0  }
0x21: {  	s30 =	simm.s32 $0x0;
	[sflag:s7] =	ssyncadd.s32 @!p0 $0xFFFF9C00;
	s14 =	sadd.s32 s5, s19  }
0x22: {  	[tilespmem:s21], [sflag:$0x3] =	stream.linear.gather [hbm4b:s14+s30], $0x3200, $0x38;
	[tilespmem:$0x1D400] =	vst v63  }
0x23: {  	s7 =	sadd.s32 $0x680, s14  }
0x24: {  	[tilespmem:s22], [sflag:$0x3] =	stream.linear.gather [hbm4b:s7+s30], $0x3200, $0x38;
	[tilespmem:$0x1D400] =	vst v63  }
0x25: {  	_ =	swait.ge [sflag:s23], $0x6400  }
0x26: {  	[sflag:s23] =	ssyncset.done $0x0  }
0x27: {  	s7 =	simm.s32 $0x0;
	[sflag:s23] =	ssyncadd.s32 $0xFFFF9C00  }
0x28: {  	v3 =	vld [tilespmem:s7+$0x0]  }
0x29: {  	v5 =	vld [tilespmem:s7+$0x10]  }
0x2a: {  	v6 =	vld [tilespmem:s7+$0x20]  }
0x2b: {  	v7 =	vld [tilespmem:s7+$0x30]  }
0x2c: {  	v2 =	vld [tilespmem:s7+$0x40]  }
0x2d: {  	v4 =	vld [tilespmem:s7+$0x3400]  }
0x2e: {  	v8 =	vld [tilespmem:s7+$0x6800]  }
0x2f: {  	v1 =	vld [tilespmem:s7+$0x50]  }
0x30: {  	v9 =	vld [tilespmem:s7+$0x3410]  }
0x31: {  	v10 =	vld [tilespmem:s7+$0x6810]  }
0x32: {  	v0 =	vld [tilespmem:s7+$0x60]  }
0x33: {  	v11 =	vld [tilespmem:s7+$0x3420];
	v4 =	vmul.f32 $8.000000000e+00, v4;
	v8 =	vmul.f32 $8.000000000e+00, v8  }
0x34: {  	v12 =	vld [tilespmem:s7+$0x6820]  }
0x35: {  	v13 =	vld [tilespmem:s7+$0x3430];
	v4 =	vadd.f32 v4, v3;
	v3 =	vadd.f32 v8, v3;
	v8 =	vmul.f32 $8.000000000e+00, v9  }
0x36: {  	v14 =	vld [tilespmem:s7+$0x6830];
	v10 =	vmul.f32 $8.000000000e+00, v10  }
0x37: {  	v15 =	vld [tilespmem:s7+$0x3440];
	[tilespmem:s7+$0x3400] =	vst v4;
	v8 =	vadd.f32 v8, v5  }
0x38: {  	v9 =	vld [tilespmem:s7+$0x6840];
	v10 =	vadd.f32 v10, v5;
	[tilespmem:s7+$0x6800] =	vst v3;
	v3 =	vmul.f32 $8.000000000e+00, v11  }
0x39: {  	v4 =	vld [tilespmem:s7+$0x3450];
	[tilespmem:s7+$0x3410] =	vst v8;
	v8 =	vmul.f32 $8.000000000e+00, v12  }
0x3a: {  	v5 =	vld [tilespmem:s7+$0x6850];
	[tilespmem:s7+$0x6810] =	vst v10;
	v10 =	vmul.f32 $8.000000000e+00, v13;
	v11 =	vadd.f32 v3, v6  }
0x3b: {  	v63 =	vmul.f32 $8.000000000e+00, v14;
	v3 =	vld [tilespmem:s7+$0x3460];
	v8 =	vadd.f32 v8, v6  }
0x3c: {  	v10 =	vadd.f32 v10, v7;
	[tilespmem:s7+$0x3420] =	vst v11;
	v6 =	vld [tilespmem:s7+$0x6860];
	v11 =	vmul.f32 $8.000000000e+00, v15  }
0x3d: {  	s8 =	simm.s32 $0x200;
	v9 =	vmul.f32 $8.000000000e+00, v9;
	[tilespmem:s7+$0x6820] =	vst v8;
	v8 =	vadd.f32 v63, v7;
	v7 =	vld [tilespmem:s7+$0x3470]  }
.LBB2_3:
0x3e: {  	p1 =	sne.s32 s8, $0xC600;
	[tilespmem:s7+$0x3430] =	vst v10;
	v10 =	vadd.f32 v11, v2;
	v4 =	vmul.f32 $8.000000000e+00, v4;
	v11 =	vld [tilespmem:s7+$0x6870]  }
0x3f: {  	s14 =	sshra.s32 s8, $0x2;
	[tilespmem:s7+$0x6830] =	vst v8;
	v2 =	vadd.f32 v9, v2;
	v5 =	vmul.f32 $8.000000000e+00, v5;
	v8 =	vld [tilespmem:s7+$0x70]  }
0x40: {  	v9 =	vld [tilespmem:s14+$0x0];
	[tilespmem:s7+$0x3440] =	vst v10;
	v4 =	vadd.f32 v4, v1;
	v3 =	vmul.f32 $8.000000000e+00, v3  }
0x41: {  	v10 =	vld [tilespmem:s14+$0x10];
	[tilespmem:s7+$0x6840] =	vst v2;
	v1 =	vadd.f32 v5, v1;
	v2 =	vmul.f32 $8.000000000e+00, v6  }
0x42: {  	v6 =	vld [tilespmem:s14+$0x20];
	[tilespmem:s7+$0x3450] =	vst v4;
	v3 =	vadd.f32 v3, v0;
	v4 =	vmul.f32 $8.000000000e+00, v7  }
0x43: {  	v7 =	vld [tilespmem:s14+$0x30];
	[tilespmem:s7+$0x6850] =	vst v1;
	v0 =	vadd.f32 v2, v0;
	v5 =	vmul.f32 $8.000000000e+00, v11  }
0x44: {  	v2 =	vld [tilespmem:s14+$0x40];
	[tilespmem:s7+$0x3460] =	vst v3;
	v3 =	vadd.f32 v4, v8  }
0x45: {  	v1 =	vld [tilespmem:s14+$0x50];
	[tilespmem:s7+$0x6860] =	vst v0;
	v4 =	vadd.f32 v5, v8  }
0x46: {  	v0 =	vld [tilespmem:s14+$0x60];
	[tilespmem:s7+$0x3470] =	vst v3  }
0x47: {  	v3 =	vld [tilespmem:s14+$0x3400];
	[tilespmem:s7+$0x6870] =	vst v4;
	s7 =	smov.u32 s14  }
0x48: {  	v4 =	vld [tilespmem:s7+$0x6800]  }
0x49: {  	v5 =	vld [tilespmem:s7+$0x3410]  }
0x4a: {  	v8 =	vld [tilespmem:s7+$0x6810]  }
0x4b: {  	v11 =	vld [tilespmem:s7+$0x3420]  }
0x4c: {  	v3 =	vmul.f32 $8.000000000e+00, v3;
	v12 =	vld [tilespmem:s7+$0x6820]  }
0x4d: {  	v4 =	vmul.f32 $8.000000000e+00, v4;
	v13 =	vld [tilespmem:s7+$0x3430]  }
0x4e: {  	v3 =	vadd.f32 v3, v9;
	v5 =	vmul.f32 $8.000000000e+00, v5;
	v14 =	vld [tilespmem:s7+$0x6830]  }
0x4f: {  	v4 =	vadd.f32 v4, v9;
	v8 =	vmul.f32 $8.000000000e+00, v8;
	v9 =	vld [tilespmem:s7+$0x3440]  }
0x50: {  	[tilespmem:s7+$0x3400] =	vst v3;
	v3 =	vadd.f32 v5, v10;
	v5 =	vmul.f32 $8.000000000e+00, v11;
	v15 =	vld [tilespmem:s7+$0x6840]  }
.Ltmp0:
0x51: {  	[tilespmem:s7+$0x6800] =	vst v4;
	v8 =	vadd.f32 v8, v10;
	v10 =	vmul.f32 $8.000000000e+00, v12;
	v4 =	vld [tilespmem:s7+$0x3450];
	(pc) =	sbr.rel @p1 .LBB2_3-.Ltmp0, $4  }
0x52: {  	[tilespmem:s7+$0x3410] =	vst v3;
	v11 =	vadd.f32 v5, v6;
	v12 =	vmul.f32 $8.000000000e+00, v13;
	v5 =	vld [tilespmem:s7+$0x6850]  }
0x53: {  	[tilespmem:s7+$0x6810] =	vst v8;
	v8 =	vadd.f32 v10, v6;
	v13 =	vmul.f32 $8.000000000e+00, v14;
	v3 =	vld [tilespmem:s7+$0x3460]  }
0x54: {  	[tilespmem:s7+$0x3420] =	vst v11;
	v10 =	vadd.f32 v12, v7;
	v11 =	vmul.f32 $8.000000000e+00, v9;
	v6 =	vld [tilespmem:s7+$0x6860]  }
0x55: {  	s8 =	sadd.s32 $0x200, s8;
	[tilespmem:s7+$0x6820] =	vst v8;
	v8 =	vadd.f32 v13, v7;
	v9 =	vmul.f32 $8.000000000e+00, v15;
	v7 =	vld [tilespmem:s7+$0x3470]  }
0x56: {  	[tilespmem:s7+$0x3430] =	vst v10;
	v10 =	vld [tilespmem:s7+$0x6870];
	v11 =	vadd.f32 v11, v2;
	v4 =	vmul.f32 $8.000000000e+00, v4  }
0x57: {  	[tilespmem:s7+$0x6830] =	vst v8;
	v2 =	vadd.f32 v9, v2;
	v5 =	vmul.f32 $8.000000000e+00, v5;
	v8 =	vld [tilespmem:s7+$0x70]  }
0x58: {  	[tilespmem:s7+$0x3440] =	vst v11;
	v4 =	vadd.f32 v4, v1;
	v3 =	vmul.f32 $8.000000000e+00, v3  }
0x59: {  	[tilespmem:s7+$0x6840] =	vst v2;
	v1 =	vadd.f32 v5, v1;
	v2 =	vmul.f32 $8.000000000e+00, v6  }
0x5a: {  	[tilespmem:s7+$0x3450] =	vst v4;
	v3 =	vadd.f32 v3, v0;
	v4 =	vmul.f32 $8.000000000e+00, v7  }
0x5b: {  	[tilespmem:s7+$0x6850] =	vst v1;
	v0 =	vadd.f32 v2, v0;
	v1 =	vmul.f32 $8.000000000e+00, v10  }
0x5c: {  	s8 =	sadd.s32 s4, s16;
	[tilespmem:s7+$0x3460] =	vst v3;
	v2 =	vadd.f32 v4, v8  }
0x5d: {  	s8 =	smul.u32 $0x680, s8;
	[tilespmem:s7+$0x6860] =	vst v0;
	v0 =	vadd.f32 v1, v8  }
0x5e: {  	[tilespmem:s7+$0x3470] =	vst v2  }
0x5f: {  	s8 =	sadd.s32 s6, s8;
	[tilespmem:s7+$0x6870] =	vst v0  }
0x60: {  	[hbm4b:s8+s3] =	stream.linear.scatter [tilespmem:s15], [sflag:$0x5], $0x3200, $0x38;
	[tilespmem:$0x1D400] =	vst v63  }
0x61: {  	s7 =	sadd.s32 $0x680, s8  }
0x62: {  	[hbm4b:s7+s3] =	stream.linear.scatter [tilespmem:s17], [sflag:$0x5], $0x3200, $0x38;
	[tilespmem:$0x1D400] =	vst v63  }
0x63: {  	s14 =	sadd.s32 s10, s16;
	s7 =	simm.s32 @!p0 $0x8  }
0x64: {  	s8 =	smul.u32 $0x680, s14;
	_ =	swait.ge @!p0 [sflag:s7], $0x6400  }
0x65: {  	[sflag:s7] =	ssyncset.done @!p0 $0x0  }
0x66: {  	s14 =	simm.s32 $0x0;
	s30 =	sadd.s32 s5, s8;
	[sflag:s7] =	ssyncadd.s32 @!p0 $0xFFFF9C00  }
0x67: {  	[tilespmem:s24], [sflag:$0x4] =	stream.linear.gather [hbm4b:s30+s14], $0x3200, $0x38;
	[tilespmem:$0x1D400] =	vst v63  }
0x68: {  	s7 =	sadd.s32 $0x680, s30  }
0x69: {  	[tilespmem:s25], [sflag:$0x4] =	stream.linear.gather [hbm4b:s7+s14], $0x3200, $0x38;
	[tilespmem:$0x1D400] =	vst v63  }
0x6a: {  	_ =	swait.ge [sflag:s26], $0x6400  }
0x6b: {  	[sflag:s26] =	ssyncset.done $0x0  }
0x6c: {  	s7 =	simm.s32 $0x0;
	[sflag:s26] =	ssyncadd.s32 $0xFFFF9C00  }
0x6d: {  	v3 =	vld [tilespmem:s7+$0x0]  }
0x6e: {  	v5 =	vld [tilespmem:s7+$0x10]  }
0x6f: {  	v6 =	vld [tilespmem:s7+$0x20]  }
0x70: {  	v7 =	vld [tilespmem:s7+$0x30]  }
0x71: {  	v2 =	vld [tilespmem:s7+$0x40]  }
0x72: {  	v4 =	vld [tilespmem:s7+$0x9C00]  }
0x73: {  	v8 =	vld [tilespmem:s7+$0xD000]  }
0x74: {  	v1 =	vld [tilespmem:s7+$0x50]  }
0x75: {  	v9 =	vld [tilespmem:s7+$0x9C10]  }
0x76: {  	v10 =	vld [tilespmem:s7+$0xD010]  }
0x77: {  	v0 =	vld [tilespmem:s7+$0x60]  }
0x78: {  	v11 =	vld [tilespmem:s7+$0x9C20];
	v4 =	vmul.f32 $8.000000000e+00, v4;
	v8 =	vmul.f32 $8.000000000e+00, v8  }
0x79: {  	v12 =	vld [tilespmem:s7+$0xD020]  }
0x7a: {  	v13 =	vld [tilespmem:s7+$0x9C30];
	v4 =	vadd.f32 v4, v3;
	v3 =	vadd.f32 v8, v3;
	v8 =	vmul.f32 $8.000000000e+00, v9  }
0x7b: {  	v14 =	vld [tilespmem:s7+$0xD030];
	v10 =	vmul.f32 $8.000000000e+00, v10  }
0x7c: {  	v15 =	vld [tilespmem:s7+$0x9C40];
	[tilespmem:s7+$0x9C00] =	vst v4;
	v8 =	vadd.f32 v8, v5  }
0x7d: {  	v9 =	vld [tilespmem:s7+$0xD040];
	v10 =	vadd.f32 v10, v5;
	[tilespmem:s7+$0xD000] =	vst v3;
	v3 =	vmul.f32 $8.000000000e+00, v11  }
0x7e: {  	v4 =	vld [tilespmem:s7+$0x9C50];
	[tilespmem:s7+$0x9C10] =	vst v8;
	v8 =	vmul.f32 $8.000000000e+00, v12  }
0x7f: {  	v5 =	vld [tilespmem:s7+$0xD050];
	[tilespmem:s7+$0xD010] =	vst v10;
	v10 =	vmul.f32 $8.000000000e+00, v13;
	v11 =	vadd.f32 v3, v6  }
0x80: {  	v63 =	vmul.f32 $8.000000000e+00, v14;
	v3 =	vld [tilespmem:s7+$0x9C60];
	v8 =	vadd.f32 v8, v6  }
0x81: {  	v10 =	vadd.f32 v10, v7;
	[tilespmem:s7+$0x9C20] =	vst v11;
	v6 =	vld [tilespmem:s7+$0xD060];
	v11 =	vmul.f32 $8.000000000e+00, v15  }
0x82: {  	s14 =	simm.s32 $0x200;
	v9 =	vmul.f32 $8.000000000e+00, v9;
	[tilespmem:s7+$0xD020] =	vst v8;
	v8 =	vadd.f32 v63, v7;
	v7 =	vld [tilespmem:s7+$0x9C70]  }
.LBB2_5:
0x83: {  	p0 =	sne.s32 s14, $0xC600;
	[tilespmem:s7+$0x9C30] =	vst v10;
	v10 =	vadd.f32 v11, v2;
	v4 =	vmul.f32 $8.000000000e+00, v4;
	v11 =	vld [tilespmem:s7+$0xD070]  }
0x84: {  	s30 =	sshra.s32 s14, $0x2;
	[tilespmem:s7+$0xD030] =	vst v8;
	v2 =	vadd.f32 v9, v2;
	v5 =	vmul.f32 $8.000000000e+00, v5;
	v8 =	vld [tilespmem:s7+$0x70]  }
0x85: {  	v9 =	vld [tilespmem:s30+$0x0];
	[tilespmem:s7+$0x9C40] =	vst v10;
	v4 =	vadd.f32 v4, v1;
	v3 =	vmul.f32 $8.000000000e+00, v3  }
0x86: {  	v10 =	vld [tilespmem:s30+$0x10];
	[tilespmem:s7+$0xD040] =	vst v2;
	v1 =	vadd.f32 v5, v1;
	v2 =	vmul.f32 $8.000000000e+00, v6  }
0x87: {  	v6 =	vld [tilespmem:s30+$0x20];
	[tilespmem:s7+$0x9C50] =	vst v4;
	v3 =	vadd.f32 v3, v0;
	v4 =	vmul.f32 $8.000000000e+00, v7  }
0x88: {  	v7 =	vld [tilespmem:s30+$0x30];
	[tilespmem:s7+$0xD050] =	vst v1;
	v0 =	vadd.f32 v2, v0;
	v5 =	vmul.f32 $8.000000000e+00, v11  }
0x89: {  	v2 =	vld [tilespmem:s30+$0x40];
	[tilespmem:s7+$0x9C60] =	vst v3;
	v3 =	vadd.f32 v4, v8  }
0x8a: {  	v1 =	vld [tilespmem:s30+$0x50];
	[tilespmem:s7+$0xD060] =	vst v0;
	v4 =	vadd.f32 v5, v8  }
0x8b: {  	v0 =	vld [tilespmem:s30+$0x60];
	[tilespmem:s7+$0x9C70] =	vst v3  }
0x8c: {  	v3 =	vld [tilespmem:s30+$0x9C00];
	[tilespmem:s7+$0xD070] =	vst v4;
	s7 =	smov.u32 s30  }
0x8d: {  	v4 =	vld [tilespmem:s7+$0xD000]  }
0x8e: {  	v5 =	vld [tilespmem:s7+$0x9C10]  }
0x8f: {  	v8 =	vld [tilespmem:s7+$0xD010]  }
0x90: {  	v11 =	vld [tilespmem:s7+$0x9C20]  }
0x91: {  	v3 =	vmul.f32 $8.000000000e+00, v3;
	v12 =	vld [tilespmem:s7+$0xD020]  }
0x92: {  	v4 =	vmul.f32 $8.000000000e+00, v4;
	v13 =	vld [tilespmem:s7+$0x9C30]  }
0x93: {  	v3 =	vadd.f32 v3, v9;
	v5 =	vmul.f32 $8.000000000e+00, v5;
	v14 =	vld [tilespmem:s7+$0xD030]  }
0x94: {  	v4 =	vadd.f32 v4, v9;
	v8 =	vmul.f32 $8.000000000e+00, v8;
	v9 =	vld [tilespmem:s7+$0x9C40]  }
0x95: {  	[tilespmem:s7+$0x9C00] =	vst v3;
	v3 =	vadd.f32 v5, v10;
	v5 =	vmul.f32 $8.000000000e+00, v11;
	v15 =	vld [tilespmem:s7+$0xD040]  }
.Ltmp1:
0x96: {  	[tilespmem:s7+$0xD000] =	vst v4;
	v8 =	vadd.f32 v8, v10;
	v10 =	vmul.f32 $8.000000000e+00, v12;
	v4 =	vld [tilespmem:s7+$0x9C50];
	(pc) =	sbr.rel @p0 .LBB2_5-.Ltmp1, $4  }
0x97: {  	[tilespmem:s7+$0x9C10] =	vst v3;
	v11 =	vadd.f32 v5, v6;
	v12 =	vmul.f32 $8.000000000e+00, v13;
	v5 =	vld [tilespmem:s7+$0xD050]  }
0x98: {  	[tilespmem:s7+$0xD010] =	vst v8;
	v8 =	vadd.f32 v10, v6;
	v13 =	vmul.f32 $8.000000000e+00, v14;
	v3 =	vld [tilespmem:s7+$0x9C60]  }
0x99: {  	[tilespmem:s7+$0x9C20] =	vst v11;
	v10 =	vadd.f32 v12, v7;
	v11 =	vmul.f32 $8.000000000e+00, v9;
	v6 =	vld [tilespmem:s7+$0xD060]  }
0x9a: {  	s14 =	sadd.s32 $0x200, s14;
	[tilespmem:s7+$0xD020] =	vst v8;
	v8 =	vadd.f32 v13, v7;
	v9 =	vmul.f32 $8.000000000e+00, v15;
	v7 =	vld [tilespmem:s7+$0x9C70]  }
0x9b: {  	[tilespmem:s7+$0x9C30] =	vst v10;
	v10 =	vld [tilespmem:s7+$0xD070];
	v11 =	vadd.f32 v11, v2;
	v4 =	vmul.f32 $8.000000000e+00, v4  }
0x9c: {  	[tilespmem:s7+$0xD030] =	vst v8;
	v2 =	vadd.f32 v9, v2;
	v5 =	vmul.f32 $8.000000000e+00, v5;
	v8 =	vld [tilespmem:s7+$0x70]  }
0x9d: {  	[tilespmem:s7+$0x9C40] =	vst v11;
	v4 =	vadd.f32 v4, v1;
	v3 =	vmul.f32 $8.000000000e+00, v3  }
0x9e: {  	[tilespmem:s7+$0xD040] =	vst v2;
	v1 =	vadd.f32 v5, v1;
	v2 =	vmul.f32 $8.000000000e+00, v6  }
0x9f: {  	[tilespmem:s7+$0x9C50] =	vst v4;
	v3 =	vadd.f32 v3, v0;
	v4 =	vmul.f32 $8.000000000e+00, v7  }
0xa0: {  	s14 =	sadd.s32 s16, s4;
	[tilespmem:s7+$0xD050] =	vst v1;
	v0 =	vadd.f32 v2, v0;
	v1 =	vmul.f32 $8.000000000e+00, v10  }
0xa1: {  	s14 =	smul.u32 $0x680, s14;
	[tilespmem:s7+$0x9C60] =	vst v3;
	v2 =	vadd.f32 v4, v8  }
0xa2: {  	[tilespmem:s7+$0xD060] =	vst v0;
	v0 =	vadd.f32 v1, v8  }
0xa3: {  	s14 =	sadd.s32 s6, s14;
	[tilespmem:s7+$0x9C70] =	vst v2  }
0xa4: {  	p0 =	seq.s32 s13, $0xF;
	s30 =	sadd.s32 $0xD00, s14;
	[tilespmem:s7+$0xD070] =	vst v0  }
0xa5: {  	[hbm4b:s30+s3] =	stream.linear.scatter [tilespmem:s18], [sflag:$0x6], $0x3200, $0x38;
	[tilespmem:$0x1D400] =	vst v63  }
0xa6: {  	s7 =	simm.s32 @!p0 $0x5;
	s30 =	sadd.s32 $0x1380, s14;
	s14 =	sadd.s32 @!p0 s16, s11  }
0xa7: {  	[hbm4b:s30+s3] =	stream.linear.scatter [tilespmem:s20], [sflag:$0x6], $0x3200, $0x38;
	[tilespmem:$0x1D400] =	vst v63  }
0xa8: {  	s14 =	smul.u32 @!p0 $0x680, s14;
	_ =	swait.ge @!p0 [sflag:s7], $0x6400  }
0xa9: {  	s30 =	simm.s32 @!p0 $0x3400;
	[sflag:s7] =	ssyncset.done @!p0 $0x0  }
0xaa: {  	[sflag:s7] =	ssyncadd.s32 @!p0 $0xFFFF9C00;
	s7 =	sadd.s32 @!p0 s5, s14;
	s14 =	simm.s32 @!p0 $0x0  }
0xab: {  	[tilespmem:s30], [sflag:$0x1] =	stream.linear.gather @!p0 [hbm4b:s7+s14], $0x3200, $0x38;
	[tilespmem:$0x1D400] =	vst v63  }
0xac: {  	s7 =	sadd.s32 @!p0 $0x680, s7;
	s30 =	simm.s32 @!p0 $0x6800  }
0xad: {  	[tilespmem:s30], [sflag:$0x1] =	stream.linear.gather @!p0 [hbm4b:s7+s14], $0x3200, $0x38;
	[tilespmem:$0x1D400] =	vst v63  }
0xae: {  	_ =	swait.ge [sflag:s28], $0x6400  }
0xaf: {  	[sflag:s28] =	ssyncset.done $0x0  }
0xb0: {  	s7 =	simm.s32 $0x0;
	[sflag:s28] =	ssyncadd.s32 $0xFFFF9C00  }
0xb1: {  	v3 =	vld [tilespmem:s7+$0x0]  }
0xb2: {  	v5 =	vld [tilespmem:s7+$0x10]  }
0xb3: {  	v6 =	vld [tilespmem:s7+$0x20]  }
0xb4: {  	v7 =	vld [tilespmem:s7+$0x30]  }
0xb5: {  	v2 =	vld [tilespmem:s7+$0x40]  }
0xb6: {  	v4 =	vld [tilespmem:s7+$0x10400]  }
0xb7: {  	v8 =	vld [tilespmem:s7+$0x13800]  }
0xb8: {  	v1 =	vld [tilespmem:s7+$0x50]  }
0xb9: {  	v9 =	vld [tilespmem:s7+$0x10410]  }
0xba: {  	v10 =	vld [tilespmem:s7+$0x13810]  }
0xbb: {  	v0 =	vld [tilespmem:s7+$0x60]  }
0xbc: {  	v11 =	vld [tilespmem:s7+$0x10420];
	v4 =	vmul.f32 $8.000000000e+00, v4;
	v8 =	vmul.f32 $8.000000000e+00, v8  }
0xbd: {  	v12 =	vld [tilespmem:s7+$0x13820]  }
0xbe: {  	v13 =	vld [tilespmem:s7+$0x10430];
	v4 =	vadd.f32 v4, v3;
	v3 =	vadd.f32 v8, v3;
	v8 =	vmul.f32 $8.000000000e+00, v9  }
0xbf: {  	v14 =	vld [tilespmem:s7+$0x13830];
	v10 =	vmul.f32 $8.000000000e+00, v10  }
0xc0: {  	v15 =	vld [tilespmem:s7+$0x10440];
	[tilespmem:s7+$0x10400] =	vst v4;
	v8 =	vadd.f32 v8, v5  }
0xc1: {  	v9 =	vld [tilespmem:s7+$0x13840];
	v10 =	vadd.f32 v10, v5;
	[tilespmem:s7+$0x13800] =	vst v3;
	v3 =	vmul.f32 $8.000000000e+00, v11  }
0xc2: {  	v4 =	vld [tilespmem:s7+$0x10450];
	[tilespmem:s7+$0x10410] =	vst v8;
	v8 =	vmul.f32 $8.000000000e+00, v12  }
0xc3: {  	v5 =	vld [tilespmem:s7+$0x13850];
	[tilespmem:s7+$0x13810] =	vst v10;
	v10 =	vmul.f32 $8.000000000e+00, v13;
	v11 =	vadd.f32 v3, v6  }
0xc4: {  	v63 =	vmul.f32 $8.000000000e+00, v14;
	v3 =	vld [tilespmem:s7+$0x10460];
	v8 =	vadd.f32 v8, v6  }
0xc5: {  	v10 =	vadd.f32 v10, v7;
	[tilespmem:s7+$0x10420] =	vst v11;
	v6 =	vld [tilespmem:s7+$0x13860];
	v11 =	vmul.f32 $8.000000000e+00, v15  }
0xc6: {  	s14 =	simm.s32 $0x200;
	v9 =	vmul.f32 $8.000000000e+00, v9;
	[tilespmem:s7+$0x13820] =	vst v8;
	v8 =	vadd.f32 v63, v7;
	v7 =	vld [tilespmem:s7+$0x10470]  }
.LBB2_7:
0xc7: {  	p1 =	sne.s32 s14, $0xC600;
	[tilespmem:s7+$0x10430] =	vst v10;
	v10 =	vadd.f32 v11, v2;
	v4 =	vmul.f32 $8.000000000e+00, v4;
	v11 =	vld [tilespmem:s7+$0x13870]  }
0xc8: {  	s30 =	sshra.s32 s14, $0x2;
	[tilespmem:s7+$0x13830] =	vst v8;
	v2 =	vadd.f32 v9, v2;
	v5 =	vmul.f32 $8.000000000e+00, v5;
	v8 =	vld [tilespmem:s7+$0x70]  }
0xc9: {  	v9 =	vld [tilespmem:s30+$0x0];
	[tilespmem:s7+$0x10440] =	vst v10;
	v4 =	vadd.f32 v4, v1;
	v3 =	vmul.f32 $8.000000000e+00, v3  }
0xca: {  	v10 =	vld [tilespmem:s30+$0x10];
	[tilespmem:s7+$0x13840] =	vst v2;
	v1 =	vadd.f32 v5, v1;
	v2 =	vmul.f32 $8.000000000e+00, v6  }
0xcb: {  	v6 =	vld [tilespmem:s30+$0x20];
	[tilespmem:s7+$0x10450] =	vst v4;
	v3 =	vadd.f32 v3, v0;
	v4 =	vmul.f32 $8.000000000e+00, v7  }
0xcc: {  	v7 =	vld [tilespmem:s30+$0x30];
	[tilespmem:s7+$0x13850] =	vst v1;
	v0 =	vadd.f32 v2, v0;
	v5 =	vmul.f32 $8.000000000e+00, v11  }
0xcd: {  	v2 =	vld [tilespmem:s30+$0x40];
	[tilespmem:s7+$0x10460] =	vst v3;
	v3 =	vadd.f32 v4, v8  }
0xce: {  	v1 =	vld [tilespmem:s30+$0x50];
	[tilespmem:s7+$0x13860] =	vst v0;
	v4 =	vadd.f32 v5, v8  }
0xcf: {  	v0 =	vld [tilespmem:s30+$0x60];
	[tilespmem:s7+$0x10470] =	vst v3  }
0xd0: {  	v3 =	vld [tilespmem:s30+$0x10400];
	[tilespmem:s7+$0x13870] =	vst v4;
	s7 =	smov.u32 s30  }
0xd1: {  	v4 =	vld [tilespmem:s7+$0x13800]  }
0xd2: {  	v5 =	vld [tilespmem:s7+$0x10410]  }
0xd3: {  	v8 =	vld [tilespmem:s7+$0x13810]  }
0xd4: {  	v11 =	vld [tilespmem:s7+$0x10420]  }
0xd5: {  	v3 =	vmul.f32 $8.000000000e+00, v3;
	v12 =	vld [tilespmem:s7+$0x13820]  }
0xd6: {  	v4 =	vmul.f32 $8.000000000e+00, v4;
	v13 =	vld [tilespmem:s7+$0x10430]  }
0xd7: {  	v3 =	vadd.f32 v3, v9;
	v5 =	vmul.f32 $8.000000000e+00, v5;
	v14 =	vld [tilespmem:s7+$0x13830]  }
0xd8: {  	v4 =	vadd.f32 v4, v9;
	v8 =	vmul.f32 $8.000000000e+00, v8;
	v9 =	vld [tilespmem:s7+$0x10440]  }
0xd9: {  	[tilespmem:s7+$0x10400] =	vst v3;
	v3 =	vadd.f32 v5, v10;
	v5 =	vmul.f32 $8.000000000e+00, v11;
	v15 =	vld [tilespmem:s7+$0x13840]  }
.Ltmp2:
0xda: {  	[tilespmem:s7+$0x13800] =	vst v4;
	v8 =	vadd.f32 v8, v10;
	v10 =	vmul.f32 $8.000000000e+00, v12;
	v4 =	vld [tilespmem:s7+$0x10450];
	(pc) =	sbr.rel @p1 .LBB2_7-.Ltmp2, $4  }
0xdb: {  	[tilespmem:s7+$0x10410] =	vst v3;
	v11 =	vadd.f32 v5, v6;
	v12 =	vmul.f32 $8.000000000e+00, v13;
	v5 =	vld [tilespmem:s7+$0x13850]  }
0xdc: {  	[tilespmem:s7+$0x13810] =	vst v8;
	v8 =	vadd.f32 v10, v6;
	v13 =	vmul.f32 $8.000000000e+00, v14;
	v3 =	vld [tilespmem:s7+$0x10460]  }
0xdd: {  	[tilespmem:s7+$0x10420] =	vst v11;
	v10 =	vadd.f32 v12, v7;
	v11 =	vmul.f32 $8.000000000e+00, v9;
	v6 =	vld [tilespmem:s7+$0x13860]  }
0xde: {  	s14 =	sadd.s32 $0x200, s14;
	[tilespmem:s7+$0x13820] =	vst v8;
	v8 =	vadd.f32 v13, v7;
	v9 =	vmul.f32 $8.000000000e+00, v15;
	v7 =	vld [tilespmem:s7+$0x10470]  }
0xdf: {  	[tilespmem:s7+$0x10430] =	vst v10;
	v10 =	vld [tilespmem:s7+$0x13870];
	v11 =	vadd.f32 v11, v2;
	v4 =	vmul.f32 $8.000000000e+00, v4  }
0xe0: {  	[tilespmem:s7+$0x13830] =	vst v8;
	v2 =	vadd.f32 v9, v2;
	v5 =	vmul.f32 $8.000000000e+00, v5;
	v8 =	vld [tilespmem:s7+$0x70]  }
0xe1: {  	[tilespmem:s7+$0x10440] =	vst v11;
	v4 =	vadd.f32 v4, v1;
	v3 =	vmul.f32 $8.000000000e+00, v3  }
0xe2: {  	[tilespmem:s7+$0x13840] =	vst v2;
	v1 =	vadd.f32 v5, v1;
	v2 =	vmul.f32 $8.000000000e+00, v6  }
0xe3: {  	[tilespmem:s7+$0x10450] =	vst v4;
	v3 =	vadd.f32 v3, v0;
	v4 =	vmul.f32 $8.000000000e+00, v7  }
0xe4: {  	[tilespmem:s7+$0x13850] =	vst v1;
	v0 =	vadd.f32 v2, v0;
	v1 =	vmul.f32 $8.000000000e+00, v10  }
0xe5: {  	[tilespmem:s7+$0x10460] =	vst v3;
	v2 =	vadd.f32 v4, v8  }
0xe6: {  	[tilespmem:s7+$0x13860] =	vst v0;
	v0 =	vadd.f32 v1, v8  }
0xe7: {  	[tilespmem:s7+$0x10470] =	vst v2  }
0xe8: {  	s30 =	sadd.s32 s6, s19;
	[tilespmem:s7+$0x13870] =	vst v0  }
0xe9: {  	[hbm4b:s30+s3] =	stream.linear.scatter [tilespmem:s21], [sflag:$0x7], $0x3200, $0x38;
	[tilespmem:$0x1D400] =	vst v63  }
0xea: {  	s7 =	sadd.s32 $0x680, s30  }
0xeb: {  	[hbm4b:s7+s3] =	stream.linear.scatter [tilespmem:s22], [sflag:$0x7], $0x3200, $0x38;
	[tilespmem:$0x1D400] =	vst v63  }
0xec: {  	s14 =	sadd.s32 @!p0 s16, s12;
	s7 =	simm.s32 @!p0 $0x6  }
0xed: {  	s14 =	smul.u32 @!p0 $0x680, s14;
	_ =	swait.ge @!p0 [sflag:s7], $0x6400  }
0xee: {  	s16 =	simm.s32 @!p0 $0x9C00;
	[sflag:s7] =	ssyncset.done @!p0 $0x0  }
0xef: {  	[sflag:s7] =	ssyncadd.s32 @!p0 $0xFFFF9C00;
	s7 =	sadd.s32 @!p0 s5, s14;
	s14 =	simm.s32 @!p0 $0x0  }
0xf0: {  	[tilespmem:s16], [sflag:$0x2] =	stream.linear.gather @!p0 [hbm4b:s7+s14], $0x3200, $0x38;
	[tilespmem:$0x1D400] =	vst v63  }
0xf1: {  	s7 =	sadd.s32 @!p0 $0x680, s7;
	s16 =	simm.s32 @!p0 $0xD000  }
0xf2: {  	[tilespmem:s16], [sflag:$0x2] =	stream.linear.gather @!p0 [hbm4b:s7+s14], $0x3200, $0x38;
	[tilespmem:$0x1D400] =	vst v63  }
0xf3: {  	_ =	swait.ge [sflag:s29], $0x6400  }
0xf4: {  	[sflag:s29] =	ssyncset.done $0x0  }
0xf5: {  	s7 =	simm.s32 $0x0;
	[sflag:s29] =	ssyncadd.s32 $0xFFFF9C00  }
0xf6: {  	v3 =	vld [tilespmem:s7+$0x0]  }
0xf7: {  	v5 =	vld [tilespmem:s7+$0x10]  }
0xf8: {  	v6 =	vld [tilespmem:s7+$0x20]  }
0xf9: {  	v7 =	vld [tilespmem:s7+$0x30]  }
0xfa: {  	v2 =	vld [tilespmem:s7+$0x40]  }
0xfb: {  	v4 =	vld [tilespmem:s7+$0x16C00]  }
0xfc: {  	v8 =	vld [tilespmem:s7+$0x1A000]  }
0xfd: {  	v1 =	vld [tilespmem:s7+$0x50]  }
0xfe: {  	v9 =	vld [tilespmem:s7+$0x16C10]  }
0xff: {  	v10 =	vld [tilespmem:s7+$0x1A010]  }
0x100: {  	v0 =	vld [tilespmem:s7+$0x60]  }
0x101: {  	v11 =	vld [tilespmem:s7+$0x16C20];
	v4 =	vmul.f32 $8.000000000e+00, v4;
	v8 =	vmul.f32 $8.000000000e+00, v8  }
0x102: {  	v12 =	vld [tilespmem:s7+$0x1A020]  }
0x103: {  	v13 =	vld [tilespmem:s7+$0x16C30];
	v4 =	vadd.f32 v4, v3;
	v3 =	vadd.f32 v8, v3;
	v8 =	vmul.f32 $8.000000000e+00, v9  }
0x104: {  	v14 =	vld [tilespmem:s7+$0x1A030];
	v10 =	vmul.f32 $8.000000000e+00, v10  }
0x105: {  	v15 =	vld [tilespmem:s7+$0x16C40];
	[tilespmem:s7+$0x16C00] =	vst v4;
	v8 =	vadd.f32 v8, v5  }
0x106: {  	v9 =	vld [tilespmem:s7+$0x1A040];
	v10 =	vadd.f32 v10, v5;
	[tilespmem:s7+$0x1A000] =	vst v3;
	v3 =	vmul.f32 $8.000000000e+00, v11  }
0x107: {  	v4 =	vld [tilespmem:s7+$0x16C50];
	[tilespmem:s7+$0x16C10] =	vst v8;
	v8 =	vmul.f32 $8.000000000e+00, v12  }
0x108: {  	v5 =	vld [tilespmem:s7+$0x1A050];
	[tilespmem:s7+$0x1A010] =	vst v10;
	v10 =	vmul.f32 $8.000000000e+00, v13;
	v11 =	vadd.f32 v3, v6  }
0x109: {  	v63 =	vmul.f32 $8.000000000e+00, v14;
	v3 =	vld [tilespmem:s7+$0x16C60];
	v8 =	vadd.f32 v8, v6  }
0x10a: {  	v10 =	vadd.f32 v10, v7;
	[tilespmem:s7+$0x16C20] =	vst v11;
	v6 =	vld [tilespmem:s7+$0x1A060];
	v11 =	vmul.f32 $8.000000000e+00, v15  }
0x10b: {  	s14 =	simm.s32 $0x200;
	v9 =	vmul.f32 $8.000000000e+00, v9;
	[tilespmem:s7+$0x1A020] =	vst v8;
	v8 =	vadd.f32 v63, v7;
	v7 =	vld [tilespmem:s7+$0x16C70]  }
.LBB2_9:
0x10c: {  	p0 =	sne.s32 s14, $0xC600;
	[tilespmem:s7+$0x16C30] =	vst v10;
	v10 =	vadd.f32 v11, v2;
	v4 =	vmul.f32 $8.000000000e+00, v4;
	v11 =	vld [tilespmem:s7+$0x1A070]  }
0x10d: {  	s16 =	sshra.s32 s14, $0x2;
	[tilespmem:s7+$0x1A030] =	vst v8;
	v2 =	vadd.f32 v9, v2;
	v5 =	vmul.f32 $8.000000000e+00, v5;
	v8 =	vld [tilespmem:s7+$0x70]  }
0x10e: {  	v9 =	vld [tilespmem:s16+$0x0];
	[tilespmem:s7+$0x16C40] =	vst v10;
	v4 =	vadd.f32 v4, v1;
	v3 =	vmul.f32 $8.000000000e+00, v3  }
0x10f: {  	v10 =	vld [tilespmem:s16+$0x10];
	[tilespmem:s7+$0x1A040] =	vst v2;
	v1 =	vadd.f32 v5, v1;
	v2 =	vmul.f32 $8.000000000e+00, v6  }
0x110: {  	v6 =	vld [tilespmem:s16+$0x20];
	[tilespmem:s7+$0x16C50] =	vst v4;
	v3 =	vadd.f32 v3, v0;
	v4 =	vmul.f32 $8.000000000e+00, v7  }
0x111: {  	v7 =	vld [tilespmem:s16+$0x30];
	[tilespmem:s7+$0x1A050] =	vst v1;
	v0 =	vadd.f32 v2, v0;
	v5 =	vmul.f32 $8.000000000e+00, v11  }
0x112: {  	v2 =	vld [tilespmem:s16+$0x40];
	[tilespmem:s7+$0x16C60] =	vst v3;
	v3 =	vadd.f32 v4, v8  }
0x113: {  	v1 =	vld [tilespmem:s16+$0x50];
	[tilespmem:s7+$0x1A060] =	vst v0;
	v4 =	vadd.f32 v5, v8  }
0x114: {  	v0 =	vld [tilespmem:s16+$0x60];
	[tilespmem:s7+$0x16C70] =	vst v3  }
0x115: {  	v3 =	vld [tilespmem:s16+$0x16C00];
	[tilespmem:s7+$0x1A070] =	vst v4;
	s7 =	smov.u32 s16  }
0x116: {  	v4 =	vld [tilespmem:s7+$0x1A000]  }
0x117: {  	v5 =	vld [tilespmem:s7+$0x16C10]  }
0x118: {  	v8 =	vld [tilespmem:s7+$0x1A010]  }
0x119: {  	v11 =	vld [tilespmem:s7+$0x16C20]  }
0x11a: {  	v3 =	vmul.f32 $8.000000000e+00, v3;
	v12 =	vld [tilespmem:s7+$0x1A020]  }
0x11b: {  	v4 =	vmul.f32 $8.000000000e+00, v4;
	v13 =	vld [tilespmem:s7+$0x16C30]  }
0x11c: {  	v3 =	vadd.f32 v3, v9;
	v5 =	vmul.f32 $8.000000000e+00, v5;
	v14 =	vld [tilespmem:s7+$0x1A030]  }
0x11d: {  	v4 =	vadd.f32 v4, v9;
	v8 =	vmul.f32 $8.000000000e+00, v8;
	v9 =	vld [tilespmem:s7+$0x16C40]  }
0x11e: {  	[tilespmem:s7+$0x16C00] =	vst v3;
	v3 =	vadd.f32 v5, v10;
	v5 =	vmul.f32 $8.000000000e+00, v11;
	v15 =	vld [tilespmem:s7+$0x1A040]  }
.Ltmp3:
0x11f: {  	[tilespmem:s7+$0x1A000] =	vst v4;
	v8 =	vadd.f32 v8, v10;
	v10 =	vmul.f32 $8.000000000e+00, v12;
	v4 =	vld [tilespmem:s7+$0x16C50];
	(pc) =	sbr.rel @p0 .LBB2_9-.Ltmp3, $4  }
0x120: {  	[tilespmem:s7+$0x16C10] =	vst v3;
	v11 =	vadd.f32 v5, v6;
	v12 =	vmul.f32 $8.000000000e+00, v13;
	v5 =	vld [tilespmem:s7+$0x1A050]  }
0x121: {  	[tilespmem:s7+$0x1A010] =	vst v8;
	v8 =	vadd.f32 v10, v6;
	v13 =	vmul.f32 $8.000000000e+00, v14;
	v3 =	vld [tilespmem:s7+$0x16C60]  }
0x122: {  	[tilespmem:s7+$0x16C20] =	vst v11;
	v10 =	vadd.f32 v12, v7;
	v11 =	vmul.f32 $8.000000000e+00, v9;
	v6 =	vld [tilespmem:s7+$0x1A060]  }
0x123: {  	s14 =	sadd.s32 $0x200, s14;
	[tilespmem:s7+$0x1A020] =	vst v8;
	v8 =	vadd.f32 v13, v7;
	v9 =	vmul.f32 $8.000000000e+00, v15;
	v7 =	vld [tilespmem:s7+$0x16C70]  }
0x124: {  	[tilespmem:s7+$0x16C30] =	vst v10;
	v54 =	vld [tilespmem:s7+$0x1A070];
	v11 =	vadd.f32 v11, v2;
	v4 =	vmul.f32 $8.000000000e+00, v4  }
0x125: {  	v56 =	vld [tilespmem:s7+$0x70];
	[tilespmem:s7+$0x1A030] =	vst v8;
	v55 =	vadd.f32 v9, v2;
	v5 =	vmul.f32 $8.000000000e+00, v5  }
0x126: {  	[tilespmem:s7+$0x16C40] =	vst v11;
	v4 =	vadd.f32 v4, v1;
	v3 =	vmul.f32 $8.000000000e+00, v3  }
0x127: {  	[tilespmem:s7+$0x1A040] =	vst v55;
	v57 =	vadd.f32 v5, v1;
	v58 =	vmul.f32 $8.000000000e+00, v6  }
0x128: {  	[tilespmem:s7+$0x16C50] =	vst v4;
	v3 =	vadd.f32 v3, v0;
	v59 =	vmul.f32 $8.000000000e+00, v7  }
0x129: {  	[tilespmem:s7+$0x1A050] =	vst v57;
	v60 =	vadd.f32 v58, v0;
	v61 =	vmul.f32 $8.000000000e+00, v54  }
0x12a: {  	s13 =	sadd.s32 $0x1, s13;
	[tilespmem:s7+$0x16C60] =	vst v3;
	v62 =	vadd.f32 v59, v56  }
0x12b: {  	p0 =	sne.s32 s13, $0x10;
	[tilespmem:s7+$0x1A060] =	vst v60;
	v63 =	vadd.f32 v61, v56  }
.Ltmp4:
0x12c: {  	[tilespmem:s7+$0x16C70] =	vst v62;
	(pc) =	sbr.rel @p0 .LBB2_2-.Ltmp4, $4  }
0x12d: {  	s30 =	sadd.s32 s6, s8;
	[tilespmem:s7+$0x1A070] =	vst v63  }
0x12e: {  	[hbm4b:s30+s3] =	stream.linear.scatter [tilespmem:s24], [sflag:$0x8], $0x3200, $0x38;
	[tilespmem:$0x1D400] =	vst v63  }
0x12f: {  	s7 =	sadd.s32 $0x680, s30  }
0x130: {  	[hbm4b:s7+s3] =	stream.linear.scatter [tilespmem:s25], [sflag:$0x8], $0x3200, $0x38;
	[tilespmem:$0x1D400] =	vst v63  }
0x131: {  	s7 =	simm.s32 $0x5  }
0x132: {  	_ =	swait.ge [sflag:s7], $0x6400  }
0x133: {  	[sflag:s7] =	ssyncset.done $0x0  }
0x134: {  	[sflag:s7] =	ssyncadd.s32 $0xFFFF9C00  }
0x135: {  	_ =	swait.ge [sflag:s31], $0x6400  }
0x136: {  	[sflag:s31] =	ssyncset.done $0x0  }
0x137: {  	[sflag:s31] =	ssyncadd.s32 $0xFFFF9C00  }
0x138: {  	_ =	swait.ge [sflag:s1], $0x6400  }
0x139: {  	[sflag:s1] =	ssyncset.done $0x0  }
0x13a: {  	[sflag:s1] =	ssyncadd.s32 $0xFFFF9C00  }
0x13b: {  	_ =	swait.ge [sflag:s0], $0x6400  }
0x13c: {  	s2 =	sadd.s32 $0x1, s2;
	s30 =	rddreg [dreg:$0x5]  }
0x13d: {  	p0 =	sne.s32 s2, s30  }
.Ltmp5:
0x13e: {  	_ = 	snop;
	(pc) =	sbr.rel @p0 .LBB2_1-.Ltmp5, $3  }
0x13f: {  	_ =	sdelay $0x1  }
0x140: {  	[sflag:s0] =	ssyncset.done $0x0  }
0x141: {  	[sflag:s0] =	ssyncadd.s32 $0xFFFF9C00  }
0x142: {  	_ =	sfence.sel $0x180000  }
0x143: {  	[bflag:$0x0] =	sbarrier.arrive $0xFFFF  }
0x144: {  	_ =	strace $0x90000047  }
0x145: {  	s0 =	stileid.u32;
	[bflag:$0x2] =	sbarrier.arrive $0xFFFF  }
0x146: {  	p0 =	sne.s32 s0, $0x0;
	s0 =	rddreg [dreg:$0x2]  }
0x147: {  	s0 =	sadd.s32 @!p0 $0x100000, s0  }
0x148: {  	[sflag:s0] =	ssyncadd.tile.s32 @!p0 $0x1;
	_ =	shalt  }
.Lfunc_end2:
_tile_overlayer_lowered:
.L_overlay_start_2:
0x149: {  	(tag) =	ssettag $0x2  }
0x14a: {  	s0 =	rddreg [dreg:$0x0];
	s2 =	stileid.u32  }
0x14b: {  	s1 =	rddreg [dreg:$0x1];
	p0 =	sne.s32 s2, $0x0  }
0x14c: {  	s3 =	rddreg [dreg:$0x2];
	[bflag:$0x3] =	sbarrier.arrive $0xFFFF;
	s2 =	simm.s32 @!p0 $0x1C09  }
0x14d: {  	[timem:s3], [sflag:s2] =	dma.local @!p0 [hbm:s0], s1  }
0x14e: {  	s0 =	simm.s32 @!p0 $0x9  }
0x14f: {  	_ =	swait.ge @!p0 [sflag:s0], s1  }
0x150: {  	s1 =	ssub.s32 @!p0 $0x0, s1;
	[sflag:s0] =	ssyncset.done @!p0 $0x0  }
0x151: {  	[sflag:s0] =	ssyncadd.s32 @!p0 s1  }
0x152: {  	[bflag:$0x3] =	sbarrier.arrive $0xFFFF  }
0x153: {  	_ =	shalt  }

</sc_bundles>
